<compile_context>
chip_gen: v7x
topology: tpu7x:2x2x1
jax: 0.10.2.dev20260603
libtpu: 0.0.44.dev20260713+nightly
codegen_flags: <defaults>
</compile_context>

<pallas_src>
import functools

import jax
import jax.numpy as jnp
from jax import lax
from jax.experimental import pallas as pl
from jax.experimental.pallas import tpu as pltpu
from jax.experimental.pallas import tpu_sc as plsc

_S = 50
_SB = 10
_NSB = _S // _SB
_L = 128
_Q = 4
_I = 8
_D = 32
_CH = _L * _SB


@functools.lru_cache(maxsize=None)
def _build(NB: int, V: int):
    B = NB * _S
    info = plsc.get_sparse_core_info()
    NC, NS = info.num_cores, info.num_subcores
    NW = NC * NS
    J = NB // _L
    JW = J // NW
    b_per_w = B // NW
    SB = 5
    CH = _L * SB
    NCH = JW * (_S // SB)

    mesh = plsc.VectorSubcoreMesh(core_axis_name="c", subcore_axis_name="s")

    @functools.partial(
        pl.kernel,
        mesh=mesh,
        out_type=jax.ShapeDtypeStruct((_S, _Q, J, _I, _L), jnp.float32),
        scratch_types=[
            pltpu.VMEM((b_per_w,), jnp.int32),
            pltpu.VMEM((CH,), jnp.int32),
            pltpu.VMEM((CH,), jnp.int32),
            pltpu.VMEM((CH, _D), jnp.float32),
            pltpu.VMEM((CH, _D), jnp.float32),
            pltpu.VMEM((SB, _Q, 1, _I, _L + 1), jnp.float32),
            pltpu.VMEM((SB, _Q, 1, _I, _L + 1), jnp.float32),
            pltpu.SemaphoreType.DMA,
            pltpu.SemaphoreType.DMA,
            pltpu.SemaphoreType.DMA,
            pltpu.SemaphoreType.DMA,
        ],
        compiler_params=pltpu.CompilerParams(
            use_tc_tiling_on_sc=False, needs_layout_passes=False),
    )
    def gather_kernel(idx_hbm, table_hbm, out_hbm, idx_all, ic_a, ic_b,
                      r_a, r_b, ot_a, ot_b, g_a, g_b, o_a, o_b):
        wid = lax.axis_index("s") * NC + lax.axis_index("c")
        base = wid * b_per_w
        pltpu.sync_copy(idx_hbm.at[pl.ds(base, b_per_w)], idx_all)

        iota = lax.iota(jnp.int32, 16)
        iota_sb = iota * SB
        iota_s = iota * _S
        vzero = lax.broadcast(jnp.int32(0), (16,))

        def idx_build(cidx, ic):
            jj = lax.bitwise_and(cidx, JW - 1)
            sb = lax.shift_right_logical(cidx, 2)
            cbase = jj * _L * _S + sb * SB
            for ss in range(SB):
                for bg in range(_L // 16):
                    vpos = iota_s + (cbase + bg * 16 * _S + ss)
                    vals = plsc.load_gather(idx_all, [vpos])
                    vdst = iota_sb + (bg * 16 * SB + ss)
                    plsc.store_scatter(ic, [vdst], vals)

        def gather(ic, r, sem):
            return pltpu.make_async_copy(table_hbm.at[ic], r, sem)

        def transpose(r, ot):
            @pl.loop(0, _L)
            def _(bb):
                vbb = lax.broadcast(bb, (16,))
                for ss in range(SB):
                    k = bb * SB + ss
                    vss = lax.broadcast(jnp.int32(ss), (16,))
                    for cg in range(_D // 16):
                        vals = r[k, pl.ds(cg * 16, 16)]
                        vc = iota + cg * 16
                        vq = lax.shift_right_logical(vc, 3)
                        vi = lax.bitwise_and(vc, 7)
                        plsc.store_scatter(
                            ot, [vss, vq, vzero, vi, vbb], vals)

        def out_dma(cidx, ot, sem):
            jj = lax.bitwise_and(cidx, JW - 1)
            sb = lax.shift_right_logical(cidx, 2)
            return pltpu.make_async_copy(
                ot.at[:, :, :, :, pl.ds(0, _L)],
                out_hbm.at[pl.ds(sb * SB, SB), :,
                           pl.ds(wid * JW + jj, 1), :, :], sem)

        idx_build(0, ic_a)
        gather(ic_a, r_a, g_a).start()

        @pl.loop(0, NCH, step=2)
        def _(i):
            idx_build(i + 1, ic_b)
            gather(ic_b, r_b, g_b).start()
            gather(ic_a, r_a, g_a).wait()

            @pl.when(i > 0)
            def _():
                out_dma(i - 2, ot_a, o_a).wait()
            transpose(r_a, ot_a)
            out_dma(i, ot_a, o_a).start()

            gather(ic_b, r_b, g_b).wait()

            @pl.when(i + 2 < NCH)
            def _():
                idx_build(i + 2, ic_a)
                gather(ic_a, r_a, g_a).start()

            @pl.when(i > 0)
            def _():
                out_dma(i - 1, ot_b, o_b).wait()
            transpose(r_b, ot_b)
            out_dma(i + 1, ot_b, o_b).start()

        out_dma(NCH - 2, ot_a, o_a).wait()
        out_dma(NCH - 1, ot_b, o_b).wait()

    return gather_kernel


def kernel(x, weight):
    NB, S = x.shape
    V, D = weight.shape
    flat = x.reshape(NB * S).astype(jnp.int32)
    out5 = _build(NB, V)(flat, weight)
    return jnp.transpose(out5, (2, 4, 0, 1, 3)).reshape(NB, S, D)

# --- scband reference (transcript-rebuilt; emitter-appended) ---
"""Pipeline reference for scband-embedding-18700287607509 (READ-ONLY COPY).

The authoritative reference and input builder live on the scoring server;
editing this copy changes nothing except your own understanding.
"""

import jax, jax.numpy as jnp
import numpy as np

NUM_EMBEDDINGS = 1000000
EMBEDDING_DIM = 32

def setup_inputs(seed: int = 0) -> dict:
    key = jax.random.key(seed)
    k1, k2 = jax.random.split(key)
    x = jax.random.randint(k1, (16384, 50), 0, NUM_EMBEDDINGS, dtype=jnp.int64 if jax.config.jax_enable_x64 else jnp.int32)
    weight = jax.random.normal(k2, (NUM_EMBEDDINGS, EMBEDDING_DIM), dtype=jnp.float32)
    return {"x": x, "weight": weight}

def reference(x, weight):
    # nn.Embedding forward: simple row gather from the embedding table
    return jnp.take(weight, x, axis=0)

if __name__ == "__main__":
    import jax
    _d = setup_inputs()
    print(jax.jit(kernel)(*tuple(_d.values())))

</pallas_src>

<mosaic_0001>
#map = affine_map<(d0, d1) -> (0)>
#map1 = affine_map<(d0, d1) -> (0, 0)>
#map2 = affine_map<(d0, d1) -> (0, 0, 0, 0, 0)>
module attributes {stable_mosaic.version = 14 : i64} {
  func.func @gather_kernel(%arg0: i32, %arg1: i32, %arg2: memref<819200xi32, #tpu.memory_space<hbm>>, %arg3: memref<1000000x32xf32, #tpu.memory_space<hbm>>, %arg4: memref<50x4x128x8x128xf32, #tpu.memory_space<hbm>>, %arg5: memref<25600xi32, #tpu.memory_space<vmem>>, %arg6: memref<640xi32, #tpu.memory_space<vmem>>, %arg7: memref<640xi32, #tpu.memory_space<vmem>>, %arg8: memref<640x32xf32, #tpu.memory_space<vmem>>, %arg9: memref<640x32xf32, #tpu.memory_space<vmem>>, %arg10: memref<5x4x1x8x129xf32, #tpu.memory_space<vmem>>, %arg11: memref<5x4x1x8x129xf32, #tpu.memory_space<vmem>>, %arg12: memref<!tpu.dma_semaphore, #tpu.memory_space<semaphore_mem>>, %arg13: memref<!tpu.dma_semaphore, #tpu.memory_space<semaphore_mem>>, %arg14: memref<!tpu.dma_semaphore, #tpu.memory_space<semaphore_mem>>, %arg15: memref<!tpu.dma_semaphore, #tpu.memory_space<semaphore_mem>>) attributes {dimension_semantics = [#tpu.dimension_semantics<core_parallel>, #tpu.dimension_semantics<subcore_parallel>], iteration_bounds = array<i64: 2, 16>, scalar_prefetch = 0 : i64, scratch_operands = 11 : i64, tpu.core_type = #tpu.core_type<sc_vector_subcore>, window_params = [{transform_indices = #map}, {transform_indices = #map1}, {transform_indices = #map2}]} {
    %mul3A = arith.constant 2 : i32
    %mul3A_0 = arith.muli %arg1, %mul3A : i32
    %add3A = arith.addi %mul3A_0, %arg0 : i32
    %mul3A_1 = arith.constant 25600 : i32
    %mul3A_2 = arith.muli %add3A, %mul3A_1 : i32
    "tpu.region"() ({
      %run_scoped3A = tpu.sem_alloc : memref<!tpu.dma_semaphore, #tpu.memory_space<semaphore_mem>>
      %dma_start3A_487 = tpu.memref_slice %arg2[%mul3A_2] : memref<819200xi32, #tpu.memory_space<hbm>> -> memref<25600xi32, #tpu.memory_space<hbm>>
      %dma_start3A_488 = tpu.memref_slice %arg2[%mul3A_2] : memref<819200xi32, #tpu.memory_space<hbm>> -> memref<25600xi32, #tpu.memory_space<hbm>>
      tpu.enqueue_dma source(%dma_start3A_488 : memref<25600xi32, #tpu.memory_space<hbm>>) target(%arg5 : memref<25600xi32, #tpu.memory_space<vmem>>) target_semaphore(%run_scoped3A : memref<!tpu.dma_semaphore, #tpu.memory_space<semaphore_mem>>)
      %dma_wait3A_489 = tpu.memref_slice %arg2[%mul3A_2] : memref<819200xi32, #tpu.memory_space<hbm>> -> memref<25600xi32, #tpu.memory_space<hbm>>
      %dma_wait3A_490 = tpu.memref_slice %arg2[%mul3A_2] : memref<819200xi32, #tpu.memory_space<hbm>> -> memref<25600xi32, #tpu.memory_space<hbm>>
      tpu.wait_dma2 semaphore(%run_scoped3A : memref<!tpu.dma_semaphore, #tpu.memory_space<semaphore_mem>>) src(%dma_wait3A_490 : memref<25600xi32, #tpu.memory_space<hbm>>) dst(%arg5 : memref<25600xi32, #tpu.memory_space<vmem>>)
      tpu.yield
    }) : () -> ()
    %iota3A = tpu.iota {dimensions = array<i32: 0>} : vector<16xi32>
    %mul3A_3 = arith.constant 5 : i32
    %mul3A_4 = vector.broadcast %mul3A_3 : i32 to vector<16xi32>
    %mul3A_5 = arith.muli %iota3A, %mul3A_4 : vector<16xi32>
    %mul3A_6 = arith.constant 50 : i32
    %mul3A_7 = vector.broadcast %mul3A_6 : i32 to vector<16xi32>
    %mul3A_8 = arith.muli %iota3A, %mul3A_7 : vector<16xi32>
    %broadcast_in_dim3A = arith.constant 0 : i32
    %broadcast_in_dim3A_9 = vector.broadcast %broadcast_in_dim3A : i32 to vector<16xi32>
    %and3A = arith.constant 0 : i32
    %and3A_10 = arith.constant 3 : i32
    %and3A_11 = arith.andi %and3A, %and3A_10 : i32
    %shift_right_logical3A = arith.constant 0 : i32
    %shift_right_logical3A_12 = arith.constant 2 : i32
    %shift_right_logical3A_13 = arith.shrui %shift_right_logical3A, %shift_right_logical3A_12 : i32
    %mul3A_14 = arith.constant 128 : i32
    %mul3A_15 = arith.muli %and3A_11, %mul3A_14 : i32
    %mul3A_16 = arith.constant 50 : i32
    %mul3A_17 = arith.muli %mul3A_15, %mul3A_16 : i32
    %mul3A_18 = arith.constant 5 : i32
    %mul3A_19 = arith.muli %shift_right_logical3A_13, %mul3A_18 : i32
    %add3A_20 = arith.addi %mul3A_17, %mul3A_19 : i32
    %add3A_21 = arith.constant 0 : i32
    %add3A_22 = arith.addi %add3A_20, %add3A_21 : i32
    %add3A_23 = arith.constant 0 : i32
    %add3A_24 = arith.addi %add3A_22, %add3A_23 : i32
    %add3A_25 = vector.broadcast %add3A_24 : i32 to vector<16xi32>
    %add3A_26 = arith.addi %mul3A_8, %add3A_25 : vector<16xi32>
    %gather3A = tpu.vector_load_idx %arg5[%add3A_26] : memref<25600xi32, #tpu.memory_space<vmem>>[vector<16xi32>], vector<16xi32>,
    %add3A_27 = arith.constant 0 : i32
    %add3A_28 = vector.broadcast %add3A_27 : i32 to vector<16xi32>
    %add3A_29 = arith.addi %mul3A_5, %add3A_28 : vector<16xi32>
    tpu.vector_store_idx %arg6[%add3A_29], %gather3A : memref<640xi32, #tpu.memory_space<vmem>>[vector<16xi32>], vector<16xi32>,
    %add3A_30 = arith.constant 800 : i32
    %add3A_31 = arith.addi %add3A_20, %add3A_30 : i32
    %add3A_32 = arith.constant 0 : i32
    %add3A_33 = arith.addi %add3A_31, %add3A_32 : i32
    %add3A_34 = vector.broadcast %add3A_33 : i32 to vector<16xi32>
    %add3A_35 = arith.addi %mul3A_8, %add3A_34 : vector<16xi32>
    %gather3A_36 = tpu.vector_load_idx %arg5[%add3A_35] : memref<25600xi32, #tpu.memory_space<vmem>>[vector<16xi32>], vector<16xi32>,
    %add3A_37 = arith.constant 80 : i32
    %add3A_38 = vector.broadcast %add3A_37 : i32 to vector<16xi32>
    %add3A_39 = arith.addi %mul3A_5, %add3A_38 : vector<16xi32>
    tpu.vector_store_idx %arg6[%add3A_39], %gather3A_36 : memref<640xi32, #tpu.memory_space<vmem>>[vector<16xi32>], vector<16xi32>,
    %add3A_40 = arith.constant 1600 : i32
    %add3A_41 = arith.addi %add3A_20, %add3A_40 : i32
    %add3A_42 = arith.constant 0 : i32
    %add3A_43 = arith.addi %add3A_41, %add3A_42 : i32
    %add3A_44 = vector.broadcast %add3A_43 : i32 to vector<16xi32>
    %add3A_45 = arith.addi %mul3A_8, %add3A_44 : vector<16xi32>
    %gather3A_46 = tpu.vector_load_idx %arg5[%add3A_45] : memref<25600xi32, #tpu.memory_space<vmem>>[vector<16xi32>], vector<16xi32>,
    %add3A_47 = arith.constant 160 : i32
    %add3A_48 = vector.broadcast %add3A_47 : i32 to vector<16xi32>
    %add3A_49 = arith.addi %mul3A_5, %add3A_48 : vector<16xi32>
    tpu.vector_store_idx %arg6[%add3A_49], %gather3A_46 : memref<640xi32, #tpu.memory_space<vmem>>[vector<16xi32>], vector<16xi32>,
    %add3A_50 = arith.constant 2400 : i32
    %add3A_51 = arith.addi %add3A_20, %add3A_50 : i32
    %add3A_52 = arith.constant 0 : i32
    %add3A_53 = arith.addi %add3A_51, %add3A_52 : i32
    %add3A_54 = vector.broadcast %add3A_53 : i32 to vector<16xi32>
    %add3A_55 = arith.addi %mul3A_8, %add3A_54 : vector<16xi32>
    %gather3A_56 = tpu.vector_load_idx %arg5[%add3A_55] : memref<25600xi32, #tpu.memory_space<vmem>>[vector<16xi32>], vector<16xi32>,
    %add3A_57 = arith.constant 240 : i32
    %add3A_58 = vector.broadcast %add3A_57 : i32 to vector<16xi32>
    %add3A_59 = arith.addi %mul3A_5, %add3A_58 : vector<16xi32>
    tpu.vector_store_idx %arg6[%add3A_59], %gather3A_56 : memref<640xi32, #tpu.memory_space<vmem>>[vector<16xi32>], vector<16xi32>,
    %add3A_60 = arith.constant 3200 : i32
    %add3A_61 = arith.addi %add3A_20, %add3A_60 : i32
    %add3A_62 = arith.constant 0 : i32
    %add3A_63 = arith.addi %add3A_61, %add3A_62 : i32
    %add3A_64 = vector.broadcast %add3A_63 : i32 to vector<16xi32>
    %add3A_65 = arith.addi %mul3A_8, %add3A_64 : vector<16xi32>
    %gather3A_66 = tpu.vector_load_idx %arg5[%add3A_65] : memref<25600xi32, #tpu.memory_space<vmem>>[vector<16xi32>], vector<16xi32>,
    %add3A_67 = arith.constant 320 : i32
    %add3A_68 = vector.broadcast %add3A_67 : i32 to vector<16xi32>
    %add3A_69 = arith.addi %mul3A_5, %add3A_68 : vector<16xi32>
    tpu.vector_store_idx %arg6[%add3A_69], %gather3A_66 : memref<640xi32, #tpu.memory_space<vmem>>[vector<16xi32>], vector<16xi32>,
    %add3A_70 = arith.constant 4000 : i32
    %add3A_71 = arith.addi %add3A_20, %add3A_70 : i32
    %add3A_72 = arith.constant 0 : i32
    %add3A_73 = arith.addi %add3A_71, %add3A_72 : i32
    %add3A_74 = vector.broadcast %add3A_73 : i32 to vector<16xi32>
    %add3A_75 = arith.addi %mul3A_8, %add3A_74 : vector<16xi32>
    %gather3A_76 = tpu.vector_load_idx %arg5[%add3A_75] : memref<25600xi32, #tpu.memory_space<vmem>>[vector<16xi32>], vector<16xi32>,
    %add3A_77 = arith.constant 400 : i32
    %add3A_78 = vector.broadcast %add3A_77 : i32 to vector<16xi32>
    %add3A_79 = arith.addi %mul3A_5, %add3A_78 : vector<16xi32>
    tpu.vector_store_idx %arg6[%add3A_79], %gather3A_76 : memref<640xi32, #tpu.memory_space<vmem>>[vector<16xi32>], vector<16xi32>,
    %add3A_80 = arith.constant 4800 : i32
    %add3A_81 = arith.addi %add3A_20, %add3A_80 : i32
    %add3A_82 = arith.constant 0 : i32
    %add3A_83 = arith.addi %add3A_81, %add3A_82 : i32
    %add3A_84 = vector.broadcast %add3A_83 : i32 to vector<16xi32>
    %add3A_85 = arith.addi %mul3A_8, %add3A_84 : vector<16xi32>
    %gather3A_86 = tpu.vector_load_idx %arg5[%add3A_85] : memref<25600xi32, #tpu.memory_space<vmem>>[vector<16xi32>], vector<16xi32>,
    %add3A_87 = arith.constant 480 : i32
    %add3A_88 = vector.broadcast %add3A_87 : i32 to vector<16xi32>
    %add3A_89 = arith.addi %mul3A_5, %add3A_88 : vector<16xi32>
    tpu.vector_store_idx %arg6[%add3A_89], %gather3A_86 : memref<640xi32, #tpu.memory_space<vmem>>[vector<16xi32>], vector<16xi32>,
    %add3A_90 = arith.constant 5600 : i32
    %add3A_91 = arith.addi %add3A_20, %add3A_90 : i32
    %add3A_92 = arith.constant 0 : i32
    %add3A_93 = arith.addi %add3A_91, %add3A_92 : i32
    %add3A_94 = vector.broadcast %add3A_93 : i32 to vector<16xi32>
    %add3A_95 = arith.addi %mul3A_8, %add3A_94 : vector<16xi32>
    %gather3A_96 = tpu.vector_load_idx %arg5[%add3A_95] : memref<25600xi32, #tpu.memory_space<vmem>>[vector<16xi32>], vector<16xi32>,
    %add3A_97 = arith.constant 560 : i32
    %add3A_98 = vector.broadcast %add3A_97 : i32 to vector<16xi32>
    %add3A_99 = arith.addi %mul3A_5, %add3A_98 : vector<16xi32>
    tpu.vector_store_idx %arg6[%add3A_99], %gather3A_96 : memref<640xi32, #tpu.memory_space<vmem>>[vector<16xi32>], vector<16xi32>,
    %add3A_100 = arith.constant 0 : i32
    %add3A_101 = arith.addi %add3A_20, %add3A_100 : i32
    %add3A_102 = arith.constant 1 : i32
    %add3A_103 = arith.addi %add3A_101, %add3A_102 : i32
    %add3A_104 = vector.broadcast %add3A_103 : i32 to vector<16xi32>
    %add3A_105 = arith.addi %mul3A_8, %add3A_104 : vector<16xi32>
    %gather3A_106 = tpu.vector_load_idx %arg5[%add3A_105] : memref<25600xi32, #tpu.memory_space<vmem>>[vector<16xi32>], vector<16xi32>,
    %add3A_107 = arith.constant 1 : i32
    %add3A_108 = vector.broadcast %add3A_107 : i32 to vector<16xi32>
    %add3A_109 = arith.addi %mul3A_5, %add3A_108 : vector<16xi32>
    tpu.vector_store_idx %arg6[%add3A_109], %gather3A_106 : memref<640xi32, #tpu.memory_space<vmem>>[vector<16xi32>], vector<16xi32>,
    %add3A_110 = arith.constant 800 : i32
    %add3A_111 = arith.addi %add3A_20, %add3A_110 : i32
    %add3A_112 = arith.constant 1 : i32
    %add3A_113 = arith.addi %add3A_111, %add3A_112 : i32
    %add3A_114 = vector.broadcast %add3A_113 : i32 to vector<16xi32>
    %add3A_115 = arith.addi %mul3A_8, %add3A_114 : vector<16xi32>
    %gather3A_116 = tpu.vector_load_idx %arg5[%add3A_115] : memref<25600xi32, #tpu.memory_space<vmem>>[vector<16xi32>], vector<16xi32>,
    %add3A_117 = arith.constant 81 : i32
    %add3A_118 = vector.broadcast %add3A_117 : i32 to vector<16xi32>
    %add3A_119 = arith.addi %mul3A_5, %add3A_118 : vector<16xi32>
    tpu.vector_store_idx %arg6[%add3A_119], %gather3A_116 : memref<640xi32, #tpu.memory_space<vmem>>[vector<16xi32>], vector<16xi32>,
    %add3A_120 = arith.constant 1600 : i32
    %add3A_121 = arith.addi %add3A_20, %add3A_120 : i32
    %add3A_122 = arith.constant 1 : i32
    %add3A_123 = arith.addi %add3A_121, %add3A_122 : i32
    %add3A_124 = vector.broadcast %add3A_123 : i32 to vector<16xi32>
    %add3A_125 = arith.addi %mul3A_8, %add3A_124 : vector<16xi32>
    %gather3A_126 = tpu.vector_load_idx %arg5[%add3A_125] : memref<25600xi32, #tpu.memory_space<vmem>>[vector<16xi32>], vector<16xi32>,
    %add3A_127 = arith.constant 161 : i32
    %add3A_128 = vector.broadcast %add3A_127 : i32 to vector<16xi32>
    %add3A_129 = arith.addi %mul3A_5, %add3A_128 : vector<16xi32>
    tpu.vector_store_idx %arg6[%add3A_129], %gather3A_126 : memref<640xi32, #tpu.memory_space<vmem>>[vector<16xi32>], vector<16xi32>,
    %add3A_130 = arith.constant 2400 : i32
    %add3A_131 = arith.addi %add3A_20, %add3A_130 : i32
    %add3A_132 = arith.constant 1 : i32
    %add3A_133 = arith.addi %add3A_131, %add3A_132 : i32
    %add3A_134 = vector.broadcast %add3A_133 : i32 to vector<16xi32>
    %add3A_135 = arith.addi %mul3A_8, %add3A_134 : vector<16xi32>
    %gather3A_136 = tpu.vector_load_idx %arg5[%add3A_135] : memref<25600xi32, #tpu.memory_space<vmem>>[vector<16xi32>], vector<16xi32>,
    %add3A_137 = arith.constant 241 : i32
    %add3A_138 = vector.broadcast %add3A_137 : i32 to vector<16xi32>
    %add3A_139 = arith.addi %mul3A_5, %add3A_138 : vector<16xi32>
    tpu.vector_store_idx %arg6[%add3A_139], %gather3A_136 : memref<640xi32, #tpu.memory_space<vmem>>[vector<16xi32>], vector<16xi32>,
    %add3A_140 = arith.constant 3200 : i32
    %add3A_141 = arith.addi %add3A_20, %add3A_140 : i32
    %add3A_142 = arith.constant 1 : i32
    %add3A_143 = arith.addi %add3A_141, %add3A_142 : i32
    %add3A_144 = vector.broadcast %add3A_143 : i32 to vector<16xi32>
    %add3A_145 = arith.addi %mul3A_8, %add3A_144 : vector<16xi32>
    %gather3A_146 = tpu.vector_load_idx %arg5[%add3A_145] : memref<25600xi32, #tpu.memory_space<vmem>>[vector<16xi32>], vector<16xi32>,
    %add3A_147 = arith.constant 321 : i32
    %add3A_148 = vector.broadcast %add3A_147 : i32 to vector<16xi32>
    %add3A_149 = arith.addi %mul3A_5, %add3A_148 : vector<16xi32>
    tpu.vector_store_idx %arg6[%add3A_149], %gather3A_146 : memref<640xi32, #tpu.memory_space<vmem>>[vector<16xi32>], vector<16xi32>,
    %add3A_150 = arith.constant 4000 : i32
    %add3A_151 = arith.addi %add3A_20, %add3A_150 : i32
    %add3A_152 = arith.constant 1 : i32
    %add3A_153 = arith.addi %add3A_151, %add3A_152 : i32
    %add3A_154 = vector.broadcast %add3A_153 : i32 to vector<16xi32>
    %add3A_155 = arith.addi %mul3A_8, %add3A_154 : vector<16xi32>
    %gather3A_156 = tpu.vector_load_idx %arg5[%add3A_155] : memref<25600xi32, #tpu.memory_space<vmem>>[vector<16xi32>], vector<16xi32>,
    %add3A_157 = arith.constant 401 : i32
    %add3A_158 = vector.broadcast %add3A_157 : i32 to vector<16xi32>
    %add3A_159 = arith.addi %mul3A_5, %add3A_158 : vector<16xi32>
    tpu.vector_store_idx %arg6[%add3A_159], %gather3A_156 : memref<640xi32, #tpu.memory_space<vmem>>[vector<16xi32>], vector<16xi32>,
    %add3A_160 = arith.constant 4800 : i32
    %add3A_161 = arith.addi %add3A_20, %add3A_160 : i32
    %add3A_162 = arith.constant 1 : i32
    %add3A_163 = arith.addi %add3A_161, %add3A_162 : i32
    %add3A_164 = vector.broadcast %add3A_163 : i32 to vector<16xi32>
    %add3A_165 = arith.addi %mul3A_8, %add3A_164 : vector<16xi32>
    %gather3A_166 = tpu.vector_load_idx %arg5[%add3A_165] : memref<25600xi32, #tpu.memory_space<vmem>>[vector<16xi32>], vector<16xi32>,
    %add3A_167 = arith.constant 481 : i32
    %add3A_168 = vector.broadcast %add3A_167 : i32 to vector<16xi32>
    %add3A_169 = arith.addi %mul3A_5, %add3A_168 : vector<16xi32>
    tpu.vector_store_idx %arg6[%add3A_169], %gather3A_166 : memref<640xi32, #tpu.memory_space<vmem>>[vector<16xi32>], vector<16xi32>,
    %add3A_170 = arith.constant 5600 : i32
    %add3A_171 = arith.addi %add3A_20, %add3A_170 : i32
    %add3A_172 = arith.constant 1 : i32
    %add3A_173 = arith.addi %add3A_171, %add3A_172 : i32
    %add3A_174 = vector.broadcast %add3A_173 : i32 to vector<16xi32>
    %add3A_175 = arith.addi %mul3A_8, %add3A_174 : vector<16xi32>
    %gather3A_176 = tpu.vector_load_idx %arg5[%add3A_175] : memref<25600xi32, #tpu.memory_space<vmem>>[vector<16xi32>], vector<16xi32>,
    %add3A_177 = arith.constant 561 : i32
    %add3A_178 = vector.broadcast %add3A_177 : i32 to vector<16xi32>
    %add3A_179 = arith.addi %mul3A_5, %add3A_178 : vector<16xi32>
    tpu.vector_store_idx %arg6[%add3A_179], %gather3A_176 : memref<640xi32, #tpu.memory_space<vmem>>[vector<16xi32>], vector<16xi32>,
    %add3A_180 = arith.constant 0 : i32
    %add3A_181 = arith.addi %add3A_20, %add3A_180 : i32
    %add3A_182 = arith.constant 2 : i32
    %add3A_183 = arith.addi %add3A_181, %add3A_182 : i32
    %add3A_184 = vector.broadcast %add3A_183 : i32 to vector<16xi32>
    %add3A_185 = arith.addi %mul3A_8, %add3A_184 : vector<16xi32>
    %gather3A_186 = tpu.vector_load_idx %arg5[%add3A_185] : memref<25600xi32, #tpu.memory_space<vmem>>[vector<16xi32>], vector<16xi32>,
    %add3A_187 = arith.constant 2 : i32
    %add3A_188 = vector.broadcast %add3A_187 : i32 to vector<16xi32>
    %add3A_189 = arith.addi %mul3A_5, %add3A_188 : vector<16xi32>
    tpu.vector_store_idx %arg6[%add3A_189], %gather3A_186 : memref<640xi32, #tpu.memory_space<vmem>>[vector<16xi32>], vector<16xi32>,
    %add3A_190 = arith.constant 800 : i32
    %add3A_191 = arith.addi %add3A_20, %add3A_190 : i32
    %add3A_192 = arith.constant 2 : i32
    %add3A_193 = arith.addi %add3A_191, %add3A_192 : i32
    %add3A_194 = vector.broadcast %add3A_193 : i32 to vector<16xi32>
    %add3A_195 = arith.addi %mul3A_8, %add3A_194 : vector<16xi32>
    %gather3A_196 = tpu.vector_load_idx %arg5[%add3A_195] : memref<25600xi32, #tpu.memory_space<vmem>>[vector<16xi32>], vector<16xi32>,
    %add3A_197 = arith.constant 82 : i32
    %add3A_198 = vector.broadcast %add3A_197 : i32 to vector<16xi32>
    %add3A_199 = arith.addi %mul3A_5, %add3A_198 : vector<16xi32>
    tpu.vector_store_idx %arg6[%add3A_199], %gather3A_196 : memref<640xi32, #tpu.memory_space<vmem>>[vector<16xi32>], vector<16xi32>,
    %add3A_200 = arith.constant 1600 : i32
    %add3A_201 = arith.addi %add3A_20, %add3A_200 : i32
    %add3A_202 = arith.constant 2 : i32
    %add3A_203 = arith.addi %add3A_201, %add3A_202 : i32
    %add3A_204 = vector.broadcast %add3A_203 : i32 to vector<16xi32>
    %add3A_205 = arith.addi %mul3A_8, %add3A_204 : vector<16xi32>
    %gather3A_206 = tpu.vector_load_idx %arg5[%add3A_205] : memref<25600xi32, #tpu.memory_space<vmem>>[vector<16xi32>], vector<16xi32>,
    %add3A_207 = arith.constant 162 : i32
    %add3A_208 = vector.broadcast %add3A_207 : i32 to vector<16xi32>
    %add3A_209 = arith.addi %mul3A_5, %add3A_208 : vector<16xi32>
    tpu.vector_store_idx %arg6[%add3A_209], %gather3A_206 : memref<640xi32, #tpu.memory_space<vmem>>[vector<16xi32>], vector<16xi32>,
    %add3A_210 = arith.constant 2400 : i32
    %add3A_211 = arith.addi %add3A_20, %add3A_210 : i32
    %add3A_212 = arith.constant 2 : i32
    %add3A_213 = arith.addi %add3A_211, %add3A_212 : i32
    %add3A_214 = vector.broadcast %add3A_213 : i32 to vector<16xi32>
    %add3A_215 = arith.addi %mul3A_8, %add3A_214 : vector<16xi32>
    %gather3A_216 = tpu.vector_load_idx %arg5[%add3A_215] : memref<25600xi32, #tpu.memory_space<vmem>>[vector<16xi32>], vector<16xi32>,
    %add3A_217 = arith.constant 242 : i32
    %add3A_218 = vector.broadcast %add3A_217 : i32 to vector<16xi32>
    %add3A_219 = arith.addi %mul3A_5, %add3A_218 : vector<16xi32>
    tpu.vector_store_idx %arg6[%add3A_219], %gather3A_216 : memref<640xi32, #tpu.memory_space<vmem>>[vector<16xi32>], vector<16xi32>,
    %add3A_220 = arith.constant 3200 : i32
    %add3A_221 = arith.addi %add3A_20, %add3A_220 : i32
    %add3A_222 = arith.constant 2 : i32
    %add3A_223 = arith.addi %add3A_221, %add3A_222 : i32
    %add3A_224 = vector.broadcast %add3A_223 : i32 to vector<16xi32>
    %add3A_225 = arith.addi %mul3A_8, %add3A_224 : vector<16xi32>
    %gather3A_226 = tpu.vector_load_idx %arg5[%add3A_225] : memref<25600xi32, #tpu.memory_space<vmem>>[vector<16xi32>], vector<16xi32>,
    %add3A_227 = arith.constant 322 : i32
    %add3A_228 = vector.broadcast %add3A_227 : i32 to vector<16xi32>
    %add3A_229 = arith.addi %mul3A_5, %add3A_228 : vector<16xi32>
    tpu.vector_store_idx %arg6[%add3A_229], %gather3A_226 : memref<640xi32, #tpu.memory_space<vmem>>[vector<16xi32>], vector<16xi32>,
    %add3A_230 = arith.constant 4000 : i32
    %add3A_231 = arith.addi %add3A_20, %add3A_230 : i32
    %add3A_232 = arith.constant 2 : i32
    %add3A_233 = arith.addi %add3A_231, %add3A_232 : i32
    %add3A_234 = vector.broadcast %add3A_233 : i32 to vector<16xi32>
    %add3A_235 = arith.addi %mul3A_8, %add3A_234 : vector<16xi32>
    %gather3A_236 = tpu.vector_load_idx %arg5[%add3A_235] : memref<25600xi32, #tpu.memory_space<vmem>>[vector<16xi32>], vector<16xi32>,
    %add3A_237 = arith.constant 402 : i32
    %add3A_238 = vector.broadcast %add3A_237 : i32 to vector<16xi32>
    %add3A_239 = arith.addi %mul3A_5, %add3A_238 : vector<16xi32>
    tpu.vector_store_idx %arg6[%add3A_239], %gather3A_236 : memref<640xi32, #tpu.memory_space<vmem>>[vector<16xi32>], vector<16xi32>,
    %add3A_240 = arith.constant 4800 : i32
    %add3A_241 = arith.addi %add3A_20, %add3A_240 : i32
    %add3A_242 = arith.constant 2 : i32
    %add3A_243 = arith.addi %add3A_241, %add3A_242 : i32
    %add3A_244 = vector.broadcast %add3A_243 : i32 to vector<16xi32>
    %add3A_245 = arith.addi %mul3A_8, %add3A_244 : vector<16xi32>
    %gather3A_246 = tpu.vector_load_idx %arg5[%add3A_245] : memref<25600xi32, #tpu.memory_space<vmem>>[vector<16xi32>], vector<16xi32>,
    %add3A_247 = arith.constant 482 : i32
    %add3A_248 = vector.broadcast %add3A_247 : i32 to vector<16xi32>
    %add3A_249 = arith.addi %mul3A_5, %add3A_248 : vector<16xi32>
    tpu.vector_store_idx %arg6[%add3A_249], %gather3A_246 : memref<640xi32, #tpu.memory_space<vmem>>[vector<16xi32>], vector<16xi32>,
    %add3A_250 = arith.constant 5600 : i32
    %add3A_251 = arith.addi %add3A_20, %add3A_250 : i32
    %add3A_252 = arith.constant 2 : i32
    %add3A_253 = arith.addi %add3A_251, %add3A_252 : i32
    %add3A_254 = vector.broadcast %add3A_253 : i32 to vector<16xi32>
    %add3A_255 = arith.addi %mul3A_8, %add3A_254 : vector<16xi32>
    %gather3A_256 = tpu.vector_load_idx %arg5[%add3A_255] : memref<25600xi32, #tpu.memory_space<vmem>>[vector<16xi32>], vector<16xi32>,
    %add3A_257 = arith.constant 562 : i32
    %add3A_258 = vector.broadcast %add3A_257 : i32 to vector<16xi32>
    %add3A_259 = arith.addi %mul3A_5, %add3A_258 : vector<16xi32>
    tpu.vector_store_idx %arg6[%add3A_259], %gather3A_256 : memref<640xi32, #tpu.memory_space<vmem>>[vector<16xi32>], vector<16xi32>,
    %add3A_260 = arith.constant 0 : i32
    %add3A_261 = arith.addi %add3A_20, %add3A_260 : i32
    %add3A_262 = arith.constant 3 : i32
    %add3A_263 = arith.addi %add3A_261, %add3A_262 : i32
    %add3A_264 = vector.broadcast %add3A_263 : i32 to vector<16xi32>
    %add3A_265 = arith.addi %mul3A_8, %add3A_264 : vector<16xi32>
    %gather3A_266 = tpu.vector_load_idx %arg5[%add3A_265] : memref<25600xi32, #tpu.memory_space<vmem>>[vector<16xi32>], vector<16xi32>,
    %add3A_267 = arith.constant 3 : i32
    %add3A_268 = vector.broadcast %add3A_267 : i32 to vector<16xi32>
    %add3A_269 = arith.addi %mul3A_5, %add3A_268 : vector<16xi32>
    tpu.vector_store_idx %arg6[%add3A_269], %gather3A_266 : memref<640xi32, #tpu.memory_space<vmem>>[vector<16xi32>], vector<16xi32>,
    %add3A_270 = arith.constant 800 : i32
    %add3A_271 = arith.addi %add3A_20, %add3A_270 : i32
    %add3A_272 = arith.constant 3 : i32
    %add3A_273 = arith.addi %add3A_271, %add3A_272 : i32
    %add3A_274 = vector.broadcast %add3A_273 : i32 to vector<16xi32>
    %add3A_275 = arith.addi %mul3A_8, %add3A_274 : vector<16xi32>
    %gather3A_276 = tpu.vector_load_idx %arg5[%add3A_275] : memref<25600xi32, #tpu.memory_space<vmem>>[vector<16xi32>], vector<16xi32>,
    %add3A_277 = arith.constant 83 : i32
    %add3A_278 = vector.broadcast %add3A_277 : i32 to vector<16xi32>
    %add3A_279 = arith.addi %mul3A_5, %add3A_278 : vector<16xi32>
    tpu.vector_store_idx %arg6[%add3A_279], %gather3A_276 : memref<640xi32, #tpu.memory_space<vmem>>[vector<16xi32>], vector<16xi32>,
    %add3A_280 = arith.constant 1600 : i32
    %add3A_281 = arith.addi %add3A_20, %add3A_280 : i32
    %add3A_282 = arith.constant 3 : i32
    %add3A_283 = arith.addi %add3A_281, %add3A_282 : i32
    %add3A_284 = vector.broadcast %add3A_283 : i32 to vector<16xi32>
    %add3A_285 = arith.addi %mul3A_8, %add3A_284 : vector<16xi32>
    %gather3A_286 = tpu.vector_load_idx %arg5[%add3A_285] : memref<25600xi32, #tpu.memory_space<vmem>>[vector<16xi32>], vector<16xi32>,
    %add3A_287 = arith.constant 163 : i32
    %add3A_288 = vector.broadcast %add3A_287 : i32 to vector<16xi32>
    %add3A_289 = arith.addi %mul3A_5, %add3A_288 : vector<16xi32>
    tpu.vector_store_idx %arg6[%add3A_289], %gather3A_286 : memref<640xi32, #tpu.memory_space<vmem>>[vector<16xi32>], vector<16xi32>,
    %add3A_290 = arith.constant 2400 : i32
    %add3A_291 = arith.addi %add3A_20, %add3A_290 : i32
    %add3A_292 = arith.constant 3 : i32
    %add3A_293 = arith.addi %add3A_291, %add3A_292 : i32
    %add3A_294 = vector.broadcast %add3A_293 : i32 to vector<16xi32>
    %add3A_295 = arith.addi %mul3A_8, %add3A_294 : vector<16xi32>
    %gather3A_296 = tpu.vector_load_idx %arg5[%add3A_295] : memref<25600xi32, #tpu.memory_space<vmem>>[vector<16xi32>], vector<16xi32>,
    %add3A_297 = arith.constant 243 : i32
    %add3A_298 = vector.broadcast %add3A_297 : i32 to vector<16xi32>
    %add3A_299 = arith.addi %mul3A_5, %add3A_298 : vector<16xi32>
    tpu.vector_store_idx %arg6[%add3A_299], %gather3A_296 : memref<640xi32, #tpu.memory_space<vmem>>[vector<16xi32>], vector<16xi32>,
    %add3A_300 = arith.constant 3200 : i32
    %add3A_301 = arith.addi %add3A_20, %add3A_300 : i32
    %add3A_302 = arith.constant 3 : i32
    %add3A_303 = arith.addi %add3A_301, %add3A_302 : i32
    %add3A_304 = vector.broadcast %add3A_303 : i32 to vector<16xi32>
    %add3A_305 = arith.addi %mul3A_8, %add3A_304 : vector<16xi32>
    %gather3A_306 = tpu.vector_load_idx %arg5[%add3A_305] : memref<25600xi32, #tpu.memory_space<vmem>>[vector<16xi32>], vector<16xi32>,
    %add3A_307 = arith.constant 323 : i32
    %add3A_308 = vector.broadcast %add3A_307 : i32 to vector<16xi32>
    %add3A_309 = arith.addi %mul3A_5, %add3A_308 : vector<16xi32>
    tpu.vector_store_idx %arg6[%add3A_309], %gather3A_306 : memref<640xi32, #tpu.memory_space<vmem>>[vector<16xi32>], vector<16xi32>,
    %add3A_310 = arith.constant 4000 : i32
    %add3A_311 = arith.addi %add3A_20, %add3A_310 : i32
    %add3A_312 = arith.constant 3 : i32
    %add3A_313 = arith.addi %add3A_311, %add3A_312 : i32
    %add3A_314 = vector.broadcast %add3A_313 : i32 to vector<16xi32>
    %add3A_315 = arith.addi %mul3A_8, %add3A_314 : vector<16xi32>
    %gather3A_316 = tpu.vector_load_idx %arg5[%add3A_315] : memref<25600xi32, #tpu.memory_space<vmem>>[vector<16xi32>], vector<16xi32>,
    %add3A_317 = arith.constant 403 : i32
    %add3A_318 = vector.broadcast %add3A_317 : i32 to vector<16xi32>
    %add3A_319 = arith.addi %mul3A_5, %add3A_318 : vector<16xi32>
    tpu.vector_store_idx %arg6[%add3A_319], %gather3A_316 : memref<640xi32, #tpu.memory_space<vmem>>[vector<16xi32>], vector<16xi32>,
    %add3A_320 = arith.constant 4800 : i32
    %add3A_321 = arith.addi %add3A_20, %add3A_320 : i32
    %add3A_322 = arith.constant 3 : i32
    %add3A_323 = arith.addi %add3A_321, %add3A_322 : i32
    %add3A_324 = vector.broadcast %add3A_323 : i32 to vector<16xi32>
    %add3A_325 = arith.addi %mul3A_8, %add3A_324 : vector<16xi32>
    %gather3A_326 = tpu.vector_load_idx %arg5[%add3A_325] : memref<25600xi32, #tpu.memory_space<vmem>>[vector<16xi32>], vector<16xi32>,
    %add3A_327 = arith.constant 483 : i32
    %add3A_328 = vector.broadcast %add3A_327 : i32 to vector<16xi32>
    %add3A_329 = arith.addi %mul3A_5, %add3A_328 : vector<16xi32>
    tpu.vector_store_idx %arg6[%add3A_329], %gather3A_326 : memref<640xi32, #tpu.memory_space<vmem>>[vector<16xi32>], vector<16xi32>,
    %add3A_330 = arith.constant 5600 : i32
    %add3A_331 = arith.addi %add3A_20, %add3A_330 : i32
    %add3A_332 = arith.constant 3 : i32
    %add3A_333 = arith.addi %add3A_331, %add3A_332 : i32
    %add3A_334 = vector.broadcast %add3A_333 : i32 to vector<16xi32>
    %add3A_335 = arith.addi %mul3A_8, %add3A_334 : vector<16xi32>
    %gather3A_336 = tpu.vector_load_idx %arg5[%add3A_335] : memref<25600xi32, #tpu.memory_space<vmem>>[vector<16xi32>], vector<16xi32>,
    %add3A_337 = arith.constant 563 : i32
    %add3A_338 = vector.broadcast %add3A_337 : i32 to vector<16xi32>
    %add3A_339 = arith.addi %mul3A_5, %add3A_338 : vector<16xi32>
    tpu.vector_store_idx %arg6[%add3A_339], %gather3A_336 : memref<640xi32, #tpu.memory_space<vmem>>[vector<16xi32>], vector<16xi32>,
    %add3A_340 = arith.constant 0 : i32
    %add3A_341 = arith.addi %add3A_20, %add3A_340 : i32
    %add3A_342 = arith.constant 4 : i32
    %add3A_343 = arith.addi %add3A_341, %add3A_342 : i32
    %add3A_344 = vector.broadcast %add3A_343 : i32 to vector<16xi32>
    %add3A_345 = arith.addi %mul3A_8, %add3A_344 : vector<16xi32>
    %gather3A_346 = tpu.vector_load_idx %arg5[%add3A_345] : memref<25600xi32, #tpu.memory_space<vmem>>[vector<16xi32>], vector<16xi32>,
    %add3A_347 = arith.constant 4 : i32
    %add3A_348 = vector.broadcast %add3A_347 : i32 to vector<16xi32>
    %add3A_349 = arith.addi %mul3A_5, %add3A_348 : vector<16xi32>
    tpu.vector_store_idx %arg6[%add3A_349], %gather3A_346 : memref<640xi32, #tpu.memory_space<vmem>>[vector<16xi32>], vector<16xi32>,
    %add3A_350 = arith.constant 800 : i32
    %add3A_351 = arith.addi %add3A_20, %add3A_350 : i32
    %add3A_352 = arith.constant 4 : i32
    %add3A_353 = arith.addi %add3A_351, %add3A_352 : i32
    %add3A_354 = vector.broadcast %add3A_353 : i32 to vector<16xi32>
    %add3A_355 = arith.addi %mul3A_8, %add3A_354 : vector<16xi32>
    %gather3A_356 = tpu.vector_load_idx %arg5[%add3A_355] : memref<25600xi32, #tpu.memory_space<vmem>>[vector<16xi32>], vector<16xi32>,
    %add3A_357 = arith.constant 84 : i32
    %add3A_358 = vector.broadcast %add3A_357 : i32 to vector<16xi32>
    %add3A_359 = arith.addi %mul3A_5, %add3A_358 : vector<16xi32>
    tpu.vector_store_idx %arg6[%add3A_359], %gather3A_356 : memref<640xi32, #tpu.memory_space<vmem>>[vector<16xi32>], vector<16xi32>,
    %add3A_360 = arith.constant 1600 : i32
    %add3A_361 = arith.addi %add3A_20, %add3A_360 : i32
    %add3A_362 = arith.constant 4 : i32
    %add3A_363 = arith.addi %add3A_361, %add3A_362 : i32
    %add3A_364 = vector.broadcast %add3A_363 : i32 to vector<16xi32>
    %add3A_365 = arith.addi %mul3A_8, %add3A_364 : vector<16xi32>
    %gather3A_366 = tpu.vector_load_idx %arg5[%add3A_365] : memref<25600xi32, #tpu.memory_space<vmem>>[vector<16xi32>], vector<16xi32>,
    %add3A_367 = arith.constant 164 : i32
    %add3A_368 = vector.broadcast %add3A_367 : i32 to vector<16xi32>
    %add3A_369 = arith.addi %mul3A_5, %add3A_368 : vector<16xi32>
    tpu.vector_store_idx %arg6[%add3A_369], %gather3A_366 : memref<640xi32, #tpu.memory_space<vmem>>[vector<16xi32>], vector<16xi32>,
    %add3A_370 = arith.constant 2400 : i32
    %add3A_371 = arith.addi %add3A_20, %add3A_370 : i32
    %add3A_372 = arith.constant 4 : i32
    %add3A_373 = arith.addi %add3A_371, %add3A_372 : i32
    %add3A_374 = vector.broadcast %add3A_373 : i32 to vector<16xi32>
    %add3A_375 = arith.addi %mul3A_8, %add3A_374 : vector<16xi32>
    %gather3A_376 = tpu.vector_load_idx %arg5[%add3A_375] : memref<25600xi32, #tpu.memory_space<vmem>>[vector<16xi32>], vector<16xi32>,
    %add3A_377 = arith.constant 244 : i32
    %add3A_378 = vector.broadcast %add3A_377 : i32 to vector<16xi32>
    %add3A_379 = arith.addi %mul3A_5, %add3A_378 : vector<16xi32>
    tpu.vector_store_idx %arg6[%add3A_379], %gather3A_376 : memref<640xi32, #tpu.memory_space<vmem>>[vector<16xi32>], vector<16xi32>,
    %add3A_380 = arith.constant 3200 : i32
    %add3A_381 = arith.addi %add3A_20, %add3A_380 : i32
    %add3A_382 = arith.constant 4 : i32
    %add3A_383 = arith.addi %add3A_381, %add3A_382 : i32
    %add3A_384 = vector.broadcast %add3A_383 : i32 to vector<16xi32>
    %add3A_385 = arith.addi %mul3A_8, %add3A_384 : vector<16xi32>
    %gather3A_386 = tpu.vector_load_idx %arg5[%add3A_385] : memref<25600xi32, #tpu.memory_space<vmem>>[vector<16xi32>], vector<16xi32>,
    %add3A_387 = arith.constant 324 : i32
    %add3A_388 = vector.broadcast %add3A_387 : i32 to vector<16xi32>
    %add3A_389 = arith.addi %mul3A_5, %add3A_388 : vector<16xi32>
    tpu.vector_store_idx %arg6[%add3A_389], %gather3A_386 : memref<640xi32, #tpu.memory_space<vmem>>[vector<16xi32>], vector<16xi32>,
    %add3A_390 = arith.constant 4000 : i32
    %add3A_391 = arith.addi %add3A_20, %add3A_390 : i32
    %add3A_392 = arith.constant 4 : i32
    %add3A_393 = arith.addi %add3A_391, %add3A_392 : i32
    %add3A_394 = vector.broadcast %add3A_393 : i32 to vector<16xi32>
    %add3A_395 = arith.addi %mul3A_8, %add3A_394 : vector<16xi32>
    %gather3A_396 = tpu.vector_load_idx %arg5[%add3A_395] : memref<25600xi32, #tpu.memory_space<vmem>>[vector<16xi32>], vector<16xi32>,
    %add3A_397 = arith.constant 404 : i32
    %add3A_398 = vector.broadcast %add3A_397 : i32 to vector<16xi32>
    %add3A_399 = arith.addi %mul3A_5, %add3A_398 : vector<16xi32>
    tpu.vector_store_idx %arg6[%add3A_399], %gather3A_396 : memref<640xi32, #tpu.memory_space<vmem>>[vector<16xi32>], vector<16xi32>,
    %add3A_400 = arith.constant 4800 : i32
    %add3A_401 = arith.addi %add3A_20, %add3A_400 : i32
    %add3A_402 = arith.constant 4 : i32
    %add3A_403 = arith.addi %add3A_401, %add3A_402 : i32
    %add3A_404 = vector.broadcast %add3A_403 : i32 to vector<16xi32>
    %add3A_405 = arith.addi %mul3A_8, %add3A_404 : vector<16xi32>
    %gather3A_406 = tpu.vector_load_idx %arg5[%add3A_405] : memref<25600xi32, #tpu.memory_space<vmem>>[vector<16xi32>], vector<16xi32>,
    %add3A_407 = arith.constant 484 : i32
    %add3A_408 = vector.broadcast %add3A_407 : i32 to vector<16xi32>
    %add3A_409 = arith.addi %mul3A_5, %add3A_408 : vector<16xi32>
    tpu.vector_store_idx %arg6[%add3A_409], %gather3A_406 : memref<640xi32, #tpu.memory_space<vmem>>[vector<16xi32>], vector<16xi32>,
    %add3A_410 = arith.constant 5600 : i32
    %add3A_411 = arith.addi %add3A_20, %add3A_410 : i32
    %add3A_412 = arith.constant 4 : i32
    %add3A_413 = arith.addi %add3A_411, %add3A_412 : i32
    %add3A_414 = vector.broadcast %add3A_413 : i32 to vector<16xi32>
    %add3A_415 = arith.addi %mul3A_8, %add3A_414 : vector<16xi32>
    %gather3A_416 = tpu.vector_load_idx %arg5[%add3A_415] : memref<25600xi32, #tpu.memory_space<vmem>>[vector<16xi32>], vector<16xi32>,
    %add3A_417 = arith.constant 564 : i32
    %add3A_418 = vector.broadcast %add3A_417 : i32 to vector<16xi32>
    %add3A_419 = arith.addi %mul3A_5, %add3A_418 : vector<16xi32>
    tpu.vector_store_idx %arg6[%add3A_419], %gather3A_416 : memref<640xi32, #tpu.memory_space<vmem>>[vector<16xi32>], vector<16xi32>,
    %dma_start3A = arith.constant 0 : i32
    %dma_start3A_420 = arith.constant 0 : i32
    %dma_start3A_421 = tpu.memref_slice %arg3[%dma_start3A, %dma_start3A_420] : memref<1000000x32xf32, #tpu.memory_space<hbm>> -> memref<1000000x32xf32, #tpu.memory_space<hbm>>
    tpu.enqueue_indirect_dma source(%dma_start3A_421 : memref<1000000x32xf32, #tpu.memory_space<hbm>>) target(%arg8 : memref<640x32xf32, #tpu.memory_space<vmem>>) offsets(%arg6 : memref<640xi32, #tpu.memory_space<vmem>>) semaphore(%arg12 : memref<!tpu.dma_semaphore, #tpu.memory_space<semaphore_mem>>)
    %scan3A = arith.constant 0 : i32
    %scan3A_422 = arith.constant 20 : i32
    %scan3A_423 = arith.addi %scan3A, %scan3A_422 : i32
    %scan3A_424 = arith.constant 1 : i32
    scf.for %scan3A_487 = %scan3A to %scan3A_423 step %scan3A_424  : i32 {
      %mul3A_488 = arith.constant 2 : i32
      %mul3A_489 = arith.muli %scan3A_487, %mul3A_488 : i32
      %add3A_490 = arith.constant 0 : i32
      %add3A_491 = arith.addi %add3A_490, %mul3A_489 : i32
      %add3A_492 = arith.constant 1 : i32
      %add3A_493 = arith.addi %add3A_491, %add3A_492 : i32
      %and3A_494 = arith.constant 3 : i32
      %and3A_495 = arith.andi %add3A_493, %and3A_494 : i32
      %shift_right_logical3A_496 = arith.constant 2 : i32
      %shift_right_logical3A_497 = arith.shrui %add3A_493, %shift_right_logical3A_496 : i32
      %mul3A_498 = arith.constant 128 : i32
      %mul3A_499 = arith.muli %and3A_495, %mul3A_498 : i32
      %mul3A_500 = arith.constant 50 : i32
      %mul3A_501 = arith.muli %mul3A_499, %mul3A_500 : i32
      %mul3A_502 = arith.constant 5 : i32
      %mul3A_503 = arith.muli %shift_right_logical3A_497, %mul3A_502 : i32
      %add3A_504 = arith.addi %mul3A_501, %mul3A_503 : i32
      %add3A_505 = arith.constant 0 : i32
      %add3A_506 = arith.addi %add3A_504, %add3A_505 : i32
      %add3A_507 = arith.constant 0 : i32
      %add3A_508 = arith.addi %add3A_506, %add3A_507 : i32
      %add3A_509 = vector.broadcast %add3A_508 : i32 to vector<16xi32>
      %add3A_510 = arith.addi %mul3A_8, %add3A_509 : vector<16xi32>
      %gather3A_511 = tpu.vector_load_idx %arg5[%add3A_510] : memref<25600xi32, #tpu.memory_space<vmem>>[vector<16xi32>], vector<16xi32>,
      %add3A_512 = arith.constant 0 : i32
      %add3A_513 = vector.broadcast %add3A_512 : i32 to vector<16xi32>
      %add3A_514 = arith.addi %mul3A_5, %add3A_513 : vector<16xi32>
      tpu.vector_store_idx %arg7[%add3A_514], %gather3A_511 : memref<640xi32, #tpu.memory_space<vmem>>[vector<16xi32>], vector<16xi32>,
      %add3A_515 = arith.constant 800 : i32
      %add3A_516 = arith.addi %add3A_504, %add3A_515 : i32
      %add3A_517 = arith.constant 0 : i32
      %add3A_518 = arith.addi %add3A_516, %add3A_517 : i32
      %add3A_519 = vector.broadcast %add3A_518 : i32 to vector<16xi32>
      %add3A_520 = arith.addi %mul3A_8, %add3A_519 : vector<16xi32>
      %gather3A_521 = tpu.vector_load_idx %arg5[%add3A_520] : memref<25600xi32, #tpu.memory_space<vmem>>[vector<16xi32>], vector<16xi32>,
      %add3A_522 = arith.constant 80 : i32
      %add3A_523 = vector.broadcast %add3A_522 : i32 to vector<16xi32>
      %add3A_524 = arith.addi %mul3A_5, %add3A_523 : vector<16xi32>
      tpu.vector_store_idx %arg7[%add3A_524], %gather3A_521 : memref<640xi32, #tpu.memory_space<vmem>>[vector<16xi32>], vector<16xi32>,
      %add3A_525 = arith.constant 1600 : i32
      %add3A_526 = arith.addi %add3A_504, %add3A_525 : i32
      %add3A_527 = arith.constant 0 : i32
      %add3A_528 = arith.addi %add3A_526, %add3A_527 : i32
      %add3A_529 = vector.broadcast %add3A_528 : i32 to vector<16xi32>
      %add3A_530 = arith.addi %mul3A_8, %add3A_529 : vector<16xi32>
      %gather3A_531 = tpu.vector_load_idx %arg5[%add3A_530] : memref<25600xi32, #tpu.memory_space<vmem>>[vector<16xi32>], vector<16xi32>,
      %add3A_532 = arith.constant 160 : i32
      %add3A_533 = vector.broadcast %add3A_532 : i32 to vector<16xi32>
      %add3A_534 = arith.addi %mul3A_5, %add3A_533 : vector<16xi32>
      tpu.vector_store_idx %arg7[%add3A_534], %gather3A_531 : memref<640xi32, #tpu.memory_space<vmem>>[vector<16xi32>], vector<16xi32>,
      %add3A_535 = arith.constant 2400 : i32
      %add3A_536 = arith.addi %add3A_504, %add3A_535 : i32
      %add3A_537 = arith.constant 0 : i32
      %add3A_538 = arith.addi %add3A_536, %add3A_537 : i32
      %add3A_539 = vector.broadcast %add3A_538 : i32 to vector<16xi32>
      %add3A_540 = arith.addi %mul3A_8, %add3A_539 : vector<16xi32>
      %gather3A_541 = tpu.vector_load_idx %arg5[%add3A_540] : memref<25600xi32, #tpu.memory_space<vmem>>[vector<16xi32>], vector<16xi32>,
      %add3A_542 = arith.constant 240 : i32
      %add3A_543 = vector.broadcast %add3A_542 : i32 to vector<16xi32>
      %add3A_544 = arith.addi %mul3A_5, %add3A_543 : vector<16xi32>
      tpu.vector_store_idx %arg7[%add3A_544], %gather3A_541 : memref<640xi32, #tpu.memory_space<vmem>>[vector<16xi32>], vector<16xi32>,
      %add3A_545 = arith.constant 3200 : i32
      %add3A_546 = arith.addi %add3A_504, %add3A_545 : i32
      %add3A_547 = arith.constant 0 : i32
      %add3A_548 = arith.addi %add3A_546, %add3A_547 : i32
      %add3A_549 = vector.broadcast %add3A_548 : i32 to vector<16xi32>
      %add3A_550 = arith.addi %mul3A_8, %add3A_549 : vector<16xi32>
      %gather3A_551 = tpu.vector_load_idx %arg5[%add3A_550] : memref<25600xi32, #tpu.memory_space<vmem>>[vector<16xi32>], vector<16xi32>,
      %add3A_552 = arith.constant 320 : i32
      %add3A_553 = vector.broadcast %add3A_552 : i32 to vector<16xi32>
      %add3A_554 = arith.addi %mul3A_5, %add3A_553 : vector<16xi32>
      tpu.vector_store_idx %arg7[%add3A_554], %gather3A_551 : memref<640xi32, #tpu.memory_space<vmem>>[vector<16xi32>], vector<16xi32>,
      %add3A_555 = arith.constant 4000 : i32
      %add3A_556 = arith.addi %add3A_504, %add3A_555 : i32
      %add3A_557 = arith.constant 0 : i32
      %add3A_558 = arith.addi %add3A_556, %add3A_557 : i32
      %add3A_559 = vector.broadcast %add3A_558 : i32 to vector<16xi32>
      %add3A_560 = arith.addi %mul3A_8, %add3A_559 : vector<16xi32>
      %gather3A_561 = tpu.vector_load_idx %arg5[%add3A_560] : memref<25600xi32, #tpu.memory_space<vmem>>[vector<16xi32>], vector<16xi32>,
      %add3A_562 = arith.constant 400 : i32
      %add3A_563 = vector.broadcast %add3A_562 : i32 to vector<16xi32>
      %add3A_564 = arith.addi %mul3A_5, %add3A_563 : vector<16xi32>
      tpu.vector_store_idx %arg7[%add3A_564], %gather3A_561 : memref<640xi32, #tpu.memory_space<vmem>>[vector<16xi32>], vector<16xi32>,
      %add3A_565 = arith.constant 4800 : i32
      %add3A_566 = arith.addi %add3A_504, %add3A_565 : i32
      %add3A_567 = arith.constant 0 : i32
      %add3A_568 = arith.addi %add3A_566, %add3A_567 : i32
      %add3A_569 = vector.broadcast %add3A_568 : i32 to vector<16xi32>
      %add3A_570 = arith.addi %mul3A_8, %add3A_569 : vector<16xi32>
      %gather3A_571 = tpu.vector_load_idx %arg5[%add3A_570] : memref<25600xi32, #tpu.memory_space<vmem>>[vector<16xi32>], vector<16xi32>,
      %add3A_572 = arith.constant 480 : i32
      %add3A_573 = vector.broadcast %add3A_572 : i32 to vector<16xi32>
      %add3A_574 = arith.addi %mul3A_5, %add3A_573 : vector<16xi32>
      tpu.vector_store_idx %arg7[%add3A_574], %gather3A_571 : memref<640xi32, #tpu.memory_space<vmem>>[vector<16xi32>], vector<16xi32>,
      %add3A_575 = arith.constant 5600 : i32
      %add3A_576 = arith.addi %add3A_504, %add3A_575 : i32
      %add3A_577 = arith.constant 0 : i32
      %add3A_578 = arith.addi %add3A_576, %add3A_577 : i32
      %add3A_579 = vector.broadcast %add3A_578 : i32 to vector<16xi32>
      %add3A_580 = arith.addi %mul3A_8, %add3A_579 : vector<16xi32>
      %gather3A_581 = tpu.vector_load_idx %arg5[%add3A_580] : memref<25600xi32, #tpu.memory_space<vmem>>[vector<16xi32>], vector<16xi32>,
      %add3A_582 = arith.constant 560 : i32
      %add3A_583 = vector.broadcast %add3A_582 : i32 to vector<16xi32>
      %add3A_584 = arith.addi %mul3A_5, %add3A_583 : vector<16xi32>
      tpu.vector_store_idx %arg7[%add3A_584], %gather3A_581 : memref<640xi32, #tpu.memory_space<vmem>>[vector<16xi32>], vector<16xi32>,
      %add3A_585 = arith.constant 0 : i32
      %add3A_586 = arith.addi %add3A_504, %add3A_585 : i32
      %add3A_587 = arith.constant 1 : i32
      %add3A_588 = arith.addi %add3A_586, %add3A_587 : i32
      %add3A_589 = vector.broadcast %add3A_588 : i32 to vector<16xi32>
      %add3A_590 = arith.addi %mul3A_8, %add3A_589 : vector<16xi32>
      %gather3A_591 = tpu.vector_load_idx %arg5[%add3A_590] : memref<25600xi32, #tpu.memory_space<vmem>>[vector<16xi32>], vector<16xi32>,
      %add3A_592 = arith.constant 1 : i32
      %add3A_593 = vector.broadcast %add3A_592 : i32 to vector<16xi32>
      %add3A_594 = arith.addi %mul3A_5, %add3A_593 : vector<16xi32>
      tpu.vector_store_idx %arg7[%add3A_594], %gather3A_591 : memref<640xi32, #tpu.memory_space<vmem>>[vector<16xi32>], vector<16xi32>,
      %add3A_595 = arith.constant 800 : i32
      %add3A_596 = arith.addi %add3A_504, %add3A_595 : i32
      %add3A_597 = arith.constant 1 : i32
      %add3A_598 = arith.addi %add3A_596, %add3A_597 : i32
      %add3A_599 = vector.broadcast %add3A_598 : i32 to vector<16xi32>
      %add3A_600 = arith.addi %mul3A_8, %add3A_599 : vector<16xi32>
      %gather3A_601 = tpu.vector_load_idx %arg5[%add3A_600] : memref<25600xi32, #tpu.memory_space<vmem>>[vector<16xi32>], vector<16xi32>,
      %add3A_602 = arith.constant 81 : i32
      %add3A_603 = vector.broadcast %add3A_602 : i32 to vector<16xi32>
      %add3A_604 = arith.addi %mul3A_5, %add3A_603 : vector<16xi32>
      tpu.vector_store_idx %arg7[%add3A_604], %gather3A_601 : memref<640xi32, #tpu.memory_space<vmem>>[vector<16xi32>], vector<16xi32>,
      %add3A_605 = arith.constant 1600 : i32
      %add3A_606 = arith.addi %add3A_504, %add3A_605 : i32
      %add3A_607 = arith.constant 1 : i32
      %add3A_608 = arith.addi %add3A_606, %add3A_607 : i32
      %add3A_609 = vector.broadcast %add3A_608 : i32 to vector<16xi32>
      %add3A_610 = arith.addi %mul3A_8, %add3A_609 : vector<16xi32>
      %gather3A_611 = tpu.vector_load_idx %arg5[%add3A_610] : memref<25600xi32, #tpu.memory_space<vmem>>[vector<16xi32>], vector<16xi32>,
      %add3A_612 = arith.constant 161 : i32
      %add3A_613 = vector.broadcast %add3A_612 : i32 to vector<16xi32>
      %add3A_614 = arith.addi %mul3A_5, %add3A_613 : vector<16xi32>
      tpu.vector_store_idx %arg7[%add3A_614], %gather3A_611 : memref<640xi32, #tpu.memory_space<vmem>>[vector<16xi32>], vector<16xi32>,
      %add3A_615 = arith.constant 2400 : i32
      %add3A_616 = arith.addi %add3A_504, %add3A_615 : i32
      %add3A_617 = arith.constant 1 : i32
      %add3A_618 = arith.addi %add3A_616, %add3A_617 : i32
      %add3A_619 = vector.broadcast %add3A_618 : i32 to vector<16xi32>
      %add3A_620 = arith.addi %mul3A_8, %add3A_619 : vector<16xi32>
      %gather3A_621 = tpu.vector_load_idx %arg5[%add3A_620] : memref<25600xi32, #tpu.memory_space<vmem>>[vector<16xi32>], vector<16xi32>,
      %add3A_622 = arith.constant 241 : i32
      %add3A_623 = vector.broadcast %add3A_622 : i32 to vector<16xi32>
      %add3A_624 = arith.addi %mul3A_5, %add3A_623 : vector<16xi32>
      tpu.vector_store_idx %arg7[%add3A_624], %gather3A_621 : memref<640xi32, #tpu.memory_space<vmem>>[vector<16xi32>], vector<16xi32>,
      %add3A_625 = arith.constant 3200 : i32
      %add3A_626 = arith.addi %add3A_504, %add3A_625 : i32
      %add3A_627 = arith.constant 1 : i32
      %add3A_628 = arith.addi %add3A_626, %add3A_627 : i32
      %add3A_629 = vector.broadcast %add3A_628 : i32 to vector<16xi32>
      %add3A_630 = arith.addi %mul3A_8, %add3A_629 : vector<16xi32>
      %gather3A_631 = tpu.vector_load_idx %arg5[%add3A_630] : memref<25600xi32, #tpu.memory_space<vmem>>[vector<16xi32>], vector<16xi32>,
      %add3A_632 = arith.constant 321 : i32
      %add3A_633 = vector.broadcast %add3A_632 : i32 to vector<16xi32>
      %add3A_634 = arith.addi %mul3A_5, %add3A_633 : vector<16xi32>
      tpu.vector_store_idx %arg7[%add3A_634], %gather3A_631 : memref<640xi32, #tpu.memory_space<vmem>>[vector<16xi32>], vector<16xi32>,
      %add3A_635 = arith.constant 4000 : i32
      %add3A_636 = arith.addi %add3A_504, %add3A_635 : i32
      %add3A_637 = arith.constant 1 : i32
      %add3A_638 = arith.addi %add3A_636, %add3A_637 : i32
      %add3A_639 = vector.broadcast %add3A_638 : i32 to vector<16xi32>
      %add3A_640 = arith.addi %mul3A_8, %add3A_639 : vector<16xi32>
      %gather3A_641 = tpu.vector_load_idx %arg5[%add3A_640] : memref<25600xi32, #tpu.memory_space<vmem>>[vector<16xi32>], vector<16xi32>,
      %add3A_642 = arith.constant 401 : i32
      %add3A_643 = vector.broadcast %add3A_642 : i32 to vector<16xi32>
      %add3A_644 = arith.addi %mul3A_5, %add3A_643 : vector<16xi32>
      tpu.vector_store_idx %arg7[%add3A_644], %gather3A_641 : memref<640xi32, #tpu.memory_space<vmem>>[vector<16xi32>], vector<16xi32>,
      %add3A_645 = arith.constant 4800 : i32
      %add3A_646 = arith.addi %add3A_504, %add3A_645 : i32
      %add3A_647 = arith.constant 1 : i32
      %add3A_648 = arith.addi %add3A_646, %add3A_647 : i32
      %add3A_649 = vector.broadcast %add3A_648 : i32 to vector<16xi32>
      %add3A_650 = arith.addi %mul3A_8, %add3A_649 : vector<16xi32>
      %gather3A_651 = tpu.vector_load_idx %arg5[%add3A_650] : memref<25600xi32, #tpu.memory_space<vmem>>[vector<16xi32>], vector<16xi32>,
      %add3A_652 = arith.constant 481 : i32
      %add3A_653 = vector.broadcast %add3A_652 : i32 to vector<16xi32>
      %add3A_654 = arith.addi %mul3A_5, %add3A_653 : vector<16xi32>
      tpu.vector_store_idx %arg7[%add3A_654], %gather3A_651 : memref<640xi32, #tpu.memory_space<vmem>>[vector<16xi32>], vector<16xi32>,
      %add3A_655 = arith.constant 5600 : i32
      %add3A_656 = arith.addi %add3A_504, %add3A_655 : i32
      %add3A_657 = arith.constant 1 : i32
      %add3A_658 = arith.addi %add3A_656, %add3A_657 : i32
      %add3A_659 = vector.broadcast %add3A_658 : i32 to vector<16xi32>
      %add3A_660 = arith.addi %mul3A_8, %add3A_659 : vector<16xi32>
      %gather3A_661 = tpu.vector_load_idx %arg5[%add3A_660] : memref<25600xi32, #tpu.memory_space<vmem>>[vector<16xi32>], vector<16xi32>,
      %add3A_662 = arith.constant 561 : i32
      %add3A_663 = vector.broadcast %add3A_662 : i32 to vector<16xi32>
      %add3A_664 = arith.addi %mul3A_5, %add3A_663 : vector<16xi32>
      tpu.vector_store_idx %arg7[%add3A_664], %gather3A_661 : memref<640xi32, #tpu.memory_space<vmem>>[vector<16xi32>], vector<16xi32>,
      %add3A_665 = arith.constant 0 : i32
      %add3A_666 = arith.addi %add3A_504, %add3A_665 : i32
      %add3A_667 = arith.constant 2 : i32
      %add3A_668 = arith.addi %add3A_666, %add3A_667 : i32
      %add3A_669 = vector.broadcast %add3A_668 : i32 to vector<16xi32>
      %add3A_670 = arith.addi %mul3A_8, %add3A_669 : vector<16xi32>
      %gather3A_671 = tpu.vector_load_idx %arg5[%add3A_670] : memref<25600xi32, #tpu.memory_space<vmem>>[vector<16xi32>], vector<16xi32>,
      %add3A_672 = arith.constant 2 : i32
      %add3A_673 = vector.broadcast %add3A_672 : i32 to vector<16xi32>
      %add3A_674 = arith.addi %mul3A_5, %add3A_673 : vector<16xi32>
      tpu.vector_store_idx %arg7[%add3A_674], %gather3A_671 : memref<640xi32, #tpu.memory_space<vmem>>[vector<16xi32>], vector<16xi32>,
      %add3A_675 = arith.constant 800 : i32
      %add3A_676 = arith.addi %add3A_504, %add3A_675 : i32
      %add3A_677 = arith.constant 2 : i32
      %add3A_678 = arith.addi %add3A_676, %add3A_677 : i32
      %add3A_679 = vector.broadcast %add3A_678 : i32 to vector<16xi32>
      %add3A_680 = arith.addi %mul3A_8, %add3A_679 : vector<16xi32>
      %gather3A_681 = tpu.vector_load_idx %arg5[%add3A_680] : memref<25600xi32, #tpu.memory_space<vmem>>[vector<16xi32>], vector<16xi32>,
      %add3A_682 = arith.constant 82 : i32
      %add3A_683 = vector.broadcast %add3A_682 : i32 to vector<16xi32>
      %add3A_684 = arith.addi %mul3A_5, %add3A_683 : vector<16xi32>
      tpu.vector_store_idx %arg7[%add3A_684], %gather3A_681 : memref<640xi32, #tpu.memory_space<vmem>>[vector<16xi32>], vector<16xi32>,
      %add3A_685 = arith.constant 1600 : i32
      %add3A_686 = arith.addi %add3A_504, %add3A_685 : i32
      %add3A_687 = arith.constant 2 : i32
      %add3A_688 = arith.addi %add3A_686, %add3A_687 : i32
      %add3A_689 = vector.broadcast %add3A_688 : i32 to vector<16xi32>
      %add3A_690 = arith.addi %mul3A_8, %add3A_689 : vector<16xi32>
      %gather3A_691 = tpu.vector_load_idx %arg5[%add3A_690] : memref<25600xi32, #tpu.memory_space<vmem>>[vector<16xi32>], vector<16xi32>,
      %add3A_692 = arith.constant 162 : i32
      %add3A_693 = vector.broadcast %add3A_692 : i32 to vector<16xi32>
      %add3A_694 = arith.addi %mul3A_5, %add3A_693 : vector<16xi32>
      tpu.vector_store_idx %arg7[%add3A_694], %gather3A_691 : memref<640xi32, #tpu.memory_space<vmem>>[vector<16xi32>], vector<16xi32>,
      %add3A_695 = arith.constant 2400 : i32
      %add3A_696 = arith.addi %add3A_504, %add3A_695 : i32
      %add3A_697 = arith.constant 2 : i32
      %add3A_698 = arith.addi %add3A_696, %add3A_697 : i32
      %add3A_699 = vector.broadcast %add3A_698 : i32 to vector<16xi32>
      %add3A_700 = arith.addi %mul3A_8, %add3A_699 : vector<16xi32>
      %gather3A_701 = tpu.vector_load_idx %arg5[%add3A_700] : memref<25600xi32, #tpu.memory_space<vmem>>[vector<16xi32>], vector<16xi32>,
      %add3A_702 = arith.constant 242 : i32
      %add3A_703 = vector.broadcast %add3A_702 : i32 to vector<16xi32>
      %add3A_704 = arith.addi %mul3A_5, %add3A_703 : vector<16xi32>
      tpu.vector_store_idx %arg7[%add3A_704], %gather3A_701 : memref<640xi32, #tpu.memory_space<vmem>>[vector<16xi32>], vector<16xi32>,
      %add3A_705 = arith.constant 3200 : i32
      %add3A_706 = arith.addi %add3A_504, %add3A_705 : i32
      %add3A_707 = arith.constant 2 : i32
      %add3A_708 = arith.addi %add3A_706, %add3A_707 : i32
      %add3A_709 = vector.broadcast %add3A_708 : i32 to vector<16xi32>
      %add3A_710 = arith.addi %mul3A_8, %add3A_709 : vector<16xi32>
      %gather3A_711 = tpu.vector_load_idx %arg5[%add3A_710] : memref<25600xi32, #tpu.memory_space<vmem>>[vector<16xi32>], vector<16xi32>,
      %add3A_712 = arith.constant 322 : i32
      %add3A_713 = vector.broadcast %add3A_712 : i32 to vector<16xi32>
      %add3A_714 = arith.addi %mul3A_5, %add3A_713 : vector<16xi32>
      tpu.vector_store_idx %arg7[%add3A_714], %gather3A_711 : memref<640xi32, #tpu.memory_space<vmem>>[vector<16xi32>], vector<16xi32>,
      %add3A_715 = arith.constant 4000 : i32
      %add3A_716 = arith.addi %add3A_504, %add3A_715 : i32
      %add3A_717 = arith.constant 2 : i32
      %add3A_718 = arith.addi %add3A_716, %add3A_717 : i32
      %add3A_719 = vector.broadcast %add3A_718 : i32 to vector<16xi32>
      %add3A_720 = arith.addi %mul3A_8, %add3A_719 : vector<16xi32>
      %gather3A_721 = tpu.vector_load_idx %arg5[%add3A_720] : memref<25600xi32, #tpu.memory_space<vmem>>[vector<16xi32>], vector<16xi32>,
      %add3A_722 = arith.constant 402 : i32
      %add3A_723 = vector.broadcast %add3A_722 : i32 to vector<16xi32>
      %add3A_724 = arith.addi %mul3A_5, %add3A_723 : vector<16xi32>
      tpu.vector_store_idx %arg7[%add3A_724], %gather3A_721 : memref<640xi32, #tpu.memory_space<vmem>>[vector<16xi32>], vector<16xi32>,
      %add3A_725 = arith.constant 4800 : i32
      %add3A_726 = arith.addi %add3A_504, %add3A_725 : i32
      %add3A_727 = arith.constant 2 : i32
      %add3A_728 = arith.addi %add3A_726, %add3A_727 : i32
      %add3A_729 = vector.broadcast %add3A_728 : i32 to vector<16xi32>
      %add3A_730 = arith.addi %mul3A_8, %add3A_729 : vector<16xi32>
      %gather3A_731 = tpu.vector_load_idx %arg5[%add3A_730] : memref<25600xi32, #tpu.memory_space<vmem>>[vector<16xi32>], vector<16xi32>,
      %add3A_732 = arith.constant 482 : i32
      %add3A_733 = vector.broadcast %add3A_732 : i32 to vector<16xi32>
      %add3A_734 = arith.addi %mul3A_5, %add3A_733 : vector<16xi32>
      tpu.vector_store_idx %arg7[%add3A_734], %gather3A_731 : memref<640xi32, #tpu.memory_space<vmem>>[vector<16xi32>], vector<16xi32>,
      %add3A_735 = arith.constant 5600 : i32
      %add3A_736 = arith.addi %add3A_504, %add3A_735 : i32
      %add3A_737 = arith.constant 2 : i32
      %add3A_738 = arith.addi %add3A_736, %add3A_737 : i32
      %add3A_739 = vector.broadcast %add3A_738 : i32 to vector<16xi32>
      %add3A_740 = arith.addi %mul3A_8, %add3A_739 : vector<16xi32>
      %gather3A_741 = tpu.vector_load_idx %arg5[%add3A_740] : memref<25600xi32, #tpu.memory_space<vmem>>[vector<16xi32>], vector<16xi32>,
      %add3A_742 = arith.constant 562 : i32
      %add3A_743 = vector.broadcast %add3A_742 : i32 to vector<16xi32>
      %add3A_744 = arith.addi %mul3A_5, %add3A_743 : vector<16xi32>
      tpu.vector_store_idx %arg7[%add3A_744], %gather3A_741 : memref<640xi32, #tpu.memory_space<vmem>>[vector<16xi32>], vector<16xi32>,
      %add3A_745 = arith.constant 0 : i32
      %add3A_746 = arith.addi %add3A_504, %add3A_745 : i32
      %add3A_747 = arith.constant 3 : i32
      %add3A_748 = arith.addi %add3A_746, %add3A_747 : i32
      %add3A_749 = vector.broadcast %add3A_748 : i32 to vector<16xi32>
      %add3A_750 = arith.addi %mul3A_8, %add3A_749 : vector<16xi32>
      %gather3A_751 = tpu.vector_load_idx %arg5[%add3A_750] : memref<25600xi32, #tpu.memory_space<vmem>>[vector<16xi32>], vector<16xi32>,
      %add3A_752 = arith.constant 3 : i32
      %add3A_753 = vector.broadcast %add3A_752 : i32 to vector<16xi32>
      %add3A_754 = arith.addi %mul3A_5, %add3A_753 : vector<16xi32>
      tpu.vector_store_idx %arg7[%add3A_754], %gather3A_751 : memref<640xi32, #tpu.memory_space<vmem>>[vector<16xi32>], vector<16xi32>,
      %add3A_755 = arith.constant 800 : i32
      %add3A_756 = arith.addi %add3A_504, %add3A_755 : i32
      %add3A_757 = arith.constant 3 : i32
      %add3A_758 = arith.addi %add3A_756, %add3A_757 : i32
      %add3A_759 = vector.broadcast %add3A_758 : i32 to vector<16xi32>
      %add3A_760 = arith.addi %mul3A_8, %add3A_759 : vector<16xi32>
      %gather3A_761 = tpu.vector_load_idx %arg5[%add3A_760] : memref<25600xi32, #tpu.memory_space<vmem>>[vector<16xi32>], vector<16xi32>,
      %add3A_762 = arith.constant 83 : i32
      %add3A_763 = vector.broadcast %add3A_762 : i32 to vector<16xi32>
      %add3A_764 = arith.addi %mul3A_5, %add3A_763 : vector<16xi32>
      tpu.vector_store_idx %arg7[%add3A_764], %gather3A_761 : memref<640xi32, #tpu.memory_space<vmem>>[vector<16xi32>], vector<16xi32>,
      %add3A_765 = arith.constant 1600 : i32
      %add3A_766 = arith.addi %add3A_504, %add3A_765 : i32
      %add3A_767 = arith.constant 3 : i32
      %add3A_768 = arith.addi %add3A_766, %add3A_767 : i32
      %add3A_769 = vector.broadcast %add3A_768 : i32 to vector<16xi32>
      %add3A_770 = arith.addi %mul3A_8, %add3A_769 : vector<16xi32>
      %gather3A_771 = tpu.vector_load_idx %arg5[%add3A_770] : memref<25600xi32, #tpu.memory_space<vmem>>[vector<16xi32>], vector<16xi32>,
      %add3A_772 = arith.constant 163 : i32
      %add3A_773 = vector.broadcast %add3A_772 : i32 to vector<16xi32>
      %add3A_774 = arith.addi %mul3A_5, %add3A_773 : vector<16xi32>
      tpu.vector_store_idx %arg7[%add3A_774], %gather3A_771 : memref<640xi32, #tpu.memory_space<vmem>>[vector<16xi32>], vector<16xi32>,
      %add3A_775 = arith.constant 2400 : i32
      %add3A_776 = arith.addi %add3A_504, %add3A_775 : i32
      %add3A_777 = arith.constant 3 : i32
      %add3A_778 = arith.addi %add3A_776, %add3A_777 : i32
      %add3A_779 = vector.broadcast %add3A_778 : i32 to vector<16xi32>
      %add3A_780 = arith.addi %mul3A_8, %add3A_779 : vector<16xi32>
      %gather3A_781 = tpu.vector_load_idx %arg5[%add3A_780] : memref<25600xi32, #tpu.memory_space<vmem>>[vector<16xi32>], vector<16xi32>,
      %add3A_782 = arith.constant 243 : i32
      %add3A_783 = vector.broadcast %add3A_782 : i32 to vector<16xi32>
      %add3A_784 = arith.addi %mul3A_5, %add3A_783 : vector<16xi32>
      tpu.vector_store_idx %arg7[%add3A_784], %gather3A_781 : memref<640xi32, #tpu.memory_space<vmem>>[vector<16xi32>], vector<16xi32>,
      %add3A_785 = arith.constant 3200 : i32
      %add3A_786 = arith.addi %add3A_504, %add3A_785 : i32
      %add3A_787 = arith.constant 3 : i32
      %add3A_788 = arith.addi %add3A_786, %add3A_787 : i32
      %add3A_789 = vector.broadcast %add3A_788 : i32 to vector<16xi32>
      %add3A_790 = arith.addi %mul3A_8, %add3A_789 : vector<16xi32>
      %gather3A_791 = tpu.vector_load_idx %arg5[%add3A_790] : memref<25600xi32, #tpu.memory_space<vmem>>[vector<16xi32>], vector<16xi32>,
      %add3A_792 = arith.constant 323 : i32
      %add3A_793 = vector.broadcast %add3A_792 : i32 to vector<16xi32>
      %add3A_794 = arith.addi %mul3A_5, %add3A_793 : vector<16xi32>
      tpu.vector_store_idx %arg7[%add3A_794], %gather3A_791 : memref<640xi32, #tpu.memory_space<vmem>>[vector<16xi32>], vector<16xi32>,
      %add3A_795 = arith.constant 4000 : i32
      %add3A_796 = arith.addi %add3A_504, %add3A_795 : i32
      %add3A_797 = arith.constant 3 : i32
      %add3A_798 = arith.addi %add3A_796, %add3A_797 : i32
      %add3A_799 = vector.broadcast %add3A_798 : i32 to vector<16xi32>
      %add3A_800 = arith.addi %mul3A_8, %add3A_799 : vector<16xi32>
      %gather3A_801 = tpu.vector_load_idx %arg5[%add3A_800] : memref<25600xi32, #tpu.memory_space<vmem>>[vector<16xi32>], vector<16xi32>,
      %add3A_802 = arith.constant 403 : i32
      %add3A_803 = vector.broadcast %add3A_802 : i32 to vector<16xi32>
      %add3A_804 = arith.addi %mul3A_5, %add3A_803 : vector<16xi32>
      tpu.vector_store_idx %arg7[%add3A_804], %gather3A_801 : memref<640xi32, #tpu.memory_space<vmem>>[vector<16xi32>], vector<16xi32>,
      %add3A_805 = arith.constant 4800 : i32
      %add3A_806 = arith.addi %add3A_504, %add3A_805 : i32
      %add3A_807 = arith.constant 3 : i32
      %add3A_808 = arith.addi %add3A_806, %add3A_807 : i32
      %add3A_809 = vector.broadcast %add3A_808 : i32 to vector<16xi32>
      %add3A_810 = arith.addi %mul3A_8, %add3A_809 : vector<16xi32>
      %gather3A_811 = tpu.vector_load_idx %arg5[%add3A_810] : memref<25600xi32, #tpu.memory_space<vmem>>[vector<16xi32>], vector<16xi32>,
      %add3A_812 = arith.constant 483 : i32
      %add3A_813 = vector.broadcast %add3A_812 : i32 to vector<16xi32>
      %add3A_814 = arith.addi %mul3A_5, %add3A_813 : vector<16xi32>
      tpu.vector_store_idx %arg7[%add3A_814], %gather3A_811 : memref<640xi32, #tpu.memory_space<vmem>>[vector<16xi32>], vector<16xi32>,
      %add3A_815 = arith.constant 5600 : i32
      %add3A_816 = arith.addi %add3A_504, %add3A_815 : i32
      %add3A_817 = arith.constant 3 : i32
      %add3A_818 = arith.addi %add3A_816, %add3A_817 : i32
      %add3A_819 = vector.broadcast %add3A_818 : i32 to vector<16xi32>
      %add3A_820 = arith.addi %mul3A_8, %add3A_819 : vector<16xi32>
      %gather3A_821 = tpu.vector_load_idx %arg5[%add3A_820] : memref<25600xi32, #tpu.memory_space<vmem>>[vector<16xi32>], vector<16xi32>,
      %add3A_822 = arith.constant 563 : i32
      %add3A_823 = vector.broadcast %add3A_822 : i32 to vector<16xi32>
      %add3A_824 = arith.addi %mul3A_5, %add3A_823 : vector<16xi32>
      tpu.vector_store_idx %arg7[%add3A_824], %gather3A_821 : memref<640xi32, #tpu.memory_space<vmem>>[vector<16xi32>], vector<16xi32>,
      %add3A_825 = arith.constant 0 : i32
      %add3A_826 = arith.addi %add3A_504, %add3A_825 : i32
      %add3A_827 = arith.constant 4 : i32
      %add3A_828 = arith.addi %add3A_826, %add3A_827 : i32
      %add3A_829 = vector.broadcast %add3A_828 : i32 to vector<16xi32>
      %add3A_830 = arith.addi %mul3A_8, %add3A_829 : vector<16xi32>
      %gather3A_831 = tpu.vector_load_idx %arg5[%add3A_830] : memref<25600xi32, #tpu.memory_space<vmem>>[vector<16xi32>], vector<16xi32>,
      %add3A_832 = arith.constant 4 : i32
      %add3A_833 = vector.broadcast %add3A_832 : i32 to vector<16xi32>
      %add3A_834 = arith.addi %mul3A_5, %add3A_833 : vector<16xi32>
      tpu.vector_store_idx %arg7[%add3A_834], %gather3A_831 : memref<640xi32, #tpu.memory_space<vmem>>[vector<16xi32>], vector<16xi32>,
      %add3A_835 = arith.constant 800 : i32
      %add3A_836 = arith.addi %add3A_504, %add3A_835 : i32
      %add3A_837 = arith.constant 4 : i32
      %add3A_838 = arith.addi %add3A_836, %add3A_837 : i32
      %add3A_839 = vector.broadcast %add3A_838 : i32 to vector<16xi32>
      %add3A_840 = arith.addi %mul3A_8, %add3A_839 : vector<16xi32>
      %gather3A_841 = tpu.vector_load_idx %arg5[%add3A_840] : memref<25600xi32, #tpu.memory_space<vmem>>[vector<16xi32>], vector<16xi32>,
      %add3A_842 = arith.constant 84 : i32
      %add3A_843 = vector.broadcast %add3A_842 : i32 to vector<16xi32>
      %add3A_844 = arith.addi %mul3A_5, %add3A_843 : vector<16xi32>
      tpu.vector_store_idx %arg7[%add3A_844], %gather3A_841 : memref<640xi32, #tpu.memory_space<vmem>>[vector<16xi32>], vector<16xi32>,
      %add3A_845 = arith.constant 1600 : i32
      %add3A_846 = arith.addi %add3A_504, %add3A_845 : i32
      %add3A_847 = arith.constant 4 : i32
      %add3A_848 = arith.addi %add3A_846, %add3A_847 : i32
      %add3A_849 = vector.broadcast %add3A_848 : i32 to vector<16xi32>
      %add3A_850 = arith.addi %mul3A_8, %add3A_849 : vector<16xi32>
      %gather3A_851 = tpu.vector_load_idx %arg5[%add3A_850] : memref<25600xi32, #tpu.memory_space<vmem>>[vector<16xi32>], vector<16xi32>,
      %add3A_852 = arith.constant 164 : i32
      %add3A_853 = vector.broadcast %add3A_852 : i32 to vector<16xi32>
      %add3A_854 = arith.addi %mul3A_5, %add3A_853 : vector<16xi32>
      tpu.vector_store_idx %arg7[%add3A_854], %gather3A_851 : memref<640xi32, #tpu.memory_space<vmem>>[vector<16xi32>], vector<16xi32>,
      %add3A_855 = arith.constant 2400 : i32
      %add3A_856 = arith.addi %add3A_504, %add3A_855 : i32
      %add3A_857 = arith.constant 4 : i32
      %add3A_858 = arith.addi %add3A_856, %add3A_857 : i32
      %add3A_859 = vector.broadcast %add3A_858 : i32 to vector<16xi32>
      %add3A_860 = arith.addi %mul3A_8, %add3A_859 : vector<16xi32>
      %gather3A_861 = tpu.vector_load_idx %arg5[%add3A_860] : memref<25600xi32, #tpu.memory_space<vmem>>[vector<16xi32>], vector<16xi32>,
      %add3A_862 = arith.constant 244 : i32
      %add3A_863 = vector.broadcast %add3A_862 : i32 to vector<16xi32>
      %add3A_864 = arith.addi %mul3A_5, %add3A_863 : vector<16xi32>
      tpu.vector_store_idx %arg7[%add3A_864], %gather3A_861 : memref<640xi32, #tpu.memory_space<vmem>>[vector<16xi32>], vector<16xi32>,
      %add3A_865 = arith.constant 3200 : i32
      %add3A_866 = arith.addi %add3A_504, %add3A_865 : i32
      %add3A_867 = arith.constant 4 : i32
      %add3A_868 = arith.addi %add3A_866, %add3A_867 : i32
      %add3A_869 = vector.broadcast %add3A_868 : i32 to vector<16xi32>
      %add3A_870 = arith.addi %mul3A_8, %add3A_869 : vector<16xi32>
      %gather3A_871 = tpu.vector_load_idx %arg5[%add3A_870] : memref<25600xi32, #tpu.memory_space<vmem>>[vector<16xi32>], vector<16xi32>,
      %add3A_872 = arith.constant 324 : i32
      %add3A_873 = vector.broadcast %add3A_872 : i32 to vector<16xi32>
      %add3A_874 = arith.addi %mul3A_5, %add3A_873 : vector<16xi32>
      tpu.vector_store_idx %arg7[%add3A_874], %gather3A_871 : memref<640xi32, #tpu.memory_space<vmem>>[vector<16xi32>], vector<16xi32>,
      %add3A_875 = arith.constant 4000 : i32
      %add3A_876 = arith.addi %add3A_504, %add3A_875 : i32
      %add3A_877 = arith.constant 4 : i32
      %add3A_878 = arith.addi %add3A_876, %add3A_877 : i32
      %add3A_879 = vector.broadcast %add3A_878 : i32 to vector<16xi32>
      %add3A_880 = arith.addi %mul3A_8, %add3A_879 : vector<16xi32>
      %gather3A_881 = tpu.vector_load_idx %arg5[%add3A_880] : memref<25600xi32, #tpu.memory_space<vmem>>[vector<16xi32>], vector<16xi32>,
      %add3A_882 = arith.constant 404 : i32
      %add3A_883 = vector.broadcast %add3A_882 : i32 to vector<16xi32>
      %add3A_884 = arith.addi %mul3A_5, %add3A_883 : vector<16xi32>
      tpu.vector_store_idx %arg7[%add3A_884], %gather3A_881 : memref<640xi32, #tpu.memory_space<vmem>>[vector<16xi32>], vector<16xi32>,
      %add3A_885 = arith.constant 4800 : i32
      %add3A_886 = arith.addi %add3A_504, %add3A_885 : i32
      %add3A_887 = arith.constant 4 : i32
      %add3A_888 = arith.addi %add3A_886, %add3A_887 : i32
      %add3A_889 = vector.broadcast %add3A_888 : i32 to vector<16xi32>
      %add3A_890 = arith.addi %mul3A_8, %add3A_889 : vector<16xi32>
      %gather3A_891 = tpu.vector_load_idx %arg5[%add3A_890] : memref<25600xi32, #tpu.memory_space<vmem>>[vector<16xi32>], vector<16xi32>,
      %add3A_892 = arith.constant 484 : i32
      %add3A_893 = vector.broadcast %add3A_892 : i32 to vector<16xi32>
      %add3A_894 = arith.addi %mul3A_5, %add3A_893 : vector<16xi32>
      tpu.vector_store_idx %arg7[%add3A_894], %gather3A_891 : memref<640xi32, #tpu.memory_space<vmem>>[vector<16xi32>], vector<16xi32>,
      %add3A_895 = arith.constant 5600 : i32
      %add3A_896 = arith.addi %add3A_504, %add3A_895 : i32
      %add3A_897 = arith.constant 4 : i32
      %add3A_898 = arith.addi %add3A_896, %add3A_897 : i32
      %add3A_899 = vector.broadcast %add3A_898 : i32 to vector<16xi32>
      %add3A_900 = arith.addi %mul3A_8, %add3A_899 : vector<16xi32>
      %gather3A_901 = tpu.vector_load_idx %arg5[%add3A_900] : memref<25600xi32, #tpu.memory_space<vmem>>[vector<16xi32>], vector<16xi32>,
      %add3A_902 = arith.constant 564 : i32
      %add3A_903 = vector.broadcast %add3A_902 : i32 to vector<16xi32>
      %add3A_904 = arith.addi %mul3A_5, %add3A_903 : vector<16xi32>
      tpu.vector_store_idx %arg7[%add3A_904], %gather3A_901 : memref<640xi32, #tpu.memory_space<vmem>>[vector<16xi32>], vector<16xi32>,
      %dma_start3A_905 = arith.constant 0 : i32
      %dma_start3A_906 = arith.constant 0 : i32
      %dma_start3A_907 = tpu.memref_slice %arg3[%dma_start3A_905, %dma_start3A_906] : memref<1000000x32xf32, #tpu.memory_space<hbm>> -> memref<1000000x32xf32, #tpu.memory_space<hbm>>
      tpu.enqueue_indirect_dma source(%dma_start3A_907 : memref<1000000x32xf32, #tpu.memory_space<hbm>>) target(%arg9 : memref<640x32xf32, #tpu.memory_space<vmem>>) offsets(%arg7 : memref<640xi32, #tpu.memory_space<vmem>>) semaphore(%arg13 : memref<!tpu.dma_semaphore, #tpu.memory_space<semaphore_mem>>)
      %dma_wait3A_908 = arith.constant 0 : i32
      %dma_wait3A_909 = arith.constant 0 : i32
      %dma_wait3A_910 = tpu.memref_slice %arg3[%dma_wait3A_908, %dma_wait3A_909] : memref<1000000x32xf32, #tpu.memory_space<hbm>> -> memref<1000000x32xf32, #tpu.memory_space<hbm>>
      tpu.wait_indirect_dma semaphore(%arg12 : memref<!tpu.dma_semaphore, #tpu.memory_space<semaphore_mem>>) src(%dma_wait3A_910 : memref<1000000x32xf32, #tpu.memory_space<hbm>>) dst(%arg8 : memref<640x32xf32, #tpu.memory_space<vmem>>)
      %gt3A = arith.constant 0 : i32
      %gt3A_911 = arith.cmpi sgt, %add3A_491, %gt3A : i32
      %convert_element_type3A = arith.extui %gt3A_911 : i1 to i32
      %cond3A = arith.constant 0 : i32
      %cond3A_912 = arith.cmpi ne, %convert_element_type3A, %cond3A : i32
      scf.if %cond3A_912 {
        %sub3A = arith.constant 2 : i32
        %sub3A_997 = arith.subi %add3A_491, %sub3A : i32
        %and3A_998 = arith.constant 3 : i32
        %and3A_999 = arith.andi %sub3A_997, %and3A_998 : i32
        %shift_right_logical3A_1000 = arith.constant 2 : i32
        %shift_right_logical3A_1001 = arith.shrui %sub3A_997, %shift_right_logical3A_1000 : i32
        %mul3A_1002 = arith.constant 5 : i32
        %mul3A_1003 = arith.muli %shift_right_logical3A_1001, %mul3A_1002 : i32
        %mul3A_1004 = arith.constant 4 : i32
        %mul3A_1005 = arith.muli %add3A, %mul3A_1004 : i32
        %add3A_1006 = arith.addi %mul3A_1005, %and3A_999 : i32
        %dma_wait3A_1007 = arith.constant 0 : i32
        %dma_wait3A_1008 = arith.constant 0 : i32
        %dma_wait3A_1009 = arith.constant 0 : i32
        %dma_wait3A_1010 = arith.constant 0 : i32
        %dma_wait3A_1011 = arith.constant 0 : i32
        %dma_wait3A_1012 = tpu.memref_slice %arg10[%dma_wait3A_1007, %dma_wait3A_1008, %dma_wait3A_1009, %dma_wait3A_1010, %dma_wait3A_1011] : memref<5x4x1x8x129xf32, #tpu.memory_space<vmem>> -> memref<5x4x1x8x128xf32, #tpu.memory_space<vmem>>
        %dma_wait3A_1013 = arith.constant 0 : i32
        %dma_wait3A_1014 = arith.constant 0 : i32
        %dma_wait3A_1015 = arith.constant 0 : i32
        %dma_wait3A_1016 = tpu.memref_slice %arg4[%mul3A_1003, %dma_wait3A_1013, %add3A_1006, %dma_wait3A_1014, %dma_wait3A_1015] : memref<50x4x128x8x128xf32, #tpu.memory_space<hbm>> -> memref<5x4x1x8x128xf32, #tpu.memory_space<hbm>>
        %dma_wait3A_1017 = arith.constant 0 : i32
        %dma_wait3A_1018 = arith.constant 0 : i32
        %dma_wait3A_1019 = arith.constant 0 : i32
        %dma_wait3A_1020 = tpu.memref_slice %arg4[%mul3A_1003, %dma_wait3A_1017, %add3A_1006, %dma_wait3A_1018, %dma_wait3A_1019] : memref<50x4x128x8x128xf32, #tpu.memory_space<hbm>> -> memref<5x4x1x8x128xf32, #tpu.memory_space<hbm>>
        %dma_wait3A_1021 = arith.constant 0 : i32
        %dma_wait3A_1022 = arith.constant 0 : i32
        %dma_wait3A_1023 = arith.constant 0 : i32
        %dma_wait3A_1024 = arith.constant 0 : i32
        %dma_wait3A_1025 = arith.constant 0 : i32
        %dma_wait3A_1026 = tpu.memref_slice %arg10[%dma_wait3A_1021, %dma_wait3A_1022, %dma_wait3A_1023, %dma_wait3A_1024, %dma_wait3A_1025] : memref<5x4x1x8x129xf32, #tpu.memory_space<vmem>> -> memref<5x4x1x8x128xf32, #tpu.memory_space<vmem>>
        tpu.wait_dma2 semaphore(%arg14 : memref<!tpu.dma_semaphore, #tpu.memory_space<semaphore_mem>>) src(%dma_wait3A_1026 : memref<5x4x1x8x128xf32, #tpu.memory_space<vmem>>) dst(%dma_wait3A_1020 : memref<5x4x1x8x128xf32, #tpu.memory_space<hbm>>)
      } else {
      }
      %scan3A_913 = arith.constant 0 : i32
      %scan3A_914 = arith.constant 128 : i32
      %scan3A_915 = arith.addi %scan3A_913, %scan3A_914 : i32
      %scan3A_916 = arith.constant 1 : i32
      scf.for %scan3A_997 = %scan3A_913 to %scan3A_915 step %scan3A_916  : i32 {
        %mul3A_998 = arith.constant 1 : i32
        %mul3A_999 = arith.muli %scan3A_997, %mul3A_998 : i32
        %add3A_1000 = arith.constant 0 : i32
        %add3A_1001 = arith.addi %add3A_1000, %mul3A_999 : i32
        %broadcast_in_dim3A_1002 = vector.broadcast %add3A_1001 : i32 to vector<16xi32>
        %mul3A_1003 = arith.constant 5 : i32
        %mul3A_1004 = arith.muli %add3A_1001, %mul3A_1003 : i32
        %add3A_1005 = arith.constant 0 : i32
        %add3A_1006 = arith.addi %mul3A_1004, %add3A_1005 : i32
        %broadcast_in_dim3A_1007 = arith.constant 0 : i32
        %broadcast_in_dim3A_1008 = vector.broadcast %broadcast_in_dim3A_1007 : i32 to vector<16xi32>
        %get3A = arith.index_cast %add3A_1006 : i32 to index
        %get3A_1009 = arith.constant 0 : index
        %get3A_1010 = tpu.vector_load %arg8[%get3A, %get3A_1009] {strides = array<i32>} : memref<640x32xf32, #tpu.memory_space<vmem>>, vector<16xf32>,
        %add3A_1011 = arith.constant 0 : i32
        %add3A_1012 = vector.broadcast %add3A_1011 : i32 to vector<16xi32>
        %add3A_1013 = arith.addi %iota3A, %add3A_1012 : vector<16xi32>
        %shift_right_logical3A_1014 = arith.constant 3 : i32
        %shift_right_logical3A_1015 = vector.broadcast %shift_right_logical3A_1014 : i32 to vector<16xi32>
        %shift_right_logical3A_1016 = arith.shrui %add3A_1013, %shift_right_logical3A_1015 : vector<16xi32>
        %and3A_1017 = arith.constant 7 : i32
        %and3A_1018 = vector.broadcast %and3A_1017 : i32 to vector<16xi32>
        %and3A_1019 = arith.andi %add3A_1013, %and3A_1018 : vector<16xi32>
        tpu.vector_store_idx %arg10[%broadcast_in_dim3A_1008, %shift_right_logical3A_1016, %broadcast_in_dim3A_9, %and3A_1019, %broadcast_in_dim3A_1002], %get3A_1010 : memref<5x4x1x8x129xf32, #tpu.memory_space<vmem>>[vector<16xi32>, vector<16xi32>, vector<16xi32>, vector<16xi32>, vector<16xi32>], vector<16xf32>,
        %get3A_1020 = arith.index_cast %add3A_1006 : i32 to index
        %get3A_1021 = arith.constant 16 : index
        %get3A_1022 = tpu.vector_load %arg8[%get3A_1020, %get3A_1021] {strides = array<i32>} : memref<640x32xf32, #tpu.memory_space<vmem>>, vector<16xf32>,
        %add3A_1023 = arith.constant 16 : i32
        %add3A_1024 = vector.broadcast %add3A_1023 : i32 to vector<16xi32>
        %add3A_1025 = arith.addi %iota3A, %add3A_1024 : vector<16xi32>
        %shift_right_logical3A_1026 = arith.constant 3 : i32
        %shift_right_logical3A_1027 = vector.broadcast %shift_right_logical3A_1026 : i32 to vector<16xi32>
        %shift_right_logical3A_1028 = arith.shrui %add3A_1025, %shift_right_logical3A_1027 : vector<16xi32>
        %and3A_1029 = arith.constant 7 : i32
        %and3A_1030 = vector.broadcast %and3A_1029 : i32 to vector<16xi32>
        %and3A_1031 = arith.andi %add3A_1025, %and3A_1030 : vector<16xi32>
        tpu.vector_store_idx %arg10[%broadcast_in_dim3A_1008, %shift_right_logical3A_1028, %broadcast_in_dim3A_9, %and3A_1031, %broadcast_in_dim3A_1002], %get3A_1022 : memref<5x4x1x8x129xf32, #tpu.memory_space<vmem>>[vector<16xi32>, vector<16xi32>, vector<16xi32>, vector<16xi32>, vector<16xi32>], vector<16xf32>,
        %mul3A_1032 = arith.constant 5 : i32
        %mul3A_1033 = arith.muli %add3A_1001, %mul3A_1032 : i32
        %add3A_1034 = arith.constant 1 : i32
        %add3A_1035 = arith.addi %mul3A_1033, %add3A_1034 : i32
        %broadcast_in_dim3A_1036 = arith.constant 1 : i32
        %broadcast_in_dim3A_1037 = vector.broadcast %broadcast_in_dim3A_1036 : i32 to vector<16xi32>
        %get3A_1038 = arith.index_cast %add3A_1035 : i32 to index
        %get3A_1039 = arith.constant 0 : index
        %get3A_1040 = tpu.vector_load %arg8[%get3A_1038, %get3A_1039] {strides = array<i32>} : memref<640x32xf32, #tpu.memory_space<vmem>>, vector<16xf32>,
        %add3A_1041 = arith.constant 0 : i32
        %add3A_1042 = vector.broadcast %add3A_1041 : i32 to vector<16xi32>
        %add3A_1043 = arith.addi %iota3A, %add3A_1042 : vector<16xi32>
        %shift_right_logical3A_1044 = arith.constant 3 : i32
        %shift_right_logical3A_1045 = vector.broadcast %shift_right_logical3A_1044 : i32 to vector<16xi32>
        %shift_right_logical3A_1046 = arith.shrui %add3A_1043, %shift_right_logical3A_1045 : vector<16xi32>
        %and3A_1047 = arith.constant 7 : i32
        %and3A_1048 = vector.broadcast %and3A_1047 : i32 to vector<16xi32>
        %and3A_1049 = arith.andi %add3A_1043, %and3A_1048 : vector<16xi32>
        tpu.vector_store_idx %arg10[%broadcast_in_dim3A_1037, %shift_right_logical3A_1046, %broadcast_in_dim3A_9, %and3A_1049, %broadcast_in_dim3A_1002], %get3A_1040 : memref<5x4x1x8x129xf32, #tpu.memory_space<vmem>>[vector<16xi32>, vector<16xi32>, vector<16xi32>, vector<16xi32>, vector<16xi32>], vector<16xf32>,
        %get3A_1050 = arith.index_cast %add3A_1035 : i32 to index
        %get3A_1051 = arith.constant 16 : index
        %get3A_1052 = tpu.vector_load %arg8[%get3A_1050, %get3A_1051] {strides = array<i32>} : memref<640x32xf32, #tpu.memory_space<vmem>>, vector<16xf32>,
        %add3A_1053 = arith.constant 16 : i32
        %add3A_1054 = vector.broadcast %add3A_1053 : i32 to vector<16xi32>
        %add3A_1055 = arith.addi %iota3A, %add3A_1054 : vector<16xi32>
        %shift_right_logical3A_1056 = arith.constant 3 : i32
        %shift_right_logical3A_1057 = vector.broadcast %shift_right_logical3A_1056 : i32 to vector<16xi32>
        %shift_right_logical3A_1058 = arith.shrui %add3A_1055, %shift_right_logical3A_1057 : vector<16xi32>
        %and3A_1059 = arith.constant 7 : i32
        %and3A_1060 = vector.broadcast %and3A_1059 : i32 to vector<16xi32>
        %and3A_1061 = arith.andi %add3A_1055, %and3A_1060 : vector<16xi32>
        tpu.vector_store_idx %arg10[%broadcast_in_dim3A_1037, %shift_right_logical3A_1058, %broadcast_in_dim3A_9, %and3A_1061, %broadcast_in_dim3A_1002], %get3A_1052 : memref<5x4x1x8x129xf32, #tpu.memory_space<vmem>>[vector<16xi32>, vector<16xi32>, vector<16xi32>, vector<16xi32>, vector<16xi32>], vector<16xf32>,
        %mul3A_1062 = arith.constant 5 : i32
        %mul3A_1063 = arith.muli %add3A_1001, %mul3A_1062 : i32
        %add3A_1064 = arith.constant 2 : i32
        %add3A_1065 = arith.addi %mul3A_1063, %add3A_1064 : i32
        %broadcast_in_dim3A_1066 = arith.constant 2 : i32
        %broadcast_in_dim3A_1067 = vector.broadcast %broadcast_in_dim3A_1066 : i32 to vector<16xi32>
        %get3A_1068 = arith.index_cast %add3A_1065 : i32 to index
        %get3A_1069 = arith.constant 0 : index
        %get3A_1070 = tpu.vector_load %arg8[%get3A_1068, %get3A_1069] {strides = array<i32>} : memref<640x32xf32, #tpu.memory_space<vmem>>, vector<16xf32>,
        %add3A_1071 = arith.constant 0 : i32
        %add3A_1072 = vector.broadcast %add3A_1071 : i32 to vector<16xi32>
        %add3A_1073 = arith.addi %iota3A, %add3A_1072 : vector<16xi32>
        %shift_right_logical3A_1074 = arith.constant 3 : i32
        %shift_right_logical3A_1075 = vector.broadcast %shift_right_logical3A_1074 : i32 to vector<16xi32>
        %shift_right_logical3A_1076 = arith.shrui %add3A_1073, %shift_right_logical3A_1075 : vector<16xi32>
        %and3A_1077 = arith.constant 7 : i32
        %and3A_1078 = vector.broadcast %and3A_1077 : i32 to vector<16xi32>
        %and3A_1079 = arith.andi %add3A_1073, %and3A_1078 : vector<16xi32>
        tpu.vector_store_idx %arg10[%broadcast_in_dim3A_1067, %shift_right_logical3A_1076, %broadcast_in_dim3A_9, %and3A_1079, %broadcast_in_dim3A_1002], %get3A_1070 : memref<5x4x1x8x129xf32, #tpu.memory_space<vmem>>[vector<16xi32>, vector<16xi32>, vector<16xi32>, vector<16xi32>, vector<16xi32>], vector<16xf32>,
        %get3A_1080 = arith.index_cast %add3A_1065 : i32 to index
        %get3A_1081 = arith.constant 16 : index
        %get3A_1082 = tpu.vector_load %arg8[%get3A_1080, %get3A_1081] {strides = array<i32>} : memref<640x32xf32, #tpu.memory_space<vmem>>, vector<16xf32>,
        %add3A_1083 = arith.constant 16 : i32
        %add3A_1084 = vector.broadcast %add3A_1083 : i32 to vector<16xi32>
        %add3A_1085 = arith.addi %iota3A, %add3A_1084 : vector<16xi32>
        %shift_right_logical3A_1086 = arith.constant 3 : i32
        %shift_right_logical3A_1087 = vector.broadcast %shift_right_logical3A_1086 : i32 to vector<16xi32>
        %shift_right_logical3A_1088 = arith.shrui %add3A_1085, %shift_right_logical3A_1087 : vector<16xi32>
        %and3A_1089 = arith.constant 7 : i32
        %and3A_1090 = vector.broadcast %and3A_1089 : i32 to vector<16xi32>
        %and3A_1091 = arith.andi %add3A_1085, %and3A_1090 : vector<16xi32>
        tpu.vector_store_idx %arg10[%broadcast_in_dim3A_1067, %shift_right_logical3A_1088, %broadcast_in_dim3A_9, %and3A_1091, %broadcast_in_dim3A_1002], %get3A_1082 : memref<5x4x1x8x129xf32, #tpu.memory_space<vmem>>[vector<16xi32>, vector<16xi32>, vector<16xi32>, vector<16xi32>, vector<16xi32>], vector<16xf32>,
        %mul3A_1092 = arith.constant 5 : i32
        %mul3A_1093 = arith.muli %add3A_1001, %mul3A_1092 : i32
        %add3A_1094 = arith.constant 3 : i32
        %add3A_1095 = arith.addi %mul3A_1093, %add3A_1094 : i32
        %broadcast_in_dim3A_1096 = arith.constant 3 : i32
        %broadcast_in_dim3A_1097 = vector.broadcast %broadcast_in_dim3A_1096 : i32 to vector<16xi32>
        %get3A_1098 = arith.index_cast %add3A_1095 : i32 to index
        %get3A_1099 = arith.constant 0 : index
        %get3A_1100 = tpu.vector_load %arg8[%get3A_1098, %get3A_1099] {strides = array<i32>} : memref<640x32xf32, #tpu.memory_space<vmem>>, vector<16xf32>,
        %add3A_1101 = arith.constant 0 : i32
        %add3A_1102 = vector.broadcast %add3A_1101 : i32 to vector<16xi32>
        %add3A_1103 = arith.addi %iota3A, %add3A_1102 : vector<16xi32>
        %shift_right_logical3A_1104 = arith.constant 3 : i32
        %shift_right_logical3A_1105 = vector.broadcast %shift_right_logical3A_1104 : i32 to vector<16xi32>
        %shift_right_logical3A_1106 = arith.shrui %add3A_1103, %shift_right_logical3A_1105 : vector<16xi32>
        %and3A_1107 = arith.constant 7 : i32
        %and3A_1108 = vector.broadcast %and3A_1107 : i32 to vector<16xi32>
        %and3A_1109 = arith.andi %add3A_1103, %and3A_1108 : vector<16xi32>
        tpu.vector_store_idx %arg10[%broadcast_in_dim3A_1097, %shift_right_logical3A_1106, %broadcast_in_dim3A_9, %and3A_1109, %broadcast_in_dim3A_1002], %get3A_1100 : memref<5x4x1x8x129xf32, #tpu.memory_space<vmem>>[vector<16xi32>, vector<16xi32>, vector<16xi32>, vector<16xi32>, vector<16xi32>], vector<16xf32>,
        %get3A_1110 = arith.index_cast %add3A_1095 : i32 to index
        %get3A_1111 = arith.constant 16 : index
        %get3A_1112 = tpu.vector_load %arg8[%get3A_1110, %get3A_1111] {strides = array<i32>} : memref<640x32xf32, #tpu.memory_space<vmem>>, vector<16xf32>,
        %add3A_1113 = arith.constant 16 : i32
        %add3A_1114 = vector.broadcast %add3A_1113 : i32 to vector<16xi32>
        %add3A_1115 = arith.addi %iota3A, %add3A_1114 : vector<16xi32>
        %shift_right_logical3A_1116 = arith.constant 3 : i32
        %shift_right_logical3A_1117 = vector.broadcast %shift_right_logical3A_1116 : i32 to vector<16xi32>
        %shift_right_logical3A_1118 = arith.shrui %add3A_1115, %shift_right_logical3A_1117 : vector<16xi32>
        %and3A_1119 = arith.constant 7 : i32
        %and3A_1120 = vector.broadcast %and3A_1119 : i32 to vector<16xi32>
        %and3A_1121 = arith.andi %add3A_1115, %and3A_1120 : vector<16xi32>
        tpu.vector_store_idx %arg10[%broadcast_in_dim3A_1097, %shift_right_logical3A_1118, %broadcast_in_dim3A_9, %and3A_1121, %broadcast_in_dim3A_1002], %get3A_1112 : memref<5x4x1x8x129xf32, #tpu.memory_space<vmem>>[vector<16xi32>, vector<16xi32>, vector<16xi32>, vector<16xi32>, vector<16xi32>], vector<16xf32>,
        %mul3A_1122 = arith.constant 5 : i32
        %mul3A_1123 = arith.muli %add3A_1001, %mul3A_1122 : i32
        %add3A_1124 = arith.constant 4 : i32
        %add3A_1125 = arith.addi %mul3A_1123, %add3A_1124 : i32
        %broadcast_in_dim3A_1126 = arith.constant 4 : i32
        %broadcast_in_dim3A_1127 = vector.broadcast %broadcast_in_dim3A_1126 : i32 to vector<16xi32>
        %get3A_1128 = arith.index_cast %add3A_1125 : i32 to index
        %get3A_1129 = arith.constant 0 : index
        %get3A_1130 = tpu.vector_load %arg8[%get3A_1128, %get3A_1129] {strides = array<i32>} : memref<640x32xf32, #tpu.memory_space<vmem>>, vector<16xf32>,
        %add3A_1131 = arith.constant 0 : i32
        %add3A_1132 = vector.broadcast %add3A_1131 : i32 to vector<16xi32>
        %add3A_1133 = arith.addi %iota3A, %add3A_1132 : vector<16xi32>
        %shift_right_logical3A_1134 = arith.constant 3 : i32
        %shift_right_logical3A_1135 = vector.broadcast %shift_right_logical3A_1134 : i32 to vector<16xi32>
        %shift_right_logical3A_1136 = arith.shrui %add3A_1133, %shift_right_logical3A_1135 : vector<16xi32>
        %and3A_1137 = arith.constant 7 : i32
        %and3A_1138 = vector.broadcast %and3A_1137 : i32 to vector<16xi32>
        %and3A_1139 = arith.andi %add3A_1133, %and3A_1138 : vector<16xi32>
        tpu.vector_store_idx %arg10[%broadcast_in_dim3A_1127, %shift_right_logical3A_1136, %broadcast_in_dim3A_9, %and3A_1139, %broadcast_in_dim3A_1002], %get3A_1130 : memref<5x4x1x8x129xf32, #tpu.memory_space<vmem>>[vector<16xi32>, vector<16xi32>, vector<16xi32>, vector<16xi32>, vector<16xi32>], vector<16xf32>,
        %get3A_1140 = arith.index_cast %add3A_1125 : i32 to index
        %get3A_1141 = arith.constant 16 : index
        %get3A_1142 = tpu.vector_load %arg8[%get3A_1140, %get3A_1141] {strides = array<i32>} : memref<640x32xf32, #tpu.memory_space<vmem>>, vector<16xf32>,
        %add3A_1143 = arith.constant 16 : i32
        %add3A_1144 = vector.broadcast %add3A_1143 : i32 to vector<16xi32>
        %add3A_1145 = arith.addi %iota3A, %add3A_1144 : vector<16xi32>
        %shift_right_logical3A_1146 = arith.constant 3 : i32
        %shift_right_logical3A_1147 = vector.broadcast %shift_right_logical3A_1146 : i32 to vector<16xi32>
        %shift_right_logical3A_1148 = arith.shrui %add3A_1145, %shift_right_logical3A_1147 : vector<16xi32>
        %and3A_1149 = arith.constant 7 : i32
        %and3A_1150 = vector.broadcast %and3A_1149 : i32 to vector<16xi32>
        %and3A_1151 = arith.andi %add3A_1145, %and3A_1150 : vector<16xi32>
        tpu.vector_store_idx %arg10[%broadcast_in_dim3A_1127, %shift_right_logical3A_1148, %broadcast_in_dim3A_9, %and3A_1151, %broadcast_in_dim3A_1002], %get3A_1142 : memref<5x4x1x8x129xf32, #tpu.memory_space<vmem>>[vector<16xi32>, vector<16xi32>, vector<16xi32>, vector<16xi32>, vector<16xi32>], vector<16xf32>,
      }
      %scan3A_917 = arith.constant 128 : i32
      %and3A_918 = arith.constant 3 : i32
      %and3A_919 = arith.andi %add3A_491, %and3A_918 : i32
      %shift_right_logical3A_920 = arith.constant 2 : i32
      %shift_right_logical3A_921 = arith.shrui %add3A_491, %shift_right_logical3A_920 : i32
      %mul3A_922 = arith.constant 5 : i32
      %mul3A_923 = arith.muli %shift_right_logical3A_921, %mul3A_922 : i32
      %mul3A_924 = arith.constant 4 : i32
      %mul3A_925 = arith.muli %add3A, %mul3A_924 : i32
      %add3A_926 = arith.addi %mul3A_925, %and3A_919 : i32
      %dma_start3A_927 = arith.constant 0 : i32
      %dma_start3A_928 = arith.constant 0 : i32
      %dma_start3A_929 = arith.constant 0 : i32
      %dma_start3A_930 = arith.constant 0 : i32
      %dma_start3A_931 = arith.constant 0 : i32
      %dma_start3A_932 = tpu.memref_slice %arg10[%dma_start3A_927, %dma_start3A_928, %dma_start3A_929, %dma_start3A_930, %dma_start3A_931] : memref<5x4x1x8x129xf32, #tpu.memory_space<vmem>> -> memref<5x4x1x8x128xf32, #tpu.memory_space<vmem>>
      %dma_start3A_933 = arith.constant 0 : i32
      %dma_start3A_934 = arith.constant 0 : i32
      %dma_start3A_935 = arith.constant 0 : i32
      %dma_start3A_936 = tpu.memref_slice %arg4[%mul3A_923, %dma_start3A_933, %add3A_926, %dma_start3A_934, %dma_start3A_935] : memref<50x4x128x8x128xf32, #tpu.memory_space<hbm>> -> memref<5x4x1x8x128xf32, #tpu.memory_space<hbm>>
      %dma_start3A_937 = arith.constant 0 : i32
      %dma_start3A_938 = arith.constant 0 : i32
      %dma_start3A_939 = arith.constant 0 : i32
      %dma_start3A_940 = tpu.memref_slice %arg4[%mul3A_923, %dma_start3A_937, %add3A_926, %dma_start3A_938, %dma_start3A_939] : memref<50x4x128x8x128xf32, #tpu.memory_space<hbm>> -> memref<5x4x1x8x128xf32, #tpu.memory_space<hbm>>
      %dma_start3A_941 = arith.constant 0 : i32
      %dma_start3A_942 = arith.constant 0 : i32
      %dma_start3A_943 = arith.constant 0 : i32
      %dma_start3A_944 = arith.constant 0 : i32
      %dma_start3A_945 = arith.constant 0 : i32
      %dma_start3A_946 = tpu.memref_slice %arg10[%dma_start3A_941, %dma_start3A_942, %dma_start3A_943, %dma_start3A_944, %dma_start3A_945] : memref<5x4x1x8x129xf32, #tpu.memory_space<vmem>> -> memref<5x4x1x8x128xf32, #tpu.memory_space<vmem>>
      tpu.enqueue_dma source(%dma_start3A_946 : memref<5x4x1x8x128xf32, #tpu.memory_space<vmem>>) target(%dma_start3A_940 : memref<5x4x1x8x128xf32, #tpu.memory_space<hbm>>) target_semaphore(%arg14 : memref<!tpu.dma_semaphore, #tpu.memory_space<semaphore_mem>>)
      %dma_wait3A_947 = arith.constant 0 : i32
      %dma_wait3A_948 = arith.constant 0 : i32
      %dma_wait3A_949 = tpu.memref_slice %arg3[%dma_wait3A_947, %dma_wait3A_948] : memref<1000000x32xf32, #tpu.memory_space<hbm>> -> memref<1000000x32xf32, #tpu.memory_space<hbm>>
      tpu.wait_indirect_dma semaphore(%arg13 : memref<!tpu.dma_semaphore, #tpu.memory_space<semaphore_mem>>) src(%dma_wait3A_949 : memref<1000000x32xf32, #tpu.memory_space<hbm>>) dst(%arg9 : memref<640x32xf32, #tpu.memory_space<vmem>>)
      %add3A_950 = arith.constant 2 : i32
      %add3A_951 = arith.addi %add3A_491, %add3A_950 : i32
      %lt3A = arith.constant 40 : i32
      %lt3A_952 = arith.cmpi slt, %add3A_951, %lt3A : i32
      %convert_element_type3A_953 = arith.extui %lt3A_952 : i1 to i32
      %cond3A_954 = arith.constant 0 : i32
      %cond3A_955 = arith.cmpi ne, %convert_element_type3A_953, %cond3A_954 : i32
      scf.if %cond3A_955 {
        %add3A_997 = arith.constant 2 : i32
        %add3A_998 = arith.addi %add3A_491, %add3A_997 : i32
        %and3A_999 = arith.constant 3 : i32
        %and3A_1000 = arith.andi %add3A_998, %and3A_999 : i32
        %shift_right_logical3A_1001 = arith.constant 2 : i32
        %shift_right_logical3A_1002 = arith.shrui %add3A_998, %shift_right_logical3A_1001 : i32
        %mul3A_1003 = arith.constant 128 : i32
        %mul3A_1004 = arith.muli %and3A_1000, %mul3A_1003 : i32
        %mul3A_1005 = arith.constant 50 : i32
        %mul3A_1006 = arith.muli %mul3A_1004, %mul3A_1005 : i32
        %mul3A_1007 = arith.constant 5 : i32
        %mul3A_1008 = arith.muli %shift_right_logical3A_1002, %mul3A_1007 : i32
        %add3A_1009 = arith.addi %mul3A_1006, %mul3A_1008 : i32
        %add3A_1010 = arith.constant 0 : i32
        %add3A_1011 = arith.addi %add3A_1009, %add3A_1010 : i32
        %add3A_1012 = arith.constant 0 : i32
        %add3A_1013 = arith.addi %add3A_1011, %add3A_1012 : i32
        %add3A_1014 = vector.broadcast %add3A_1013 : i32 to vector<16xi32>
        %add3A_1015 = arith.addi %mul3A_8, %add3A_1014 : vector<16xi32>
        %gather3A_1016 = tpu.vector_load_idx %arg5[%add3A_1015] : memref<25600xi32, #tpu.memory_space<vmem>>[vector<16xi32>], vector<16xi32>,
        %add3A_1017 = arith.constant 0 : i32
        %add3A_1018 = vector.broadcast %add3A_1017 : i32 to vector<16xi32>
        %add3A_1019 = arith.addi %mul3A_5, %add3A_1018 : vector<16xi32>
        tpu.vector_store_idx %arg6[%add3A_1019], %gather3A_1016 : memref<640xi32, #tpu.memory_space<vmem>>[vector<16xi32>], vector<16xi32>,
        %add3A_1020 = arith.constant 800 : i32
        %add3A_1021 = arith.addi %add3A_1009, %add3A_1020 : i32
        %add3A_1022 = arith.constant 0 : i32
        %add3A_1023 = arith.addi %add3A_1021, %add3A_1022 : i32
        %add3A_1024 = vector.broadcast %add3A_1023 : i32 to vector<16xi32>
        %add3A_1025 = arith.addi %mul3A_8, %add3A_1024 : vector<16xi32>
        %gather3A_1026 = tpu.vector_load_idx %arg5[%add3A_1025] : memref<25600xi32, #tpu.memory_space<vmem>>[vector<16xi32>], vector<16xi32>,
        %add3A_1027 = arith.constant 80 : i32
        %add3A_1028 = vector.broadcast %add3A_1027 : i32 to vector<16xi32>
        %add3A_1029 = arith.addi %mul3A_5, %add3A_1028 : vector<16xi32>
        tpu.vector_store_idx %arg6[%add3A_1029], %gather3A_1026 : memref<640xi32, #tpu.memory_space<vmem>>[vector<16xi32>], vector<16xi32>,
        %add3A_1030 = arith.constant 1600 : i32
        %add3A_1031 = arith.addi %add3A_1009, %add3A_1030 : i32
        %add3A_1032 = arith.constant 0 : i32
        %add3A_1033 = arith.addi %add3A_1031, %add3A_1032 : i32
        %add3A_1034 = vector.broadcast %add3A_1033 : i32 to vector<16xi32>
        %add3A_1035 = arith.addi %mul3A_8, %add3A_1034 : vector<16xi32>
        %gather3A_1036 = tpu.vector_load_idx %arg5[%add3A_1035] : memref<25600xi32, #tpu.memory_space<vmem>>[vector<16xi32>], vector<16xi32>,
        %add3A_1037 = arith.constant 160 : i32
        %add3A_1038 = vector.broadcast %add3A_1037 : i32 to vector<16xi32>
        %add3A_1039 = arith.addi %mul3A_5, %add3A_1038 : vector<16xi32>
        tpu.vector_store_idx %arg6[%add3A_1039], %gather3A_1036 : memref<640xi32, #tpu.memory_space<vmem>>[vector<16xi32>], vector<16xi32>,
        %add3A_1040 = arith.constant 2400 : i32
        %add3A_1041 = arith.addi %add3A_1009, %add3A_1040 : i32
        %add3A_1042 = arith.constant 0 : i32
        %add3A_1043 = arith.addi %add3A_1041, %add3A_1042 : i32
        %add3A_1044 = vector.broadcast %add3A_1043 : i32 to vector<16xi32>
        %add3A_1045 = arith.addi %mul3A_8, %add3A_1044 : vector<16xi32>
        %gather3A_1046 = tpu.vector_load_idx %arg5[%add3A_1045] : memref<25600xi32, #tpu.memory_space<vmem>>[vector<16xi32>], vector<16xi32>,
        %add3A_1047 = arith.constant 240 : i32
        %add3A_1048 = vector.broadcast %add3A_1047 : i32 to vector<16xi32>
        %add3A_1049 = arith.addi %mul3A_5, %add3A_1048 : vector<16xi32>
        tpu.vector_store_idx %arg6[%add3A_1049], %gather3A_1046 : memref<640xi32, #tpu.memory_space<vmem>>[vector<16xi32>], vector<16xi32>,
        %add3A_1050 = arith.constant 3200 : i32
        %add3A_1051 = arith.addi %add3A_1009, %add3A_1050 : i32
        %add3A_1052 = arith.constant 0 : i32
        %add3A_1053 = arith.addi %add3A_1051, %add3A_1052 : i32
        %add3A_1054 = vector.broadcast %add3A_1053 : i32 to vector<16xi32>
        %add3A_1055 = arith.addi %mul3A_8, %add3A_1054 : vector<16xi32>
        %gather3A_1056 = tpu.vector_load_idx %arg5[%add3A_1055] : memref<25600xi32, #tpu.memory_space<vmem>>[vector<16xi32>], vector<16xi32>,
        %add3A_1057 = arith.constant 320 : i32
        %add3A_1058 = vector.broadcast %add3A_1057 : i32 to vector<16xi32>
        %add3A_1059 = arith.addi %mul3A_5, %add3A_1058 : vector<16xi32>
        tpu.vector_store_idx %arg6[%add3A_1059], %gather3A_1056 : memref<640xi32, #tpu.memory_space<vmem>>[vector<16xi32>], vector<16xi32>,
        %add3A_1060 = arith.constant 4000 : i32
        %add3A_1061 = arith.addi %add3A_1009, %add3A_1060 : i32
        %add3A_1062 = arith.constant 0 : i32
        %add3A_1063 = arith.addi %add3A_1061, %add3A_1062 : i32
        %add3A_1064 = vector.broadcast %add3A_1063 : i32 to vector<16xi32>
        %add3A_1065 = arith.addi %mul3A_8, %add3A_1064 : vector<16xi32>
        %gather3A_1066 = tpu.vector_load_idx %arg5[%add3A_1065] : memref<25600xi32, #tpu.memory_space<vmem>>[vector<16xi32>], vector<16xi32>,
        %add3A_1067 = arith.constant 400 : i32
        %add3A_1068 = vector.broadcast %add3A_1067 : i32 to vector<16xi32>
        %add3A_1069 = arith.addi %mul3A_5, %add3A_1068 : vector<16xi32>
        tpu.vector_store_idx %arg6[%add3A_1069], %gather3A_1066 : memref<640xi32, #tpu.memory_space<vmem>>[vector<16xi32>], vector<16xi32>,
        %add3A_1070 = arith.constant 4800 : i32
        %add3A_1071 = arith.addi %add3A_1009, %add3A_1070 : i32
        %add3A_1072 = arith.constant 0 : i32
        %add3A_1073 = arith.addi %add3A_1071, %add3A_1072 : i32
        %add3A_1074 = vector.broadcast %add3A_1073 : i32 to vector<16xi32>
        %add3A_1075 = arith.addi %mul3A_8, %add3A_1074 : vector<16xi32>
        %gather3A_1076 = tpu.vector_load_idx %arg5[%add3A_1075] : memref<25600xi32, #tpu.memory_space<vmem>>[vector<16xi32>], vector<16xi32>,
        %add3A_1077 = arith.constant 480 : i32
        %add3A_1078 = vector.broadcast %add3A_1077 : i32 to vector<16xi32>
        %add3A_1079 = arith.addi %mul3A_5, %add3A_1078 : vector<16xi32>
        tpu.vector_store_idx %arg6[%add3A_1079], %gather3A_1076 : memref<640xi32, #tpu.memory_space<vmem>>[vector<16xi32>], vector<16xi32>,
        %add3A_1080 = arith.constant 5600 : i32
        %add3A_1081 = arith.addi %add3A_1009, %add3A_1080 : i32
        %add3A_1082 = arith.constant 0 : i32
        %add3A_1083 = arith.addi %add3A_1081, %add3A_1082 : i32
        %add3A_1084 = vector.broadcast %add3A_1083 : i32 to vector<16xi32>
        %add3A_1085 = arith.addi %mul3A_8, %add3A_1084 : vector<16xi32>
        %gather3A_1086 = tpu.vector_load_idx %arg5[%add3A_1085] : memref<25600xi32, #tpu.memory_space<vmem>>[vector<16xi32>], vector<16xi32>,
        %add3A_1087 = arith.constant 560 : i32
        %add3A_1088 = vector.broadcast %add3A_1087 : i32 to vector<16xi32>
        %add3A_1089 = arith.addi %mul3A_5, %add3A_1088 : vector<16xi32>
        tpu.vector_store_idx %arg6[%add3A_1089], %gather3A_1086 : memref<640xi32, #tpu.memory_space<vmem>>[vector<16xi32>], vector<16xi32>,
        %add3A_1090 = arith.constant 0 : i32
        %add3A_1091 = arith.addi %add3A_1009, %add3A_1090 : i32
        %add3A_1092 = arith.constant 1 : i32
        %add3A_1093 = arith.addi %add3A_1091, %add3A_1092 : i32
        %add3A_1094 = vector.broadcast %add3A_1093 : i32 to vector<16xi32>
        %add3A_1095 = arith.addi %mul3A_8, %add3A_1094 : vector<16xi32>
        %gather3A_1096 = tpu.vector_load_idx %arg5[%add3A_1095] : memref<25600xi32, #tpu.memory_space<vmem>>[vector<16xi32>], vector<16xi32>,
        %add3A_1097 = arith.constant 1 : i32
        %add3A_1098 = vector.broadcast %add3A_1097 : i32 to vector<16xi32>
        %add3A_1099 = arith.addi %mul3A_5, %add3A_1098 : vector<16xi32>
        tpu.vector_store_idx %arg6[%add3A_1099], %gather3A_1096 : memref<640xi32, #tpu.memory_space<vmem>>[vector<16xi32>], vector<16xi32>,
        %add3A_1100 = arith.constant 800 : i32
        %add3A_1101 = arith.addi %add3A_1009, %add3A_1100 : i32
        %add3A_1102 = arith.constant 1 : i32
        %add3A_1103 = arith.addi %add3A_1101, %add3A_1102 : i32
        %add3A_1104 = vector.broadcast %add3A_1103 : i32 to vector<16xi32>
        %add3A_1105 = arith.addi %mul3A_8, %add3A_1104 : vector<16xi32>
        %gather3A_1106 = tpu.vector_load_idx %arg5[%add3A_1105] : memref<25600xi32, #tpu.memory_space<vmem>>[vector<16xi32>], vector<16xi32>,
        %add3A_1107 = arith.constant 81 : i32
        %add3A_1108 = vector.broadcast %add3A_1107 : i32 to vector<16xi32>
        %add3A_1109 = arith.addi %mul3A_5, %add3A_1108 : vector<16xi32>
        tpu.vector_store_idx %arg6[%add3A_1109], %gather3A_1106 : memref<640xi32, #tpu.memory_space<vmem>>[vector<16xi32>], vector<16xi32>,
        %add3A_1110 = arith.constant 1600 : i32
        %add3A_1111 = arith.addi %add3A_1009, %add3A_1110 : i32
        %add3A_1112 = arith.constant 1 : i32
        %add3A_1113 = arith.addi %add3A_1111, %add3A_1112 : i32
        %add3A_1114 = vector.broadcast %add3A_1113 : i32 to vector<16xi32>
        %add3A_1115 = arith.addi %mul3A_8, %add3A_1114 : vector<16xi32>
        %gather3A_1116 = tpu.vector_load_idx %arg5[%add3A_1115] : memref<25600xi32, #tpu.memory_space<vmem>>[vector<16xi32>], vector<16xi32>,
        %add3A_1117 = arith.constant 161 : i32
        %add3A_1118 = vector.broadcast %add3A_1117 : i32 to vector<16xi32>
        %add3A_1119 = arith.addi %mul3A_5, %add3A_1118 : vector<16xi32>
        tpu.vector_store_idx %arg6[%add3A_1119], %gather3A_1116 : memref<640xi32, #tpu.memory_space<vmem>>[vector<16xi32>], vector<16xi32>,
        %add3A_1120 = arith.constant 2400 : i32
        %add3A_1121 = arith.addi %add3A_1009, %add3A_1120 : i32
        %add3A_1122 = arith.constant 1 : i32
        %add3A_1123 = arith.addi %add3A_1121, %add3A_1122 : i32
        %add3A_1124 = vector.broadcast %add3A_1123 : i32 to vector<16xi32>
        %add3A_1125 = arith.addi %mul3A_8, %add3A_1124 : vector<16xi32>
        %gather3A_1126 = tpu.vector_load_idx %arg5[%add3A_1125] : memref<25600xi32, #tpu.memory_space<vmem>>[vector<16xi32>], vector<16xi32>,
        %add3A_1127 = arith.constant 241 : i32
        %add3A_1128 = vector.broadcast %add3A_1127 : i32 to vector<16xi32>
        %add3A_1129 = arith.addi %mul3A_5, %add3A_1128 : vector<16xi32>
        tpu.vector_store_idx %arg6[%add3A_1129], %gather3A_1126 : memref<640xi32, #tpu.memory_space<vmem>>[vector<16xi32>], vector<16xi32>,
        %add3A_1130 = arith.constant 3200 : i32
        %add3A_1131 = arith.addi %add3A_1009, %add3A_1130 : i32
        %add3A_1132 = arith.constant 1 : i32
        %add3A_1133 = arith.addi %add3A_1131, %add3A_1132 : i32
        %add3A_1134 = vector.broadcast %add3A_1133 : i32 to vector<16xi32>
        %add3A_1135 = arith.addi %mul3A_8, %add3A_1134 : vector<16xi32>
        %gather3A_1136 = tpu.vector_load_idx %arg5[%add3A_1135] : memref<25600xi32, #tpu.memory_space<vmem>>[vector<16xi32>], vector<16xi32>,
        %add3A_1137 = arith.constant 321 : i32
        %add3A_1138 = vector.broadcast %add3A_1137 : i32 to vector<16xi32>
        %add3A_1139 = arith.addi %mul3A_5, %add3A_1138 : vector<16xi32>
        tpu.vector_store_idx %arg6[%add3A_1139], %gather3A_1136 : memref<640xi32, #tpu.memory_space<vmem>>[vector<16xi32>], vector<16xi32>,
        %add3A_1140 = arith.constant 4000 : i32
        %add3A_1141 = arith.addi %add3A_1009, %add3A_1140 : i32
        %add3A_1142 = arith.constant 1 : i32
        %add3A_1143 = arith.addi %add3A_1141, %add3A_1142 : i32
        %add3A_1144 = vector.broadcast %add3A_1143 : i32 to vector<16xi32>
        %add3A_1145 = arith.addi %mul3A_8, %add3A_1144 : vector<16xi32>
        %gather3A_1146 = tpu.vector_load_idx %arg5[%add3A_1145] : memref<25600xi32, #tpu.memory_space<vmem>>[vector<16xi32>], vector<16xi32>,
        %add3A_1147 = arith.constant 401 : i32
        %add3A_1148 = vector.broadcast %add3A_1147 : i32 to vector<16xi32>
        %add3A_1149 = arith.addi %mul3A_5, %add3A_1148 : vector<16xi32>
        tpu.vector_store_idx %arg6[%add3A_1149], %gather3A_1146 : memref<640xi32, #tpu.memory_space<vmem>>[vector<16xi32>], vector<16xi32>,
        %add3A_1150 = arith.constant 4800 : i32
        %add3A_1151 = arith.addi %add3A_1009, %add3A_1150 : i32
        %add3A_1152 = arith.constant 1 : i32
        %add3A_1153 = arith.addi %add3A_1151, %add3A_1152 : i32
        %add3A_1154 = vector.broadcast %add3A_1153 : i32 to vector<16xi32>
        %add3A_1155 = arith.addi %mul3A_8, %add3A_1154 : vector<16xi32>
        %gather3A_1156 = tpu.vector_load_idx %arg5[%add3A_1155] : memref<25600xi32, #tpu.memory_space<vmem>>[vector<16xi32>], vector<16xi32>,
        %add3A_1157 = arith.constant 481 : i32
        %add3A_1158 = vector.broadcast %add3A_1157 : i32 to vector<16xi32>
        %add3A_1159 = arith.addi %mul3A_5, %add3A_1158 : vector<16xi32>
        tpu.vector_store_idx %arg6[%add3A_1159], %gather3A_1156 : memref<640xi32, #tpu.memory_space<vmem>>[vector<16xi32>], vector<16xi32>,
        %add3A_1160 = arith.constant 5600 : i32
        %add3A_1161 = arith.addi %add3A_1009, %add3A_1160 : i32
        %add3A_1162 = arith.constant 1 : i32
        %add3A_1163 = arith.addi %add3A_1161, %add3A_1162 : i32
        %add3A_1164 = vector.broadcast %add3A_1163 : i32 to vector<16xi32>
        %add3A_1165 = arith.addi %mul3A_8, %add3A_1164 : vector<16xi32>
        %gather3A_1166 = tpu.vector_load_idx %arg5[%add3A_1165] : memref<25600xi32, #tpu.memory_space<vmem>>[vector<16xi32>], vector<16xi32>,
        %add3A_1167 = arith.constant 561 : i32
        %add3A_1168 = vector.broadcast %add3A_1167 : i32 to vector<16xi32>
        %add3A_1169 = arith.addi %mul3A_5, %add3A_1168 : vector<16xi32>
        tpu.vector_store_idx %arg6[%add3A_1169], %gather3A_1166 : memref<640xi32, #tpu.memory_space<vmem>>[vector<16xi32>], vector<16xi32>,
        %add3A_1170 = arith.constant 0 : i32
        %add3A_1171 = arith.addi %add3A_1009, %add3A_1170 : i32
        %add3A_1172 = arith.constant 2 : i32
        %add3A_1173 = arith.addi %add3A_1171, %add3A_1172 : i32
        %add3A_1174 = vector.broadcast %add3A_1173 : i32 to vector<16xi32>
        %add3A_1175 = arith.addi %mul3A_8, %add3A_1174 : vector<16xi32>
        %gather3A_1176 = tpu.vector_load_idx %arg5[%add3A_1175] : memref<25600xi32, #tpu.memory_space<vmem>>[vector<16xi32>], vector<16xi32>,
        %add3A_1177 = arith.constant 2 : i32
        %add3A_1178 = vector.broadcast %add3A_1177 : i32 to vector<16xi32>
        %add3A_1179 = arith.addi %mul3A_5, %add3A_1178 : vector<16xi32>
        tpu.vector_store_idx %arg6[%add3A_1179], %gather3A_1176 : memref<640xi32, #tpu.memory_space<vmem>>[vector<16xi32>], vector<16xi32>,
        %add3A_1180 = arith.constant 800 : i32
        %add3A_1181 = arith.addi %add3A_1009, %add3A_1180 : i32
        %add3A_1182 = arith.constant 2 : i32
        %add3A_1183 = arith.addi %add3A_1181, %add3A_1182 : i32
        %add3A_1184 = vector.broadcast %add3A_1183 : i32 to vector<16xi32>
        %add3A_1185 = arith.addi %mul3A_8, %add3A_1184 : vector<16xi32>
        %gather3A_1186 = tpu.vector_load_idx %arg5[%add3A_1185] : memref<25600xi32, #tpu.memory_space<vmem>>[vector<16xi32>], vector<16xi32>,
        %add3A_1187 = arith.constant 82 : i32
        %add3A_1188 = vector.broadcast %add3A_1187 : i32 to vector<16xi32>
        %add3A_1189 = arith.addi %mul3A_5, %add3A_1188 : vector<16xi32>
        tpu.vector_store_idx %arg6[%add3A_1189], %gather3A_1186 : memref<640xi32, #tpu.memory_space<vmem>>[vector<16xi32>], vector<16xi32>,
        %add3A_1190 = arith.constant 1600 : i32
        %add3A_1191 = arith.addi %add3A_1009, %add3A_1190 : i32
        %add3A_1192 = arith.constant 2 : i32
        %add3A_1193 = arith.addi %add3A_1191, %add3A_1192 : i32
        %add3A_1194 = vector.broadcast %add3A_1193 : i32 to vector<16xi32>
        %add3A_1195 = arith.addi %mul3A_8, %add3A_1194 : vector<16xi32>
        %gather3A_1196 = tpu.vector_load_idx %arg5[%add3A_1195] : memref<25600xi32, #tpu.memory_space<vmem>>[vector<16xi32>], vector<16xi32>,
        %add3A_1197 = arith.constant 162 : i32
        %add3A_1198 = vector.broadcast %add3A_1197 : i32 to vector<16xi32>
        %add3A_1199 = arith.addi %mul3A_5, %add3A_1198 : vector<16xi32>
        tpu.vector_store_idx %arg6[%add3A_1199], %gather3A_1196 : memref<640xi32, #tpu.memory_space<vmem>>[vector<16xi32>], vector<16xi32>,
        %add3A_1200 = arith.constant 2400 : i32
        %add3A_1201 = arith.addi %add3A_1009, %add3A_1200 : i32
        %add3A_1202 = arith.constant 2 : i32
        %add3A_1203 = arith.addi %add3A_1201, %add3A_1202 : i32
        %add3A_1204 = vector.broadcast %add3A_1203 : i32 to vector<16xi32>
        %add3A_1205 = arith.addi %mul3A_8, %add3A_1204 : vector<16xi32>
        %gather3A_1206 = tpu.vector_load_idx %arg5[%add3A_1205] : memref<25600xi32, #tpu.memory_space<vmem>>[vector<16xi32>], vector<16xi32>,
        %add3A_1207 = arith.constant 242 : i32
        %add3A_1208 = vector.broadcast %add3A_1207 : i32 to vector<16xi32>
        %add3A_1209 = arith.addi %mul3A_5, %add3A_1208 : vector<16xi32>
        tpu.vector_store_idx %arg6[%add3A_1209], %gather3A_1206 : memref<640xi32, #tpu.memory_space<vmem>>[vector<16xi32>], vector<16xi32>,
        %add3A_1210 = arith.constant 3200 : i32
        %add3A_1211 = arith.addi %add3A_1009, %add3A_1210 : i32
        %add3A_1212 = arith.constant 2 : i32
        %add3A_1213 = arith.addi %add3A_1211, %add3A_1212 : i32
        %add3A_1214 = vector.broadcast %add3A_1213 : i32 to vector<16xi32>
        %add3A_1215 = arith.addi %mul3A_8, %add3A_1214 : vector<16xi32>
        %gather3A_1216 = tpu.vector_load_idx %arg5[%add3A_1215] : memref<25600xi32, #tpu.memory_space<vmem>>[vector<16xi32>], vector<16xi32>,
        %add3A_1217 = arith.constant 322 : i32
        %add3A_1218 = vector.broadcast %add3A_1217 : i32 to vector<16xi32>
        %add3A_1219 = arith.addi %mul3A_5, %add3A_1218 : vector<16xi32>
        tpu.vector_store_idx %arg6[%add3A_1219], %gather3A_1216 : memref<640xi32, #tpu.memory_space<vmem>>[vector<16xi32>], vector<16xi32>,
        %add3A_1220 = arith.constant 4000 : i32
        %add3A_1221 = arith.addi %add3A_1009, %add3A_1220 : i32
        %add3A_1222 = arith.constant 2 : i32
        %add3A_1223 = arith.addi %add3A_1221, %add3A_1222 : i32
        %add3A_1224 = vector.broadcast %add3A_1223 : i32 to vector<16xi32>
        %add3A_1225 = arith.addi %mul3A_8, %add3A_1224 : vector<16xi32>
        %gather3A_1226 = tpu.vector_load_idx %arg5[%add3A_1225] : memref<25600xi32, #tpu.memory_space<vmem>>[vector<16xi32>], vector<16xi32>,
        %add3A_1227 = arith.constant 402 : i32
        %add3A_1228 = vector.broadcast %add3A_1227 : i32 to vector<16xi32>
        %add3A_1229 = arith.addi %mul3A_5, %add3A_1228 : vector<16xi32>
        tpu.vector_store_idx %arg6[%add3A_1229], %gather3A_1226 : memref<640xi32, #tpu.memory_space<vmem>>[vector<16xi32>], vector<16xi32>,
        %add3A_1230 = arith.constant 4800 : i32
        %add3A_1231 = arith.addi %add3A_1009, %add3A_1230 : i32
        %add3A_1232 = arith.constant 2 : i32
        %add3A_1233 = arith.addi %add3A_1231, %add3A_1232 : i32
        %add3A_1234 = vector.broadcast %add3A_1233 : i32 to vector<16xi32>
        %add3A_1235 = arith.addi %mul3A_8, %add3A_1234 : vector<16xi32>
        %gather3A_1236 = tpu.vector_load_idx %arg5[%add3A_1235] : memref<25600xi32, #tpu.memory_space<vmem>>[vector<16xi32>], vector<16xi32>,
        %add3A_1237 = arith.constant 482 : i32
        %add3A_1238 = vector.broadcast %add3A_1237 : i32 to vector<16xi32>
        %add3A_1239 = arith.addi %mul3A_5, %add3A_1238 : vector<16xi32>
        tpu.vector_store_idx %arg6[%add3A_1239], %gather3A_1236 : memref<640xi32, #tpu.memory_space<vmem>>[vector<16xi32>], vector<16xi32>,
        %add3A_1240 = arith.constant 5600 : i32
        %add3A_1241 = arith.addi %add3A_1009, %add3A_1240 : i32
        %add3A_1242 = arith.constant 2 : i32
        %add3A_1243 = arith.addi %add3A_1241, %add3A_1242 : i32
        %add3A_1244 = vector.broadcast %add3A_1243 : i32 to vector<16xi32>
        %add3A_1245 = arith.addi %mul3A_8, %add3A_1244 : vector<16xi32>
        %gather3A_1246 = tpu.vector_load_idx %arg5[%add3A_1245] : memref<25600xi32, #tpu.memory_space<vmem>>[vector<16xi32>], vector<16xi32>,
        %add3A_1247 = arith.constant 562 : i32
        %add3A_1248 = vector.broadcast %add3A_1247 : i32 to vector<16xi32>
        %add3A_1249 = arith.addi %mul3A_5, %add3A_1248 : vector<16xi32>
        tpu.vector_store_idx %arg6[%add3A_1249], %gather3A_1246 : memref<640xi32, #tpu.memory_space<vmem>>[vector<16xi32>], vector<16xi32>,
        %add3A_1250 = arith.constant 0 : i32
        %add3A_1251 = arith.addi %add3A_1009, %add3A_1250 : i32
        %add3A_1252 = arith.constant 3 : i32
        %add3A_1253 = arith.addi %add3A_1251, %add3A_1252 : i32
        %add3A_1254 = vector.broadcast %add3A_1253 : i32 to vector<16xi32>
        %add3A_1255 = arith.addi %mul3A_8, %add3A_1254 : vector<16xi32>
        %gather3A_1256 = tpu.vector_load_idx %arg5[%add3A_1255] : memref<25600xi32, #tpu.memory_space<vmem>>[vector<16xi32>], vector<16xi32>,
        %add3A_1257 = arith.constant 3 : i32
        %add3A_1258 = vector.broadcast %add3A_1257 : i32 to vector<16xi32>
        %add3A_1259 = arith.addi %mul3A_5, %add3A_1258 : vector<16xi32>
        tpu.vector_store_idx %arg6[%add3A_1259], %gather3A_1256 : memref<640xi32, #tpu.memory_space<vmem>>[vector<16xi32>], vector<16xi32>,
        %add3A_1260 = arith.constant 800 : i32
        %add3A_1261 = arith.addi %add3A_1009, %add3A_1260 : i32
        %add3A_1262 = arith.constant 3 : i32
        %add3A_1263 = arith.addi %add3A_1261, %add3A_1262 : i32
        %add3A_1264 = vector.broadcast %add3A_1263 : i32 to vector<16xi32>
        %add3A_1265 = arith.addi %mul3A_8, %add3A_1264 : vector<16xi32>
        %gather3A_1266 = tpu.vector_load_idx %arg5[%add3A_1265] : memref<25600xi32, #tpu.memory_space<vmem>>[vector<16xi32>], vector<16xi32>,
        %add3A_1267 = arith.constant 83 : i32
        %add3A_1268 = vector.broadcast %add3A_1267 : i32 to vector<16xi32>
        %add3A_1269 = arith.addi %mul3A_5, %add3A_1268 : vector<16xi32>
        tpu.vector_store_idx %arg6[%add3A_1269], %gather3A_1266 : memref<640xi32, #tpu.memory_space<vmem>>[vector<16xi32>], vector<16xi32>,
        %add3A_1270 = arith.constant 1600 : i32
        %add3A_1271 = arith.addi %add3A_1009, %add3A_1270 : i32
        %add3A_1272 = arith.constant 3 : i32
        %add3A_1273 = arith.addi %add3A_1271, %add3A_1272 : i32
        %add3A_1274 = vector.broadcast %add3A_1273 : i32 to vector<16xi32>
        %add3A_1275 = arith.addi %mul3A_8, %add3A_1274 : vector<16xi32>
        %gather3A_1276 = tpu.vector_load_idx %arg5[%add3A_1275] : memref<25600xi32, #tpu.memory_space<vmem>>[vector<16xi32>], vector<16xi32>,
        %add3A_1277 = arith.constant 163 : i32
        %add3A_1278 = vector.broadcast %add3A_1277 : i32 to vector<16xi32>
        %add3A_1279 = arith.addi %mul3A_5, %add3A_1278 : vector<16xi32>
        tpu.vector_store_idx %arg6[%add3A_1279], %gather3A_1276 : memref<640xi32, #tpu.memory_space<vmem>>[vector<16xi32>], vector<16xi32>,
        %add3A_1280 = arith.constant 2400 : i32
        %add3A_1281 = arith.addi %add3A_1009, %add3A_1280 : i32
        %add3A_1282 = arith.constant 3 : i32
        %add3A_1283 = arith.addi %add3A_1281, %add3A_1282 : i32
        %add3A_1284 = vector.broadcast %add3A_1283 : i32 to vector<16xi32>
        %add3A_1285 = arith.addi %mul3A_8, %add3A_1284 : vector<16xi32>
        %gather3A_1286 = tpu.vector_load_idx %arg5[%add3A_1285] : memref<25600xi32, #tpu.memory_space<vmem>>[vector<16xi32>], vector<16xi32>,
        %add3A_1287 = arith.constant 243 : i32
        %add3A_1288 = vector.broadcast %add3A_1287 : i32 to vector<16xi32>
        %add3A_1289 = arith.addi %mul3A_5, %add3A_1288 : vector<16xi32>
        tpu.vector_store_idx %arg6[%add3A_1289], %gather3A_1286 : memref<640xi32, #tpu.memory_space<vmem>>[vector<16xi32>], vector<16xi32>,
        %add3A_1290 = arith.constant 3200 : i32
        %add3A_1291 = arith.addi %add3A_1009, %add3A_1290 : i32
        %add3A_1292 = arith.constant 3 : i32
        %add3A_1293 = arith.addi %add3A_1291, %add3A_1292 : i32
        %add3A_1294 = vector.broadcast %add3A_1293 : i32 to vector<16xi32>
        %add3A_1295 = arith.addi %mul3A_8, %add3A_1294 : vector<16xi32>
        %gather3A_1296 = tpu.vector_load_idx %arg5[%add3A_1295] : memref<25600xi32, #tpu.memory_space<vmem>>[vector<16xi32>], vector<16xi32>,
        %add3A_1297 = arith.constant 323 : i32
        %add3A_1298 = vector.broadcast %add3A_1297 : i32 to vector<16xi32>
        %add3A_1299 = arith.addi %mul3A_5, %add3A_1298 : vector<16xi32>
        tpu.vector_store_idx %arg6[%add3A_1299], %gather3A_1296 : memref<640xi32, #tpu.memory_space<vmem>>[vector<16xi32>], vector<16xi32>,
        %add3A_1300 = arith.constant 4000 : i32
        %add3A_1301 = arith.addi %add3A_1009, %add3A_1300 : i32
        %add3A_1302 = arith.constant 3 : i32
        %add3A_1303 = arith.addi %add3A_1301, %add3A_1302 : i32
        %add3A_1304 = vector.broadcast %add3A_1303 : i32 to vector<16xi32>
        %add3A_1305 = arith.addi %mul3A_8, %add3A_1304 : vector<16xi32>
        %gather3A_1306 = tpu.vector_load_idx %arg5[%add3A_1305] : memref<25600xi32, #tpu.memory_space<vmem>>[vector<16xi32>], vector<16xi32>,
        %add3A_1307 = arith.constant 403 : i32
        %add3A_1308 = vector.broadcast %add3A_1307 : i32 to vector<16xi32>
        %add3A_1309 = arith.addi %mul3A_5, %add3A_1308 : vector<16xi32>
        tpu.vector_store_idx %arg6[%add3A_1309], %gather3A_1306 : memref<640xi32, #tpu.memory_space<vmem>>[vector<16xi32>], vector<16xi32>,
        %add3A_1310 = arith.constant 4800 : i32
        %add3A_1311 = arith.addi %add3A_1009, %add3A_1310 : i32
        %add3A_1312 = arith.constant 3 : i32
        %add3A_1313 = arith.addi %add3A_1311, %add3A_1312 : i32
        %add3A_1314 = vector.broadcast %add3A_1313 : i32 to vector<16xi32>
        %add3A_1315 = arith.addi %mul3A_8, %add3A_1314 : vector<16xi32>
        %gather3A_1316 = tpu.vector_load_idx %arg5[%add3A_1315] : memref<25600xi32, #tpu.memory_space<vmem>>[vector<16xi32>], vector<16xi32>,
        %add3A_1317 = arith.constant 483 : i32
        %add3A_1318 = vector.broadcast %add3A_1317 : i32 to vector<16xi32>
        %add3A_1319 = arith.addi %mul3A_5, %add3A_1318 : vector<16xi32>
        tpu.vector_store_idx %arg6[%add3A_1319], %gather3A_1316 : memref<640xi32, #tpu.memory_space<vmem>>[vector<16xi32>], vector<16xi32>,
        %add3A_1320 = arith.constant 5600 : i32
        %add3A_1321 = arith.addi %add3A_1009, %add3A_1320 : i32
        %add3A_1322 = arith.constant 3 : i32
        %add3A_1323 = arith.addi %add3A_1321, %add3A_1322 : i32
        %add3A_1324 = vector.broadcast %add3A_1323 : i32 to vector<16xi32>
        %add3A_1325 = arith.addi %mul3A_8, %add3A_1324 : vector<16xi32>
        %gather3A_1326 = tpu.vector_load_idx %arg5[%add3A_1325] : memref<25600xi32, #tpu.memory_space<vmem>>[vector<16xi32>], vector<16xi32>,
        %add3A_1327 = arith.constant 563 : i32
        %add3A_1328 = vector.broadcast %add3A_1327 : i32 to vector<16xi32>
        %add3A_1329 = arith.addi %mul3A_5, %add3A_1328 : vector<16xi32>
        tpu.vector_store_idx %arg6[%add3A_1329], %gather3A_1326 : memref<640xi32, #tpu.memory_space<vmem>>[vector<16xi32>], vector<16xi32>,
        %add3A_1330 = arith.constant 0 : i32
        %add3A_1331 = arith.addi %add3A_1009, %add3A_1330 : i32
        %add3A_1332 = arith.constant 4 : i32
        %add3A_1333 = arith.addi %add3A_1331, %add3A_1332 : i32
        %add3A_1334 = vector.broadcast %add3A_1333 : i32 to vector<16xi32>
        %add3A_1335 = arith.addi %mul3A_8, %add3A_1334 : vector<16xi32>
        %gather3A_1336 = tpu.vector_load_idx %arg5[%add3A_1335] : memref<25600xi32, #tpu.memory_space<vmem>>[vector<16xi32>], vector<16xi32>,
        %add3A_1337 = arith.constant 4 : i32
        %add3A_1338 = vector.broadcast %add3A_1337 : i32 to vector<16xi32>
        %add3A_1339 = arith.addi %mul3A_5, %add3A_1338 : vector<16xi32>
        tpu.vector_store_idx %arg6[%add3A_1339], %gather3A_1336 : memref<640xi32, #tpu.memory_space<vmem>>[vector<16xi32>], vector<16xi32>,
        %add3A_1340 = arith.constant 800 : i32
        %add3A_1341 = arith.addi %add3A_1009, %add3A_1340 : i32
        %add3A_1342 = arith.constant 4 : i32
        %add3A_1343 = arith.addi %add3A_1341, %add3A_1342 : i32
        %add3A_1344 = vector.broadcast %add3A_1343 : i32 to vector<16xi32>
        %add3A_1345 = arith.addi %mul3A_8, %add3A_1344 : vector<16xi32>
        %gather3A_1346 = tpu.vector_load_idx %arg5[%add3A_1345] : memref<25600xi32, #tpu.memory_space<vmem>>[vector<16xi32>], vector<16xi32>,
        %add3A_1347 = arith.constant 84 : i32
        %add3A_1348 = vector.broadcast %add3A_1347 : i32 to vector<16xi32>
        %add3A_1349 = arith.addi %mul3A_5, %add3A_1348 : vector<16xi32>
        tpu.vector_store_idx %arg6[%add3A_1349], %gather3A_1346 : memref<640xi32, #tpu.memory_space<vmem>>[vector<16xi32>], vector<16xi32>,
        %add3A_1350 = arith.constant 1600 : i32
        %add3A_1351 = arith.addi %add3A_1009, %add3A_1350 : i32
        %add3A_1352 = arith.constant 4 : i32
        %add3A_1353 = arith.addi %add3A_1351, %add3A_1352 : i32
        %add3A_1354 = vector.broadcast %add3A_1353 : i32 to vector<16xi32>
        %add3A_1355 = arith.addi %mul3A_8, %add3A_1354 : vector<16xi32>
        %gather3A_1356 = tpu.vector_load_idx %arg5[%add3A_1355] : memref<25600xi32, #tpu.memory_space<vmem>>[vector<16xi32>], vector<16xi32>,
        %add3A_1357 = arith.constant 164 : i32
        %add3A_1358 = vector.broadcast %add3A_1357 : i32 to vector<16xi32>
        %add3A_1359 = arith.addi %mul3A_5, %add3A_1358 : vector<16xi32>
        tpu.vector_store_idx %arg6[%add3A_1359], %gather3A_1356 : memref<640xi32, #tpu.memory_space<vmem>>[vector<16xi32>], vector<16xi32>,
        %add3A_1360 = arith.constant 2400 : i32
        %add3A_1361 = arith.addi %add3A_1009, %add3A_1360 : i32
        %add3A_1362 = arith.constant 4 : i32
        %add3A_1363 = arith.addi %add3A_1361, %add3A_1362 : i32
        %add3A_1364 = vector.broadcast %add3A_1363 : i32 to vector<16xi32>
        %add3A_1365 = arith.addi %mul3A_8, %add3A_1364 : vector<16xi32>
        %gather3A_1366 = tpu.vector_load_idx %arg5[%add3A_1365] : memref<25600xi32, #tpu.memory_space<vmem>>[vector<16xi32>], vector<16xi32>,
        %add3A_1367 = arith.constant 244 : i32
        %add3A_1368 = vector.broadcast %add3A_1367 : i32 to vector<16xi32>
        %add3A_1369 = arith.addi %mul3A_5, %add3A_1368 : vector<16xi32>
        tpu.vector_store_idx %arg6[%add3A_1369], %gather3A_1366 : memref<640xi32, #tpu.memory_space<vmem>>[vector<16xi32>], vector<16xi32>,
        %add3A_1370 = arith.constant 3200 : i32
        %add3A_1371 = arith.addi %add3A_1009, %add3A_1370 : i32
        %add3A_1372 = arith.constant 4 : i32
        %add3A_1373 = arith.addi %add3A_1371, %add3A_1372 : i32
        %add3A_1374 = vector.broadcast %add3A_1373 : i32 to vector<16xi32>
        %add3A_1375 = arith.addi %mul3A_8, %add3A_1374 : vector<16xi32>
        %gather3A_1376 = tpu.vector_load_idx %arg5[%add3A_1375] : memref<25600xi32, #tpu.memory_space<vmem>>[vector<16xi32>], vector<16xi32>,
        %add3A_1377 = arith.constant 324 : i32
        %add3A_1378 = vector.broadcast %add3A_1377 : i32 to vector<16xi32>
        %add3A_1379 = arith.addi %mul3A_5, %add3A_1378 : vector<16xi32>
        tpu.vector_store_idx %arg6[%add3A_1379], %gather3A_1376 : memref<640xi32, #tpu.memory_space<vmem>>[vector<16xi32>], vector<16xi32>,
        %add3A_1380 = arith.constant 4000 : i32
        %add3A_1381 = arith.addi %add3A_1009, %add3A_1380 : i32
        %add3A_1382 = arith.constant 4 : i32
        %add3A_1383 = arith.addi %add3A_1381, %add3A_1382 : i32
        %add3A_1384 = vector.broadcast %add3A_1383 : i32 to vector<16xi32>
        %add3A_1385 = arith.addi %mul3A_8, %add3A_1384 : vector<16xi32>
        %gather3A_1386 = tpu.vector_load_idx %arg5[%add3A_1385] : memref<25600xi32, #tpu.memory_space<vmem>>[vector<16xi32>], vector<16xi32>,
        %add3A_1387 = arith.constant 404 : i32
        %add3A_1388 = vector.broadcast %add3A_1387 : i32 to vector<16xi32>
        %add3A_1389 = arith.addi %mul3A_5, %add3A_1388 : vector<16xi32>
        tpu.vector_store_idx %arg6[%add3A_1389], %gather3A_1386 : memref<640xi32, #tpu.memory_space<vmem>>[vector<16xi32>], vector<16xi32>,
        %add3A_1390 = arith.constant 4800 : i32
        %add3A_1391 = arith.addi %add3A_1009, %add3A_1390 : i32
        %add3A_1392 = arith.constant 4 : i32
        %add3A_1393 = arith.addi %add3A_1391, %add3A_1392 : i32
        %add3A_1394 = vector.broadcast %add3A_1393 : i32 to vector<16xi32>
        %add3A_1395 = arith.addi %mul3A_8, %add3A_1394 : vector<16xi32>
        %gather3A_1396 = tpu.vector_load_idx %arg5[%add3A_1395] : memref<25600xi32, #tpu.memory_space<vmem>>[vector<16xi32>], vector<16xi32>,
        %add3A_1397 = arith.constant 484 : i32
        %add3A_1398 = vector.broadcast %add3A_1397 : i32 to vector<16xi32>
        %add3A_1399 = arith.addi %mul3A_5, %add3A_1398 : vector<16xi32>
        tpu.vector_store_idx %arg6[%add3A_1399], %gather3A_1396 : memref<640xi32, #tpu.memory_space<vmem>>[vector<16xi32>], vector<16xi32>,
        %add3A_1400 = arith.constant 5600 : i32
        %add3A_1401 = arith.addi %add3A_1009, %add3A_1400 : i32
        %add3A_1402 = arith.constant 4 : i32
        %add3A_1403 = arith.addi %add3A_1401, %add3A_1402 : i32
        %add3A_1404 = vector.broadcast %add3A_1403 : i32 to vector<16xi32>
        %add3A_1405 = arith.addi %mul3A_8, %add3A_1404 : vector<16xi32>
        %gather3A_1406 = tpu.vector_load_idx %arg5[%add3A_1405] : memref<25600xi32, #tpu.memory_space<vmem>>[vector<16xi32>], vector<16xi32>,
        %add3A_1407 = arith.constant 564 : i32
        %add3A_1408 = vector.broadcast %add3A_1407 : i32 to vector<16xi32>
        %add3A_1409 = arith.addi %mul3A_5, %add3A_1408 : vector<16xi32>
        tpu.vector_store_idx %arg6[%add3A_1409], %gather3A_1406 : memref<640xi32, #tpu.memory_space<vmem>>[vector<16xi32>], vector<16xi32>,
        %dma_start3A_1410 = arith.constant 0 : i32
        %dma_start3A_1411 = arith.constant 0 : i32
        %dma_start3A_1412 = tpu.memref_slice %arg3[%dma_start3A_1410, %dma_start3A_1411] : memref<1000000x32xf32, #tpu.memory_space<hbm>> -> memref<1000000x32xf32, #tpu.memory_space<hbm>>
        tpu.enqueue_indirect_dma source(%dma_start3A_1412 : memref<1000000x32xf32, #tpu.memory_space<hbm>>) target(%arg8 : memref<640x32xf32, #tpu.memory_space<vmem>>) offsets(%arg6 : memref<640xi32, #tpu.memory_space<vmem>>) semaphore(%arg12 : memref<!tpu.dma_semaphore, #tpu.memory_space<semaphore_mem>>)
      } else {
      }
      %gt3A_956 = arith.constant 0 : i32
      %gt3A_957 = arith.cmpi sgt, %add3A_491, %gt3A_956 : i32
      %convert_element_type3A_958 = arith.extui %gt3A_957 : i1 to i32
      %cond3A_959 = arith.constant 0 : i32
      %cond3A_960 = arith.cmpi ne, %convert_element_type3A_958, %cond3A_959 : i32
      scf.if %cond3A_960 {
        %sub3A = arith.constant 1 : i32
        %sub3A_997 = arith.subi %add3A_491, %sub3A : i32
        %and3A_998 = arith.constant 3 : i32
        %and3A_999 = arith.andi %sub3A_997, %and3A_998 : i32
        %shift_right_logical3A_1000 = arith.constant 2 : i32
        %shift_right_logical3A_1001 = arith.shrui %sub3A_997, %shift_right_logical3A_1000 : i32
        %mul3A_1002 = arith.constant 5 : i32
        %mul3A_1003 = arith.muli %shift_right_logical3A_1001, %mul3A_1002 : i32
        %mul3A_1004 = arith.constant 4 : i32
        %mul3A_1005 = arith.muli %add3A, %mul3A_1004 : i32
        %add3A_1006 = arith.addi %mul3A_1005, %and3A_999 : i32
        %dma_wait3A_1007 = arith.constant 0 : i32
        %dma_wait3A_1008 = arith.constant 0 : i32
        %dma_wait3A_1009 = arith.constant 0 : i32
        %dma_wait3A_1010 = arith.constant 0 : i32
        %dma_wait3A_1011 = arith.constant 0 : i32
        %dma_wait3A_1012 = tpu.memref_slice %arg11[%dma_wait3A_1007, %dma_wait3A_1008, %dma_wait3A_1009, %dma_wait3A_1010, %dma_wait3A_1011] : memref<5x4x1x8x129xf32, #tpu.memory_space<vmem>> -> memref<5x4x1x8x128xf32, #tpu.memory_space<vmem>>
        %dma_wait3A_1013 = arith.constant 0 : i32
        %dma_wait3A_1014 = arith.constant 0 : i32
        %dma_wait3A_1015 = arith.constant 0 : i32
        %dma_wait3A_1016 = tpu.memref_slice %arg4[%mul3A_1003, %dma_wait3A_1013, %add3A_1006, %dma_wait3A_1014, %dma_wait3A_1015] : memref<50x4x128x8x128xf32, #tpu.memory_space<hbm>> -> memref<5x4x1x8x128xf32, #tpu.memory_space<hbm>>
        %dma_wait3A_1017 = arith.constant 0 : i32
        %dma_wait3A_1018 = arith.constant 0 : i32
        %dma_wait3A_1019 = arith.constant 0 : i32
        %dma_wait3A_1020 = tpu.memref_slice %arg4[%mul3A_1003, %dma_wait3A_1017, %add3A_1006, %dma_wait3A_1018, %dma_wait3A_1019] : memref<50x4x128x8x128xf32, #tpu.memory_space<hbm>> -> memref<5x4x1x8x128xf32, #tpu.memory_space<hbm>>
        %dma_wait3A_1021 = arith.constant 0 : i32
        %dma_wait3A_1022 = arith.constant 0 : i32
        %dma_wait3A_1023 = arith.constant 0 : i32
        %dma_wait3A_1024 = arith.constant 0 : i32
        %dma_wait3A_1025 = arith.constant 0 : i32
        %dma_wait3A_1026 = tpu.memref_slice %arg11[%dma_wait3A_1021, %dma_wait3A_1022, %dma_wait3A_1023, %dma_wait3A_1024, %dma_wait3A_1025] : memref<5x4x1x8x129xf32, #tpu.memory_space<vmem>> -> memref<5x4x1x8x128xf32, #tpu.memory_space<vmem>>
        tpu.wait_dma2 semaphore(%arg15 : memref<!tpu.dma_semaphore, #tpu.memory_space<semaphore_mem>>) src(%dma_wait3A_1026 : memref<5x4x1x8x128xf32, #tpu.memory_space<vmem>>) dst(%dma_wait3A_1020 : memref<5x4x1x8x128xf32, #tpu.memory_space<hbm>>)
      } else {
      }
      %scan3A_961 = arith.constant 0 : i32
      %scan3A_962 = arith.constant 128 : i32
      %scan3A_963 = arith.addi %scan3A_961, %scan3A_962 : i32
      %scan3A_964 = arith.constant 1 : i32
      scf.for %scan3A_997 = %scan3A_961 to %scan3A_963 step %scan3A_964  : i32 {
        %mul3A_998 = arith.constant 1 : i32
        %mul3A_999 = arith.muli %scan3A_997, %mul3A_998 : i32
        %add3A_1000 = arith.constant 0 : i32
        %add3A_1001 = arith.addi %add3A_1000, %mul3A_999 : i32
        %broadcast_in_dim3A_1002 = vector.broadcast %add3A_1001 : i32 to vector<16xi32>
        %mul3A_1003 = arith.constant 5 : i32
        %mul3A_1004 = arith.muli %add3A_1001, %mul3A_1003 : i32
        %add3A_1005 = arith.constant 0 : i32
        %add3A_1006 = arith.addi %mul3A_1004, %add3A_1005 : i32
        %broadcast_in_dim3A_1007 = arith.constant 0 : i32
        %broadcast_in_dim3A_1008 = vector.broadcast %broadcast_in_dim3A_1007 : i32 to vector<16xi32>
        %get3A = arith.index_cast %add3A_1006 : i32 to index
        %get3A_1009 = arith.constant 0 : index
        %get3A_1010 = tpu.vector_load %arg9[%get3A, %get3A_1009] {strides = array<i32>} : memref<640x32xf32, #tpu.memory_space<vmem>>, vector<16xf32>,
        %add3A_1011 = arith.constant 0 : i32
        %add3A_1012 = vector.broadcast %add3A_1011 : i32 to vector<16xi32>
        %add3A_1013 = arith.addi %iota3A, %add3A_1012 : vector<16xi32>
        %shift_right_logical3A_1014 = arith.constant 3 : i32
        %shift_right_logical3A_1015 = vector.broadcast %shift_right_logical3A_1014 : i32 to vector<16xi32>
        %shift_right_logical3A_1016 = arith.shrui %add3A_1013, %shift_right_logical3A_1015 : vector<16xi32>
        %and3A_1017 = arith.constant 7 : i32
        %and3A_1018 = vector.broadcast %and3A_1017 : i32 to vector<16xi32>
        %and3A_1019 = arith.andi %add3A_1013, %and3A_1018 : vector<16xi32>
        tpu.vector_store_idx %arg11[%broadcast_in_dim3A_1008, %shift_right_logical3A_1016, %broadcast_in_dim3A_9, %and3A_1019, %broadcast_in_dim3A_1002], %get3A_1010 : memref<5x4x1x8x129xf32, #tpu.memory_space<vmem>>[vector<16xi32>, vector<16xi32>, vector<16xi32>, vector<16xi32>, vector<16xi32>], vector<16xf32>,
        %get3A_1020 = arith.index_cast %add3A_1006 : i32 to index
        %get3A_1021 = arith.constant 16 : index
        %get3A_1022 = tpu.vector_load %arg9[%get3A_1020, %get3A_1021] {strides = array<i32>} : memref<640x32xf32, #tpu.memory_space<vmem>>, vector<16xf32>,
        %add3A_1023 = arith.constant 16 : i32
        %add3A_1024 = vector.broadcast %add3A_1023 : i32 to vector<16xi32>
        %add3A_1025 = arith.addi %iota3A, %add3A_1024 : vector<16xi32>
        %shift_right_logical3A_1026 = arith.constant 3 : i32
        %shift_right_logical3A_1027 = vector.broadcast %shift_right_logical3A_1026 : i32 to vector<16xi32>
        %shift_right_logical3A_1028 = arith.shrui %add3A_1025, %shift_right_logical3A_1027 : vector<16xi32>
        %and3A_1029 = arith.constant 7 : i32
        %and3A_1030 = vector.broadcast %and3A_1029 : i32 to vector<16xi32>
        %and3A_1031 = arith.andi %add3A_1025, %and3A_1030 : vector<16xi32>
        tpu.vector_store_idx %arg11[%broadcast_in_dim3A_1008, %shift_right_logical3A_1028, %broadcast_in_dim3A_9, %and3A_1031, %broadcast_in_dim3A_1002], %get3A_1022 : memref<5x4x1x8x129xf32, #tpu.memory_space<vmem>>[vector<16xi32>, vector<16xi32>, vector<16xi32>, vector<16xi32>, vector<16xi32>], vector<16xf32>,
        %mul3A_1032 = arith.constant 5 : i32
        %mul3A_1033 = arith.muli %add3A_1001, %mul3A_1032 : i32
        %add3A_1034 = arith.constant 1 : i32
        %add3A_1035 = arith.addi %mul3A_1033, %add3A_1034 : i32
        %broadcast_in_dim3A_1036 = arith.constant 1 : i32
        %broadcast_in_dim3A_1037 = vector.broadcast %broadcast_in_dim3A_1036 : i32 to vector<16xi32>
        %get3A_1038 = arith.index_cast %add3A_1035 : i32 to index
        %get3A_1039 = arith.constant 0 : index
        %get3A_1040 = tpu.vector_load %arg9[%get3A_1038, %get3A_1039] {strides = array<i32>} : memref<640x32xf32, #tpu.memory_space<vmem>>, vector<16xf32>,
        %add3A_1041 = arith.constant 0 : i32
        %add3A_1042 = vector.broadcast %add3A_1041 : i32 to vector<16xi32>
        %add3A_1043 = arith.addi %iota3A, %add3A_1042 : vector<16xi32>
        %shift_right_logical3A_1044 = arith.constant 3 : i32
        %shift_right_logical3A_1045 = vector.broadcast %shift_right_logical3A_1044 : i32 to vector<16xi32>
        %shift_right_logical3A_1046 = arith.shrui %add3A_1043, %shift_right_logical3A_1045 : vector<16xi32>
        %and3A_1047 = arith.constant 7 : i32
        %and3A_1048 = vector.broadcast %and3A_1047 : i32 to vector<16xi32>
        %and3A_1049 = arith.andi %add3A_1043, %and3A_1048 : vector<16xi32>
        tpu.vector_store_idx %arg11[%broadcast_in_dim3A_1037, %shift_right_logical3A_1046, %broadcast_in_dim3A_9, %and3A_1049, %broadcast_in_dim3A_1002], %get3A_1040 : memref<5x4x1x8x129xf32, #tpu.memory_space<vmem>>[vector<16xi32>, vector<16xi32>, vector<16xi32>, vector<16xi32>, vector<16xi32>], vector<16xf32>,
        %get3A_1050 = arith.index_cast %add3A_1035 : i32 to index
        %get3A_1051 = arith.constant 16 : index
        %get3A_1052 = tpu.vector_load %arg9[%get3A_1050, %get3A_1051] {strides = array<i32>} : memref<640x32xf32, #tpu.memory_space<vmem>>, vector<16xf32>,
        %add3A_1053 = arith.constant 16 : i32
        %add3A_1054 = vector.broadcast %add3A_1053 : i32 to vector<16xi32>
        %add3A_1055 = arith.addi %iota3A, %add3A_1054 : vector<16xi32>
        %shift_right_logical3A_1056 = arith.constant 3 : i32
        %shift_right_logical3A_1057 = vector.broadcast %shift_right_logical3A_1056 : i32 to vector<16xi32>
        %shift_right_logical3A_1058 = arith.shrui %add3A_1055, %shift_right_logical3A_1057 : vector<16xi32>
        %and3A_1059 = arith.constant 7 : i32
        %and3A_1060 = vector.broadcast %and3A_1059 : i32 to vector<16xi32>
        %and3A_1061 = arith.andi %add3A_1055, %and3A_1060 : vector<16xi32>
        tpu.vector_store_idx %arg11[%broadcast_in_dim3A_1037, %shift_right_logical3A_1058, %broadcast_in_dim3A_9, %and3A_1061, %broadcast_in_dim3A_1002], %get3A_1052 : memref<5x4x1x8x129xf32, #tpu.memory_space<vmem>>[vector<16xi32>, vector<16xi32>, vector<16xi32>, vector<16xi32>, vector<16xi32>], vector<16xf32>,
        %mul3A_1062 = arith.constant 5 : i32
        %mul3A_1063 = arith.muli %add3A_1001, %mul3A_1062 : i32
        %add3A_1064 = arith.constant 2 : i32
        %add3A_1065 = arith.addi %mul3A_1063, %add3A_1064 : i32
        %broadcast_in_dim3A_1066 = arith.constant 2 : i32
        %broadcast_in_dim3A_1067 = vector.broadcast %broadcast_in_dim3A_1066 : i32 to vector<16xi32>
        %get3A_1068 = arith.index_cast %add3A_1065 : i32 to index
        %get3A_1069 = arith.constant 0 : index
        %get3A_1070 = tpu.vector_load %arg9[%get3A_1068, %get3A_1069] {strides = array<i32>} : memref<640x32xf32, #tpu.memory_space<vmem>>, vector<16xf32>,
        %add3A_1071 = arith.constant 0 : i32
        %add3A_1072 = vector.broadcast %add3A_1071 : i32 to vector<16xi32>
        %add3A_1073 = arith.addi %iota3A, %add3A_1072 : vector<16xi32>
        %shift_right_logical3A_1074 = arith.constant 3 : i32
        %shift_right_logical3A_1075 = vector.broadcast %shift_right_logical3A_1074 : i32 to vector<16xi32>
        %shift_right_logical3A_1076 = arith.shrui %add3A_1073, %shift_right_logical3A_1075 : vector<16xi32>
        %and3A_1077 = arith.constant 7 : i32
        %and3A_1078 = vector.broadcast %and3A_1077 : i32 to vector<16xi32>
        %and3A_1079 = arith.andi %add3A_1073, %and3A_1078 : vector<16xi32>
        tpu.vector_store_idx %arg11[%broadcast_in_dim3A_1067, %shift_right_logical3A_1076, %broadcast_in_dim3A_9, %and3A_1079, %broadcast_in_dim3A_1002], %get3A_1070 : memref<5x4x1x8x129xf32, #tpu.memory_space<vmem>>[vector<16xi32>, vector<16xi32>, vector<16xi32>, vector<16xi32>, vector<16xi32>], vector<16xf32>,
        %get3A_1080 = arith.index_cast %add3A_1065 : i32 to index
        %get3A_1081 = arith.constant 16 : index
        %get3A_1082 = tpu.vector_load %arg9[%get3A_1080, %get3A_1081] {strides = array<i32>} : memref<640x32xf32, #tpu.memory_space<vmem>>, vector<16xf32>,
        %add3A_1083 = arith.constant 16 : i32
        %add3A_1084 = vector.broadcast %add3A_1083 : i32 to vector<16xi32>
        %add3A_1085 = arith.addi %iota3A, %add3A_1084 : vector<16xi32>
        %shift_right_logical3A_1086 = arith.constant 3 : i32
        %shift_right_logical3A_1087 = vector.broadcast %shift_right_logical3A_1086 : i32 to vector<16xi32>
        %shift_right_logical3A_1088 = arith.shrui %add3A_1085, %shift_right_logical3A_1087 : vector<16xi32>
        %and3A_1089 = arith.constant 7 : i32
        %and3A_1090 = vector.broadcast %and3A_1089 : i32 to vector<16xi32>
        %and3A_1091 = arith.andi %add3A_1085, %and3A_1090 : vector<16xi32>
        tpu.vector_store_idx %arg11[%broadcast_in_dim3A_1067, %shift_right_logical3A_1088, %broadcast_in_dim3A_9, %and3A_1091, %broadcast_in_dim3A_1002], %get3A_1082 : memref<5x4x1x8x129xf32, #tpu.memory_space<vmem>>[vector<16xi32>, vector<16xi32>, vector<16xi32>, vector<16xi32>, vector<16xi32>], vector<16xf32>,
        %mul3A_1092 = arith.constant 5 : i32
        %mul3A_1093 = arith.muli %add3A_1001, %mul3A_1092 : i32
        %add3A_1094 = arith.constant 3 : i32
        %add3A_1095 = arith.addi %mul3A_1093, %add3A_1094 : i32
        %broadcast_in_dim3A_1096 = arith.constant 3 : i32
        %broadcast_in_dim3A_1097 = vector.broadcast %broadcast_in_dim3A_1096 : i32 to vector<16xi32>
        %get3A_1098 = arith.index_cast %add3A_1095 : i32 to index
        %get3A_1099 = arith.constant 0 : index
        %get3A_1100 = tpu.vector_load %arg9[%get3A_1098, %get3A_1099] {strides = array<i32>} : memref<640x32xf32, #tpu.memory_space<vmem>>, vector<16xf32>,
        %add3A_1101 = arith.constant 0 : i32
        %add3A_1102 = vector.broadcast %add3A_1101 : i32 to vector<16xi32>
        %add3A_1103 = arith.addi %iota3A, %add3A_1102 : vector<16xi32>
        %shift_right_logical3A_1104 = arith.constant 3 : i32
        %shift_right_logical3A_1105 = vector.broadcast %shift_right_logical3A_1104 : i32 to vector<16xi32>
        %shift_right_logical3A_1106 = arith.shrui %add3A_1103, %shift_right_logical3A_1105 : vector<16xi32>
        %and3A_1107 = arith.constant 7 : i32
        %and3A_1108 = vector.broadcast %and3A_1107 : i32 to vector<16xi32>
        %and3A_1109 = arith.andi %add3A_1103, %and3A_1108 : vector<16xi32>
        tpu.vector_store_idx %arg11[%broadcast_in_dim3A_1097, %shift_right_logical3A_1106, %broadcast_in_dim3A_9, %and3A_1109, %broadcast_in_dim3A_1002], %get3A_1100 : memref<5x4x1x8x129xf32, #tpu.memory_space<vmem>>[vector<16xi32>, vector<16xi32>, vector<16xi32>, vector<16xi32>, vector<16xi32>], vector<16xf32>,
        %get3A_1110 = arith.index_cast %add3A_1095 : i32 to index
        %get3A_1111 = arith.constant 16 : index
        %get3A_1112 = tpu.vector_load %arg9[%get3A_1110, %get3A_1111] {strides = array<i32>} : memref<640x32xf32, #tpu.memory_space<vmem>>, vector<16xf32>,
        %add3A_1113 = arith.constant 16 : i32
        %add3A_1114 = vector.broadcast %add3A_1113 : i32 to vector<16xi32>
        %add3A_1115 = arith.addi %iota3A, %add3A_1114 : vector<16xi32>
        %shift_right_logical3A_1116 = arith.constant 3 : i32
        %shift_right_logical3A_1117 = vector.broadcast %shift_right_logical3A_1116 : i32 to vector<16xi32>
        %shift_right_logical3A_1118 = arith.shrui %add3A_1115, %shift_right_logical3A_1117 : vector<16xi32>
        %and3A_1119 = arith.constant 7 : i32
        %and3A_1120 = vector.broadcast %and3A_1119 : i32 to vector<16xi32>
        %and3A_1121 = arith.andi %add3A_1115, %and3A_1120 : vector<16xi32>
        tpu.vector_store_idx %arg11[%broadcast_in_dim3A_1097, %shift_right_logical3A_1118, %broadcast_in_dim3A_9, %and3A_1121, %broadcast_in_dim3A_1002], %get3A_1112 : memref<5x4x1x8x129xf32, #tpu.memory_space<vmem>>[vector<16xi32>, vector<16xi32>, vector<16xi32>, vector<16xi32>, vector<16xi32>], vector<16xf32>,
        %mul3A_1122 = arith.constant 5 : i32
        %mul3A_1123 = arith.muli %add3A_1001, %mul3A_1122 : i32
        %add3A_1124 = arith.constant 4 : i32
        %add3A_1125 = arith.addi %mul3A_1123, %add3A_1124 : i32
        %broadcast_in_dim3A_1126 = arith.constant 4 : i32
        %broadcast_in_dim3A_1127 = vector.broadcast %broadcast_in_dim3A_1126 : i32 to vector<16xi32>
        %get3A_1128 = arith.index_cast %add3A_1125 : i32 to index
        %get3A_1129 = arith.constant 0 : index
        %get3A_1130 = tpu.vector_load %arg9[%get3A_1128, %get3A_1129] {strides = array<i32>} : memref<640x32xf32, #tpu.memory_space<vmem>>, vector<16xf32>,
        %add3A_1131 = arith.constant 0 : i32
        %add3A_1132 = vector.broadcast %add3A_1131 : i32 to vector<16xi32>
        %add3A_1133 = arith.addi %iota3A, %add3A_1132 : vector<16xi32>
        %shift_right_logical3A_1134 = arith.constant 3 : i32
        %shift_right_logical3A_1135 = vector.broadcast %shift_right_logical3A_1134 : i32 to vector<16xi32>
        %shift_right_logical3A_1136 = arith.shrui %add3A_1133, %shift_right_logical3A_1135 : vector<16xi32>
        %and3A_1137 = arith.constant 7 : i32
        %and3A_1138 = vector.broadcast %and3A_1137 : i32 to vector<16xi32>
        %and3A_1139 = arith.andi %add3A_1133, %and3A_1138 : vector<16xi32>
        tpu.vector_store_idx %arg11[%broadcast_in_dim3A_1127, %shift_right_logical3A_1136, %broadcast_in_dim3A_9, %and3A_1139, %broadcast_in_dim3A_1002], %get3A_1130 : memref<5x4x1x8x129xf32, #tpu.memory_space<vmem>>[vector<16xi32>, vector<16xi32>, vector<16xi32>, vector<16xi32>, vector<16xi32>], vector<16xf32>,
        %get3A_1140 = arith.index_cast %add3A_1125 : i32 to index
        %get3A_1141 = arith.constant 16 : index
        %get3A_1142 = tpu.vector_load %arg9[%get3A_1140, %get3A_1141] {strides = array<i32>} : memref<640x32xf32, #tpu.memory_space<vmem>>, vector<16xf32>,
        %add3A_1143 = arith.constant 16 : i32
        %add3A_1144 = vector.broadcast %add3A_1143 : i32 to vector<16xi32>
        %add3A_1145 = arith.addi %iota3A, %add3A_1144 : vector<16xi32>
        %shift_right_logical3A_1146 = arith.constant 3 : i32
        %shift_right_logical3A_1147 = vector.broadcast %shift_right_logical3A_1146 : i32 to vector<16xi32>
        %shift_right_logical3A_1148 = arith.shrui %add3A_1145, %shift_right_logical3A_1147 : vector<16xi32>
        %and3A_1149 = arith.constant 7 : i32
        %and3A_1150 = vector.broadcast %and3A_1149 : i32 to vector<16xi32>
        %and3A_1151 = arith.andi %add3A_1145, %and3A_1150 : vector<16xi32>
        tpu.vector_store_idx %arg11[%broadcast_in_dim3A_1127, %shift_right_logical3A_1148, %broadcast_in_dim3A_9, %and3A_1151, %broadcast_in_dim3A_1002], %get3A_1142 : memref<5x4x1x8x129xf32, #tpu.memory_space<vmem>>[vector<16xi32>, vector<16xi32>, vector<16xi32>, vector<16xi32>, vector<16xi32>], vector<16xf32>,
      }
      %scan3A_965 = arith.constant 128 : i32
      %add3A_966 = arith.constant 1 : i32
      %add3A_967 = arith.addi %add3A_491, %add3A_966 : i32
      %and3A_968 = arith.constant 3 : i32
      %and3A_969 = arith.andi %add3A_967, %and3A_968 : i32
      %shift_right_logical3A_970 = arith.constant 2 : i32
      %shift_right_logical3A_971 = arith.shrui %add3A_967, %shift_right_logical3A_970 : i32
      %mul3A_972 = arith.constant 5 : i32
      %mul3A_973 = arith.muli %shift_right_logical3A_971, %mul3A_972 : i32
      %mul3A_974 = arith.constant 4 : i32
      %mul3A_975 = arith.muli %add3A, %mul3A_974 : i32
      %add3A_976 = arith.addi %mul3A_975, %and3A_969 : i32
      %dma_start3A_977 = arith.constant 0 : i32
      %dma_start3A_978 = arith.constant 0 : i32
      %dma_start3A_979 = arith.constant 0 : i32
      %dma_start3A_980 = arith.constant 0 : i32
      %dma_start3A_981 = arith.constant 0 : i32
      %dma_start3A_982 = tpu.memref_slice %arg11[%dma_start3A_977, %dma_start3A_978, %dma_start3A_979, %dma_start3A_980, %dma_start3A_981] : memref<5x4x1x8x129xf32, #tpu.memory_space<vmem>> -> memref<5x4x1x8x128xf32, #tpu.memory_space<vmem>>
      %dma_start3A_983 = arith.constant 0 : i32
      %dma_start3A_984 = arith.constant 0 : i32
      %dma_start3A_985 = arith.constant 0 : i32
      %dma_start3A_986 = tpu.memref_slice %arg4[%mul3A_973, %dma_start3A_983, %add3A_976, %dma_start3A_984, %dma_start3A_985] : memref<50x4x128x8x128xf32, #tpu.memory_space<hbm>> -> memref<5x4x1x8x128xf32, #tpu.memory_space<hbm>>
      %dma_start3A_987 = arith.constant 0 : i32
      %dma_start3A_988 = arith.constant 0 : i32
      %dma_start3A_989 = arith.constant 0 : i32
      %dma_start3A_990 = tpu.memref_slice %arg4[%mul3A_973, %dma_start3A_987, %add3A_976, %dma_start3A_988, %dma_start3A_989] : memref<50x4x128x8x128xf32, #tpu.memory_space<hbm>> -> memref<5x4x1x8x128xf32, #tpu.memory_space<hbm>>
      %dma_start3A_991 = arith.constant 0 : i32
      %dma_start3A_992 = arith.constant 0 : i32
      %dma_start3A_993 = arith.constant 0 : i32
      %dma_start3A_994 = arith.constant 0 : i32
      %dma_start3A_995 = arith.constant 0 : i32
      %dma_start3A_996 = tpu.memref_slice %arg11[%dma_start3A_991, %dma_start3A_992, %dma_start3A_993, %dma_start3A_994, %dma_start3A_995] : memref<5x4x1x8x129xf32, #tpu.memory_space<vmem>> -> memref<5x4x1x8x128xf32, #tpu.memory_space<vmem>>
      tpu.enqueue_dma source(%dma_start3A_996 : memref<5x4x1x8x128xf32, #tpu.memory_space<vmem>>) target(%dma_start3A_990 : memref<5x4x1x8x128xf32, #tpu.memory_space<hbm>>) target_semaphore(%arg15 : memref<!tpu.dma_semaphore, #tpu.memory_space<semaphore_mem>>)
    }
    %scan3A_425 = arith.constant 20 : i32
    %and3A_426 = arith.constant 38 : i32
    %and3A_427 = arith.constant 3 : i32
    %and3A_428 = arith.andi %and3A_426, %and3A_427 : i32
    %shift_right_logical3A_429 = arith.constant 38 : i32
    %shift_right_logical3A_430 = arith.constant 2 : i32
    %shift_right_logical3A_431 = arith.shrui %shift_right_logical3A_429, %shift_right_logical3A_430 : i32
    %mul3A_432 = arith.constant 5 : i32
    %mul3A_433 = arith.muli %shift_right_logical3A_431, %mul3A_432 : i32
    %mul3A_434 = arith.constant 4 : i32
    %mul3A_435 = arith.muli %add3A, %mul3A_434 : i32
    %add3A_436 = arith.addi %mul3A_435, %and3A_428 : i32
    %dma_wait3A = arith.constant 0 : i32
    %dma_wait3A_437 = arith.constant 0 : i32
    %dma_wait3A_438 = arith.constant 0 : i32
    %dma_wait3A_439 = arith.constant 0 : i32
    %dma_wait3A_440 = arith.constant 0 : i32
    %dma_wait3A_441 = tpu.memref_slice %arg10[%dma_wait3A, %dma_wait3A_437, %dma_wait3A_438, %dma_wait3A_439, %dma_wait3A_440] : memref<5x4x1x8x129xf32, #tpu.memory_space<vmem>> -> memref<5x4x1x8x128xf32, #tpu.memory_space<vmem>>
    %dma_wait3A_442 = arith.constant 0 : i32
    %dma_wait3A_443 = arith.constant 0 : i32
    %dma_wait3A_444 = arith.constant 0 : i32
    %dma_wait3A_445 = tpu.memref_slice %arg4[%mul3A_433, %dma_wait3A_442, %add3A_436, %dma_wait3A_443, %dma_wait3A_444] : memref<50x4x128x8x128xf32, #tpu.memory_space<hbm>> -> memref<5x4x1x8x128xf32, #tpu.memory_space<hbm>>
    %dma_wait3A_446 = arith.constant 0 : i32
    %dma_wait3A_447 = arith.constant 0 : i32
    %dma_wait3A_448 = arith.constant 0 : i32
    %dma_wait3A_449 = tpu.memref_slice %arg4[%mul3A_433, %dma_wait3A_446, %add3A_436, %dma_wait3A_447, %dma_wait3A_448] : memref<50x4x128x8x128xf32, #tpu.memory_space<hbm>> -> memref<5x4x1x8x128xf32, #tpu.memory_space<hbm>>
    %dma_wait3A_450 = arith.constant 0 : i32
    %dma_wait3A_451 = arith.constant 0 : i32
    %dma_wait3A_452 = arith.constant 0 : i32
    %dma_wait3A_453 = arith.constant 0 : i32
    %dma_wait3A_454 = arith.constant 0 : i32
    %dma_wait3A_455 = tpu.memref_slice %arg10[%dma_wait3A_450, %dma_wait3A_451, %dma_wait3A_452, %dma_wait3A_453, %dma_wait3A_454] : memref<5x4x1x8x129xf32, #tpu.memory_space<vmem>> -> memref<5x4x1x8x128xf32, #tpu.memory_space<vmem>>
    tpu.wait_dma2 semaphore(%arg14 : memref<!tpu.dma_semaphore, #tpu.memory_space<semaphore_mem>>) src(%dma_wait3A_455 : memref<5x4x1x8x128xf32, #tpu.memory_space<vmem>>) dst(%dma_wait3A_449 : memref<5x4x1x8x128xf32, #tpu.memory_space<hbm>>)
    %and3A_456 = arith.constant 39 : i32
    %and3A_457 = arith.constant 3 : i32
    %and3A_458 = arith.andi %and3A_456, %and3A_457 : i32
    %shift_right_logical3A_459 = arith.constant 39 : i32
    %shift_right_logical3A_460 = arith.constant 2 : i32
    %shift_right_logical3A_461 = arith.shrui %shift_right_logical3A_459, %shift_right_logical3A_460 : i32
    %mul3A_462 = arith.constant 5 : i32
    %mul3A_463 = arith.muli %shift_right_logical3A_461, %mul3A_462 : i32
    %mul3A_464 = arith.constant 4 : i32
    %mul3A_465 = arith.muli %add3A, %mul3A_464 : i32
    %add3A_466 = arith.addi %mul3A_465, %and3A_458 : i32
    %dma_wait3A_467 = arith.constant 0 : i32
    %dma_wait3A_468 = arith.constant 0 : i32
    %dma_wait3A_469 = arith.constant 0 : i32
    %dma_wait3A_470 = arith.constant 0 : i32
    %dma_wait3A_471 = arith.constant 0 : i32
    %dma_wait3A_472 = tpu.memref_slice %arg11[%dma_wait3A_467, %dma_wait3A_468, %dma_wait3A_469, %dma_wait3A_470, %dma_wait3A_471] : memref<5x4x1x8x129xf32, #tpu.memory_space<vmem>> -> memref<5x4x1x8x128xf32, #tpu.memory_space<vmem>>
    %dma_wait3A_473 = arith.constant 0 : i32
    %dma_wait3A_474 = arith.constant 0 : i32
    %dma_wait3A_475 = arith.constant 0 : i32
    %dma_wait3A_476 = tpu.memref_slice %arg4[%mul3A_463, %dma_wait3A_473, %add3A_466, %dma_wait3A_474, %dma_wait3A_475] : memref<50x4x128x8x128xf32, #tpu.memory_space<hbm>> -> memref<5x4x1x8x128xf32, #tpu.memory_space<hbm>>
    %dma_wait3A_477 = arith.constant 0 : i32
    %dma_wait3A_478 = arith.constant 0 : i32
    %dma_wait3A_479 = arith.constant 0 : i32
    %dma_wait3A_480 = tpu.memref_slice %arg4[%mul3A_463, %dma_wait3A_477, %add3A_466, %dma_wait3A_478, %dma_wait3A_479] : memref<50x4x128x8x128xf32, #tpu.memory_space<hbm>> -> memref<5x4x1x8x128xf32, #tpu.memory_space<hbm>>
    %dma_wait3A_481 = arith.constant 0 : i32
    %dma_wait3A_482 = arith.constant 0 : i32
    %dma_wait3A_483 = arith.constant 0 : i32
    %dma_wait3A_484 = arith.constant 0 : i32
    %dma_wait3A_485 = arith.constant 0 : i32
    %dma_wait3A_486 = tpu.memref_slice %arg11[%dma_wait3A_481, %dma_wait3A_482, %dma_wait3A_483, %dma_wait3A_484, %dma_wait3A_485] : memref<5x4x1x8x129xf32, #tpu.memory_space<vmem>> -> memref<5x4x1x8x128xf32, #tpu.memory_space<vmem>>
    tpu.wait_dma2 semaphore(%arg15 : memref<!tpu.dma_semaphore, #tpu.memory_space<semaphore_mem>>) src(%dma_wait3A_486 : memref<5x4x1x8x128xf32, #tpu.memory_space<vmem>>) dst(%dma_wait3A_480 : memref<5x4x1x8x128xf32, #tpu.memory_space<hbm>>)
    return
  }
}

</mosaic_0001>

<sc_bundles>
// kernel: kernel.3.cloned.1.call-start
scs
__scs_entry_jumppad:
0x0: {  	(pc) =	sbr.rel $0x88, $3  }
0x1: {  	(tag) =	ssettag $0x0;
	lr =	simm.s32 $0x1  }
0x2: {  	[smem:$0x3F9F] =	sst lr;
	_ =	strace $0xD0000000  }
0x3: {  	_ = 	snop  }
0x4: {  	_ = 	snop  }
0x5: {  	_ = 	snop  }
0x6: {  	_ = 	snop  }
0x7: {  	_ = 	snop  }
__scs_overlays_trampoline_lowered:
0x8: {  	[smem:$0x3FAE] =	sst s0  }
0x9: {  	[smem:$0x3FAF] =	sst s1  }
0xa: {  	[smem:$0x3FB0] =	sst s2  }
0xb: {  	[smem:$0x3FB1] =	sst s3  }
0xc: {  	[smem:$0x3FB2] =	sst s4  }
0xd: {  	[smem:$0x3FB3] =	sst s5  }
0xe: {  	[smem:$0x3FB4] =	sst s6  }
0xf: {  	[smem:$0x3FB5] =	sst s7  }
0x10: {  	[smem:$0x3FB6] =	sst s8  }
0x11: {  	[smem:$0x3FB7] =	sst s9;
	s0 =	simm.s32 @!p0 $0x0  }
0x12: {  	s1 =	sld [smem:$0x3F9D];
	s0 =	simm.s32 @p0 $0x1  }
0x13: {  	[smem:$0x3FB8] =	sst s0;
	s0 =	simm.s32 @!p1 $0x0  }
0x14: {  	s2 =	sld [smem:$0x3F9C];
	s0 =	simm.s32 @p1 $0x1  }
0x15: {  	[smem:$0x3FB9] =	sst s0;
	s0 =	simm.s32 @!p2 $0x0  }
0x16: {  	s3 =	sld [smem:$0x3FDB];
	s0 =	simm.s32 @p2 $0x1  }
0x17: {  	s4 =	simm.s32 $0x1BF5;
	[smem:$0x3FBB] =	sst s0  }
0x18: {  	s0 =	sld [smem:$0x3F9E];
	_ =	swait.ge [sflag:s4], $0x0  }
0x19: {  	s7 =	sld [smem:$0x3F9F]  }
0x1a: {  	s8 =	sadd.s32 $0xFFFFE003, lr  }
0x1b: {  	s9 =	sadd.s32 $0xFFFFFEF7, lr;
	s5 =	simm.s32 $0xFFFFFFFF;
	p2 =	slt.u32 s8, $0xFFFFF086  }
0x1c: {  	p1 =	slt.u32 s9, $0xF7A;
	s5 =	simm.s32 @!p2 $0x0  }
0x1d: {  	s5 =	simm.s32 @p1 $0x1;
	p0 =	seq.s32 s7, s2  }
0x1e: {  	s7 =	smul.u32 @!p0 $0xF7A, s2;
	p2 =	seq.s32 @!p0 s5, $0x0  }
0x1f: {  	s9 =	smul.u32 $0xF7A, s1;
	s8 =	simm.s32 @!p0 $0x1BF5;
	p2 =	por !p2, p0  }
0x20: {  	[sflag:s8] =	ssyncset.s32 @!p0 $0xFFFFF086;
	s6 =	sadd.s32 @!p0 s3, s7;
	s7 =	simm.s32 @!p0 $0x108  }
0x21: {  	s3 =	sadd.s32 s3, s9;
	s6 =	sadd.s32 @!p0 $0x88, s6;
	s7 =	simm.s32 @p2 $0x1082  }
0x22: {  	[simem:s7], [sflag:s8] =	dma.local @!p0 [hbm:s6], $0xF7A  }
0x23: {  	s9 =	sor.u32 $0xD0000000, s2;
	s6 =	simm.s32 $0x108;
	_ =	swait.ge @!p0 [sflag:s8], $0x0  }
0x24: {  	s3 =	sadd.s32 $0x88, s3;
	s6 =	simm.s32 @!p1 $0x1082;
	[sflag:s4] =	ssyncset.s32 $0xFFFFF086  }
0x25: {  	[simem:s6], [sflag:s4] =	dma.local [hbm:s3], $0xF7A  }
0x26: {  	[smem:$0x3F9F] =	sst s1;
	(tag) =	ssettag s2;
	_ =	strace s9  }
0x27: {  	s1 =	sld [smem:$0x3FAF]  }
0x28: {  	s2 =	sld [smem:$0x3FB0]  }
0x29: {  	s4 =	sld [smem:$0x3FB2]  }
0x2a: {  	p0 =	seq.s32 s5, $0x0;
	s5 =	sld [smem:$0x3FB3]  }
0x2b: {  	s6 =	sld [smem:$0x3FB4]  }
0x2c: {  	s7 =	sld [smem:$0x3FB5]  }
0x2d: {  	s3 =	simm.s32 $0x108;
	s8 =	sld [smem:$0x3FB6]  }
0x2e: {  	s3 =	simm.s32 @!p0 $0x1082;
	s9 =	sld [smem:$0x3FB7]  }
0x2f: {  	lr =	sadd.s32 s0, s3;
	s0 =	sld [smem:$0x3FAE]  }
0x30: {  	s3 =	sld [smem:$0x3FB1]  }
0x31: {  	[smem:$0x3FBA] =	sst s10  }
0x32: {  	s10 =	sld [smem:$0x3FB8];
	_ =	sdelay $0x3  }
0x33: {  	p0 =	seq.s32 s10, $0x1;
	s10 =	sld [smem:$0x3FBA];
	_ =	sdelay $0x3  }
0x34: {  	[smem:$0x3FBA] =	sst s10  }
0x35: {  	s10 =	sld [smem:$0x3FB9];
	_ =	sdelay $0x3  }
0x36: {  	p1 =	seq.s32 s10, $0x1;
	s10 =	sld [smem:$0x3FBA];
	_ =	sdelay $0x3  }
0x37: {  	[smem:$0x3FBA] =	sst s10  }
0x38: {  	s10 =	sld [smem:$0x3FBB]  }
0x39: {  	_ = 	snop;
	(pc) =	sbr.ind lr, $3  }
0x3a: {  	_ = 	snop  }
0x3b: {  	_ = 	snop  }
0x3c: {  	p2 =	seq.s32 s10, $0x1;
	s10 =	sld [smem:$0x3FBA]  }
0x3d: {  	_ =	shalt  }
0x3e: {  	_ =	shalt  }
0x3f: {  	_ =	shalt  }
0x40: {  	_ =	shalt  }
0x41: {  	_ =	shalt  }
0x42: {  	_ =	shalt  }
0x43: {  	_ =	shalt  }
0x44: {  	_ =	shalt  }
0x45: {  	_ =	shalt  }
0x46: {  	_ =	shalt  }
0x47: {  	_ =	shalt  }
0x48: {  	_ =	shalt  }
0x49: {  	_ =	shalt  }
0x4a: {  	_ =	shalt  }
0x4b: {  	_ =	shalt  }
0x4c: {  	_ =	shalt  }
0x4d: {  	_ =	shalt  }
0x4e: {  	_ =	shalt  }
0x4f: {  	_ =	shalt  }
0x50: {  	_ =	shalt  }
0x51: {  	_ =	shalt  }
0x52: {  	_ =	shalt  }
0x53: {  	_ =	shalt  }
0x54: {  	_ =	shalt  }
0x55: {  	_ =	shalt  }
0x56: {  	_ =	shalt  }
0x57: {  	_ =	shalt  }
0x58: {  	_ =	shalt  }
0x59: {  	_ =	shalt  }
0x5a: {  	_ =	shalt  }
0x5b: {  	_ =	shalt  }
0x5c: {  	_ =	shalt  }
0x5d: {  	_ =	shalt  }
0x5e: {  	_ =	shalt  }
0x5f: {  	_ =	shalt  }
0x60: {  	_ =	shalt  }
0x61: {  	_ =	shalt  }
0x62: {  	_ =	shalt  }
0x63: {  	_ =	shalt  }
0x64: {  	_ =	shalt  }
0x65: {  	_ =	shalt  }
0x66: {  	_ =	shalt  }
0x67: {  	_ =	shalt  }
0x68: {  	_ =	shalt  }
0x69: {  	_ =	shalt  }
0x6a: {  	_ =	shalt  }
0x6b: {  	_ =	shalt  }
0x6c: {  	_ =	shalt  }
0x6d: {  	_ =	shalt  }
0x6e: {  	_ =	shalt  }
0x6f: {  	_ =	shalt  }
0x70: {  	_ =	shalt  }
0x71: {  	_ =	shalt  }
0x72: {  	_ =	shalt  }
0x73: {  	_ =	shalt  }
0x74: {  	_ =	shalt  }
0x75: {  	_ =	shalt  }
0x76: {  	_ =	shalt  }
0x77: {  	_ =	shalt  }
0x78: {  	_ =	shalt  }
0x79: {  	_ =	shalt  }
0x7a: {  	_ =	shalt  }
0x7b: {  	_ =	shalt  }
0x7c: {  	_ =	shalt  }
0x7d: {  	_ =	shalt  }
0x7e: {  	_ =	shalt  }
0x7f: {  	_ =	shalt  }
0x80: {  	_ =	shalt  }
0x81: {  	_ =	shalt  }
0x82: {  	_ =	shalt  }
0x83: {  	_ =	shalt  }
0x84: {  	_ =	shalt  }
0x85: {  	_ =	shalt  }
0x86: {  	_ =	shalt  }
0x87: {  	_ =	shalt  }
.Lfunc_end0:
.L_simem_size_0:
called_computation_lowered:
.L_overlay_start_0:
0x88: {  	s2 =	sld [smem:$0x3FD9]  }
0x89: {  	s3 =	sld [smem:$0x3FFE];
	_ =	sdelay $0x1  }
0x8a: {  	s1 =	srdreg.scid  }
0x8b: {  	s0 =	sand.u32 $0x1, s1  }
0x8c: {  	s17 =	sshll.u32 s0, $0xA;
	s2 =	sadd.s32 s3, s2  }
0x8d: {  	s2 =	sadd.s32 s2, s17  }
0x8e: {  	[smem:$0x3FC6] =	sst s2  }
0x8f: {  	_ = 	snop  }
0x90: {  	s2 =	sld [smem:$0x3FD0];
	(tm) =	ssettm $0x1  }
0x91: {  	s18 =	sld [smem:$0x3FFB];
	_ =	sdelay $0x3  }
0x92: {  	_ =	strace s18  }
0x93: {  	s3 =	sld [smem:$0x3FFC];
	_ =	sdelay $0x3  }
0x94: {  	_ =	strace s3  }
0x95: {  	s3 =	sld [smem:$0x3FFD];
	_ =	sdelay $0x3  }
0x96: {  	_ =	strace s3  }
0x97: {  	_ =	strace $0x8FFFFFFF  }
0x98: {  	s19 =	sld [smem:$0x3FDB];
	_ =	sdelay $0x1  }
0x99: {  	s4 =	simm.s32 $_scs_section_size  }
0x9a: {  	s5 =	simm.s32 $_size__tile_overlayer_lowered;
	s6 =	simm.s32 $_tile_overlayer_lowered  }
0x9b: {  	s22 =	simm.s32 $0x1BFF;
	s21 =	sshll.u32 s6, $0x1;
	s3 =	sadd.s32 s4, s19  }
0x9c: {  	s7 =	simm.s32 $0x0;
	s20 =	sshll.u32 s5, $0x1;
	s5 =	sadd.s32 s21, s3  }
0x9d: {  	[timem:s7], [sflag:s22] =	dma.local [hbm:s5], s20  }
0x9e: {  	_ =	swait.ge [sflag:s22], s20  }
0x9f: {  	s4 =	ssub.s32 $0x0, s20;
	[sflag:s22] =	ssyncset.done $0x0  }
0xa0: {  	[sflag:s22] =	ssyncadd.s32 s4;
	_ =	sdelay $0x1  }
0xa1: {  	s23 =	simm.s32 $0x1B8B  }
0xa2: {  	_ =	swait.ge [sflag:s23], $0x1  }
0xa3: {  	[sflag:s23] =	ssyncset.done $0x0  }
0xa4: {  	s25 =	simm.s32 $0x1B8E;
	s24 =	sld [smem:$0x3FFE];
	[sflag:s23] =	ssyncadd.s32 $0xFFFFFFFF  }
0xa5: {  	s26 =	simm.s32 $execute0_lowered;
	[smem:$0x3FD2] =	sst s25  }
0xa6: {  	s5 =	sshll.u32 s26, $0x1;
	_ =	strace $0x80000046;
	[dreg:$0x1] =	wrdreg $0xFFFFFFFF  }
0xa7: {  	s28 =	simm.s32 $_size_execute0_lowered;
	s3 =	sadd.s32 s3, s5;
	[dreg:$0x0] =	wrdreg $0x0  }
0xa8: {  	s5 =	sshll.u32 s28, $0x1;
	[dreg:$0x2] =	wrdreg s3  }
0xa9: {  	[dreg:$0x3] =	wrdreg s5  }
0xaa: {  	[dreg:$0x4] =	wrdreg $0xC0  }
0xab: {  	_ =	task [dreg:s7], $0x5FFFF  }
0xac: {  	[dreg:$0x1] =	wrdreg $0xFFFFFFFF  }
0xad: {  	[dreg:$0x0] =	wrdreg $0x60  }
0xae: {  	[dreg:$0x2] =	wrdreg s24  }
0xaf: {  	[dreg:$0x3] =	wrdreg s2  }
0xb0: {  	[dreg:$0x4] =	wrdreg $0x9  }
0xb1: {  	_ =	task.clear_ibuf [dreg:s7], $0x5FFFF;
	_ =	strace $0x90000046  }
0xb2: {  	s29 =	simm.s32 $0x9;
	_ =	strace $0x80000048  }
0xb3: {  	_ =	swait.ge [sflag:s29], $0x1  }
0xb4: {  	[sflag:s29] =	ssyncadd.s32 $0xFFFFFFFF  }
0xb5: {  	_ =	strace $0x90000048  }
0xb6: {  	_ =	sfence  }
0xb7: {  	s30 =	sld [smem:$0x0];
	_ =	sdelay $0x2  }
0xb8: {  	s31 =	sshll.u32 s1, $0xD;
	s1 =	sshrl.u32 s1, $0x2  }
0xb9: {  	s3 =	sand.u32 $0x4000, s31;
	s1 =	sadd.s32 s1, s30  }
0xba: {  	s0 =	sor.u32 s3, s0;
	s1 =	sshll.u32 s1, $0x11  }
0xbb: {  	s0 =	sor.u32 s1, s0  }
0xbc: {  	s0 =	sadd.s32 $0x8F2B, s0  }
0xbd: {  	[sflag:s0] =	ssyncadd.remote.s32 $0x1  }
0xbe: {  	_ =	sfence.sel $0xFFFF  }
0xbf: {  	[dreg:$0x0] =	wrdreg $0xFFFFFFFF;
	(pc) =	sbr.abs _section_cstart, $3  }
0xc0: {  	[dreg:$0x1] =	wrdreg $0xFFFFFFFF  }
0xc1: {  	_ =	task.clear_ibuf [dreg:s7], $0x2FFFF;
	_ =	strace $0x9FFFFFFF  }
0xc2: {  	(tm) =	ssettm $0x7FFFFFFF  }
0xc3: {  	_ =	shalt  }
tec
execute0_lowered:
.L_overlay_start_1:
0x0: {  	(tag) =	ssettag $0x1  }
0x1: {  	v0 =	vlaneseq.u32  }
0x2: {  	v1 =	vmul.u32 $0x32, v0;
	_ =	sdelay $0x1  }
0x3: {  	v3 =	vadd.s32 $0x320, v1  }
0x4: {  	[tilespmem:$0x1FE80] =	vst v3;
	v3 =	vadd.s32 $0x640, v1  }
0x5: {  	[tilespmem:$0x1FE90] =	vst v3;
	v3 =	vadd.s32 $0x960, v1  }
0x6: {  	[tilespmem:$0x1FEA0] =	vst v3;
	v3 =	vadd.s32 $0xC80, v1  }
0x7: {  	[tilespmem:$0x1FEB0] =	vst v3;
	v3 =	vadd.s32 $0xFA0, v1  }
0x8: {  	v2 =	vmul.u32 $0x5, v0;
	[tilespmem:$0x1FEC0] =	vst v3;
	v3 =	vadd.s32 $0x12C0, v1  }
0x9: {  	[tilespmem:$0x1FED0] =	vst v3;
	v3 =	vadd.s32 $0x15E0, v1  }
0xa: {  	v4 =	vadd.s32 $0x50, v2;
	v6 =	vadd.s32 $0xA0, v2;
	[tilespmem:$0x1FEE0] =	vst v3;
	v3 =	vor.u32 $0x1, v1  }
0xb: {  	v8 =	vadd.s32 $0xF0, v2;
	v10 =	vadd.s32 $0x140, v2;
	[tilespmem:$0x1FEF0] =	vst v3;
	v3 =	vadd.s32 $0x321, v1  }
0xc: {  	v12 =	vadd.s32 $0x190, v2;
	v14 =	vadd.s32 $0x1E0, v2;
	[tilespmem:$0x1FF00] =	vst v3;
	v3 =	vadd.s32 $0x641, v1  }
0xd: {  	v16 =	vadd.s32 $0x230, v2;
	v18 =	vadd.s32 $0x1, v2;
	[tilespmem:$0x1FF10] =	vst v3;
	v3 =	vadd.s32 $0x961, v1  }
0xe: {  	v20 =	vadd.s32 $0x51, v2;
	v22 =	vadd.s32 $0xA1, v2;
	[tilespmem:$0x1FF20] =	vst v3;
	v3 =	vadd.s32 $0xC81, v1  }
0xf: {  	v24 =	vadd.s32 $0xF1, v2;
	v26 =	vadd.s32 $0x141, v2;
	[tilespmem:$0x1FF30] =	vst v3;
	v3 =	vadd.s32 $0xFA1, v1  }
0x10: {  	s1 =	srdreg.scid;
	v28 =	vadd.s32 $0x191, v2;
	v30 =	vadd.s32 $0x1E1, v2;
	[tilespmem:$0x1FF40] =	vst v3;
	v3 =	vadd.s32 $0x12C1, v1  }
0x11: {  	s0 =	stileid.u32;
	s4 =	rddreg [dreg:$0x0];
	v32 =	vadd.s32 $0x231, v2;
	v34 =	vadd.s32 $0x2, v2;
	[tilespmem:$0x1FF50] =	vst v3;
	v3 =	vadd.s32 $0x15E1, v1  }
0x12: {  	s2 =	rddreg [dreg:$0x1];
	s9 =	simm.s32 $0x6400;
	s10 =	simm.s32 $0x280;
	v36 =	vadd.s32 $0x52, v2;
	v38 =	vadd.s32 $0xA2, v2;
	[tilespmem:$0x1FF60] =	vst v3;
	v3 =	vadd.s32 $0x2, v1  }
0x13: {  	s3 =	simm.s32 $0x0;
	s11 =	simm.s32 $0x6900;
	s12 =	simm.s32 $0x6680;
	v40 =	vadd.s32 $0xF2, v2;
	v42 =	vadd.s32 $0x142, v2;
	[tilespmem:$0x1FF70] =	vst v3;
	v3 =	vadd.s32 $0x322, v1  }
0x14: {  	s13 =	simm.s32 $0xB900;
	s14 =	simm.s32 $0x1;
	s15 =	simm.s32 $0x10900;
	v44 =	vadd.s32 $0x192, v2;
	v46 =	vadd.s32 $0x1E2, v2;
	[tilespmem:$0x1FF80] =	vst v3;
	v3 =	vadd.s32 $0x642, v1  }
0x15: {  	s16 =	simm.s32 $0x2;
	s5 =	sand.u32 $0x1, s1;
	s31 =	sshll.u32 s0, $0x1;
	v48 =	vadd.s32 $0x232, v2;
	v50 =	vadd.s32 $0x3, v2;
	[tilespmem:$0x1FF90] =	vst v3;
	v3 =	vadd.s32 $0x962, v1  }
0x16: {  	s17 =	simm.s32 $0x15E00;
	s18 =	simm.s32 $0x3;
	s6 =	sor.u32 s5, s31;
	v51 =	vadd.s32 $0x323, v1;
	v52 =	vadd.s32 $0x53, v2;
	[tilespmem:$0x1FFA0] =	vst v3;
	v3 =	vadd.s32 $0xC82, v1  }
0x17: {  	s19 =	simm.s32 $0x4;
	[smem:$0x7FF] =	sst s3;
	s7 =	smul.u32 $0xC80, s6;
	v53 =	vadd.s32 $0x643, v1;
	v54 =	vadd.s32 $0xA3, v2;
	[tilespmem:$0x1FFB0] =	vst v3;
	v3 =	vadd.s32 $0xFA2, v1  }
0x18: {  	s1 =	rddreg [dreg:$0x2];
	s5 =	ssub.s32 $0x2, s5;
	v55 =	vadd.s32 $0x963, v1;
	v56 =	vadd.s32 $0xF3, v2;
	_ =	strace $0x80000047;
	[tilespmem:$0x1FFC0] =	vst v3;
	v3 =	vadd.s32 $0x12C2, v1  }
0x19: {  	s20 =	simm.s32 $0x0;
	s8 =	sshrl.u32 s5, $0x1;
	s6 =	sshll.u32 s6, $0x2;
	v57 =	vadd.s32 $0xC83, v1;
	v58 =	vadd.s32 $0x143, v2;
	[tilespmem:$0x1FFD0] =	vst v3;
	v3 =	vadd.s32 $0x15E2, v1  }
0x1a: {  	v59 =	vadd.s32 $0xFA3, v1;
	v60 =	vadd.s32 $0x193, v2;
	s8 =	ssub.s32 s5, s8;
	s7 =	sadd.s32 s7, s4;
	s4 =	sadd.s32 $0xF42A00, s4;
	[tilespmem:$0x1FFE0] =	vst v3;
	v3 =	vadd.s32 $0x3, v1  }
0x1b: {  	v61 =	vadd.s32 $0x12C3, v1;
	v62 =	vadd.s32 $0x1E3, v2;
	v63 =	vadd.s32 $0x15E3, v1;
	s5 =	sadd.s32 $0x600, s7;
	s7 =	smax.u32 s8, $0x1;
	s8 =	simm.s32 $0x5;
	[tilespmem:$0x1FFF0] =	vst v3  }
.LBB2_1:
0x1c: {  	[tilespmem:s3], [sflag:$0x5] =	stream.linear.gather [hbm4b:s5+s3], $0x6400, $0x38;
	[tilespmem:$0x1B300] =	vst v63  }
0x1d: {  	_ =	swait.ge [sflag:s8], $0x6400  }
0x1e: {  	[sflag:s8] =	ssyncset.done $0x0  }
0x1f: {  	[sflag:s8] =	ssyncadd.s32 $0xFFFF9C00  }
0x20: {  	v3 =	vld.idx.msk [tilespmem:v1+s3+$0x0], $0xffff;
	_ =	sdelay $0x4  }
0x21: {  	[tilespmem:v2+s9+$0x0] =	vst.idx.msk $0xffff, v3;
	v3 =	vld [tilespmem:$0x1FE80];
	_ =	sdelay $0x7  }
0x22: {  	v3 =	vld.idx.msk [tilespmem:v3+s3+$0x0], $0xffff;
	_ =	sdelay $0x4  }
0x23: {  	[tilespmem:v4+s9+$0x0] =	vst.idx.msk $0xffff, v3;
	v3 =	vld [tilespmem:$0x1FE90];
	_ =	sdelay $0x7  }
0x24: {  	v3 =	vld.idx.msk [tilespmem:v3+s3+$0x0], $0xffff;
	_ =	sdelay $0x4  }
0x25: {  	[tilespmem:v6+s9+$0x0] =	vst.idx.msk $0xffff, v3;
	v3 =	vld [tilespmem:$0x1FEA0];
	_ =	sdelay $0x7  }
0x26: {  	v3 =	vld.idx.msk [tilespmem:v3+s3+$0x0], $0xffff;
	_ =	sdelay $0x4  }
0x27: {  	[tilespmem:v8+s9+$0x0] =	vst.idx.msk $0xffff, v3;
	v3 =	vld [tilespmem:$0x1FEB0];
	_ =	sdelay $0x7  }
0x28: {  	v3 =	vld.idx.msk [tilespmem:v3+s3+$0x0], $0xffff;
	_ =	sdelay $0x4  }
0x29: {  	[tilespmem:v10+s9+$0x0] =	vst.idx.msk $0xffff, v3;
	v3 =	vld [tilespmem:$0x1FEC0];
	_ =	sdelay $0x7  }
0x2a: {  	v3 =	vld.idx.msk [tilespmem:v3+s3+$0x0], $0xffff;
	_ =	sdelay $0x4  }
0x2b: {  	[tilespmem:v12+s9+$0x0] =	vst.idx.msk $0xffff, v3;
	v3 =	vld [tilespmem:$0x1FED0];
	_ =	sdelay $0x7  }
0x2c: {  	v3 =	vld.idx.msk [tilespmem:v3+s3+$0x0], $0xffff;
	_ =	sdelay $0x4  }
0x2d: {  	[tilespmem:v14+s9+$0x0] =	vst.idx.msk $0xffff, v3;
	v3 =	vld [tilespmem:$0x1FEE0];
	_ =	sdelay $0x7  }
0x2e: {  	v3 =	vld.idx.msk [tilespmem:v3+s3+$0x0], $0xffff;
	_ =	sdelay $0x4  }
0x2f: {  	[tilespmem:v16+s9+$0x0] =	vst.idx.msk $0xffff, v3;
	v3 =	vld [tilespmem:$0x1FEF0];
	_ =	sdelay $0x7  }
0x30: {  	v3 =	vld.idx.msk [tilespmem:v3+s3+$0x0], $0xffff;
	_ =	sdelay $0x4  }
0x31: {  	[tilespmem:v18+s9+$0x0] =	vst.idx.msk $0xffff, v3;
	v3 =	vld [tilespmem:$0x1FF00];
	_ =	sdelay $0x7  }
0x32: {  	v3 =	vld.idx.msk [tilespmem:v3+s3+$0x0], $0xffff;
	_ =	sdelay $0x4  }
0x33: {  	[tilespmem:v20+s9+$0x0] =	vst.idx.msk $0xffff, v3;
	v3 =	vld [tilespmem:$0x1FF10];
	_ =	sdelay $0x7  }
0x34: {  	v3 =	vld.idx.msk [tilespmem:v3+s3+$0x0], $0xffff;
	_ =	sdelay $0x4  }
0x35: {  	[tilespmem:v22+s9+$0x0] =	vst.idx.msk $0xffff, v3;
	v3 =	vld [tilespmem:$0x1FF20];
	_ =	sdelay $0x7  }
0x36: {  	v3 =	vld.idx.msk [tilespmem:v3+s3+$0x0], $0xffff;
	_ =	sdelay $0x4  }
0x37: {  	[tilespmem:v24+s9+$0x0] =	vst.idx.msk $0xffff, v3;
	v3 =	vld [tilespmem:$0x1FF30];
	_ =	sdelay $0x7  }
0x38: {  	v3 =	vld.idx.msk [tilespmem:v3+s3+$0x0], $0xffff;
	_ =	sdelay $0x4  }
0x39: {  	[tilespmem:v26+s9+$0x0] =	vst.idx.msk $0xffff, v3;
	v3 =	vld [tilespmem:$0x1FF40];
	_ =	sdelay $0x7  }
0x3a: {  	v3 =	vld.idx.msk [tilespmem:v3+s3+$0x0], $0xffff;
	_ =	sdelay $0x4  }
0x3b: {  	[tilespmem:v28+s9+$0x0] =	vst.idx.msk $0xffff, v3;
	v3 =	vld [tilespmem:$0x1FF50];
	_ =	sdelay $0x7  }
0x3c: {  	v3 =	vld.idx.msk [tilespmem:v3+s3+$0x0], $0xffff;
	_ =	sdelay $0x4  }
0x3d: {  	[tilespmem:v30+s9+$0x0] =	vst.idx.msk $0xffff, v3;
	v3 =	vld [tilespmem:$0x1FF60];
	_ =	sdelay $0x7  }
0x3e: {  	v3 =	vld.idx.msk [tilespmem:v3+s3+$0x0], $0xffff;
	_ =	sdelay $0x4  }
0x3f: {  	[tilespmem:v32+s9+$0x0] =	vst.idx.msk $0xffff, v3;
	v3 =	vld [tilespmem:$0x1FF70];
	_ =	sdelay $0x7  }
0x40: {  	v3 =	vld.idx.msk [tilespmem:v3+s3+$0x0], $0xffff;
	_ =	sdelay $0x4  }
0x41: {  	[tilespmem:v34+s9+$0x0] =	vst.idx.msk $0xffff, v3;
	v3 =	vld [tilespmem:$0x1FF80];
	_ =	sdelay $0x7  }
0x42: {  	v3 =	vld.idx.msk [tilespmem:v3+s3+$0x0], $0xffff;
	_ =	sdelay $0x4  }
0x43: {  	[tilespmem:v36+s9+$0x0] =	vst.idx.msk $0xffff, v3;
	v3 =	vld [tilespmem:$0x1FF90];
	_ =	sdelay $0x7  }
0x44: {  	v3 =	vld.idx.msk [tilespmem:v3+s3+$0x0], $0xffff;
	_ =	sdelay $0x4  }
0x45: {  	[tilespmem:v38+s9+$0x0] =	vst.idx.msk $0xffff, v3;
	v3 =	vld [tilespmem:$0x1FFA0];
	_ =	sdelay $0x7  }
0x46: {  	v3 =	vld.idx.msk [tilespmem:v3+s3+$0x0], $0xffff;
	_ =	sdelay $0x4  }
0x47: {  	[tilespmem:v40+s9+$0x0] =	vst.idx.msk $0xffff, v3;
	v3 =	vld [tilespmem:$0x1FFB0];
	_ =	sdelay $0x7  }
0x48: {  	v3 =	vld.idx.msk [tilespmem:v3+s3+$0x0], $0xffff;
	_ =	sdelay $0x4  }
0x49: {  	[tilespmem:v42+s9+$0x0] =	vst.idx.msk $0xffff, v3;
	v3 =	vld [tilespmem:$0x1FFC0];
	_ =	sdelay $0x7  }
0x4a: {  	v3 =	vld.idx.msk [tilespmem:v3+s3+$0x0], $0xffff;
	_ =	sdelay $0x4  }
0x4b: {  	[tilespmem:v44+s9+$0x0] =	vst.idx.msk $0xffff, v3;
	v3 =	vld [tilespmem:$0x1FFD0];
	_ =	sdelay $0x7  }
0x4c: {  	v3 =	vld.idx.msk [tilespmem:v3+s3+$0x0], $0xffff;
	_ =	sdelay $0x4  }
0x4d: {  	[tilespmem:v46+s9+$0x0] =	vst.idx.msk $0xffff, v3;
	v3 =	vld [tilespmem:$0x1FFE0];
	_ =	sdelay $0x7  }
0x4e: {  	v3 =	vld.idx.msk [tilespmem:v3+s3+$0x0], $0xffff;
	_ =	sdelay $0x4  }
0x4f: {  	[tilespmem:v48+s9+$0x0] =	vst.idx.msk $0xffff, v3;
	v3 =	vld [tilespmem:$0x1FFF0];
	_ =	sdelay $0x7  }
0x50: {  	v3 =	vld.idx.msk [tilespmem:v3+s3+$0x0], $0xffff;
	_ =	sdelay $0x4  }
0x51: {  	[tilespmem:v50+s9+$0x0] =	vst.idx.msk $0xffff, v3  }
0x52: {  	v3 =	vld.idx.msk [tilespmem:v51+s3+$0x0], $0xffff;
	_ =	sdelay $0x4  }
0x53: {  	[tilespmem:v52+s9+$0x0] =	vst.idx.msk $0xffff, v3  }
0x54: {  	v3 =	vld.idx.msk [tilespmem:v53+s3+$0x0], $0xffff;
	_ =	sdelay $0x4  }
0x55: {  	[tilespmem:v54+s9+$0x0] =	vst.idx.msk $0xffff, v3  }
0x56: {  	v3 =	vld.idx.msk [tilespmem:v55+s3+$0x0], $0xffff;
	_ =	sdelay $0x4  }
0x57: {  	[tilespmem:v56+s9+$0x0] =	vst.idx.msk $0xffff, v3  }
0x58: {  	v3 =	vld.idx.msk [tilespmem:v57+s3+$0x0], $0xffff;
	_ =	sdelay $0x4  }
0x59: {  	[tilespmem:v58+s9+$0x0] =	vst.idx.msk $0xffff, v3  }
0x5a: {  	v3 =	vld.idx.msk [tilespmem:v59+s3+$0x0], $0xffff;
	_ =	sdelay $0x4  }
0x5b: {  	[tilespmem:v60+s9+$0x0] =	vst.idx.msk $0xffff, v3  }
0x5c: {  	v3 =	vld.idx.msk [tilespmem:v61+s3+$0x0], $0xffff;
	_ =	sdelay $0x4  }
0x5d: {  	[tilespmem:v62+s9+$0x0] =	vst.idx.msk $0xffff, v3  }
0x5e: {  	v3 =	vadd.s32 $0x233, v2;
	v5 =	vld.idx.msk [tilespmem:v63+s3+$0x0], $0xffff  }
0x5f: {  	v7 =	vadd.s32 $0x4, v1;
	_ =	sdelay $0x3  }
0x60: {  	[tilespmem:v3+s9+$0x0] =	vst.idx.msk $0xffff, v5  }
0x61: {  	v5 =	vadd.s32 $0x4, v2;
	v7 =	vld.idx.msk [tilespmem:v7+s3+$0x0], $0xffff  }
0x62: {  	v9 =	vadd.s32 $0x324, v1;
	_ =	sdelay $0x3  }
0x63: {  	[tilespmem:v5+s9+$0x0] =	vst.idx.msk $0xffff, v7  }
0x64: {  	v7 =	vadd.s32 $0x54, v2;
	v9 =	vld.idx.msk [tilespmem:v9+s3+$0x0], $0xffff  }
0x65: {  	v11 =	vadd.s32 $0x644, v1;
	_ =	sdelay $0x3  }
0x66: {  	[tilespmem:v7+s9+$0x0] =	vst.idx.msk $0xffff, v9  }
0x67: {  	v9 =	vadd.s32 $0xA4, v2;
	v11 =	vld.idx.msk [tilespmem:v11+s3+$0x0], $0xffff  }
0x68: {  	v13 =	vadd.s32 $0x964, v1;
	_ =	sdelay $0x3  }
0x69: {  	[tilespmem:v9+s9+$0x0] =	vst.idx.msk $0xffff, v11  }
0x6a: {  	v11 =	vadd.s32 $0xF4, v2;
	v13 =	vld.idx.msk [tilespmem:v13+s3+$0x0], $0xffff  }
0x6b: {  	v15 =	vadd.s32 $0xC84, v1;
	_ =	sdelay $0x3  }
0x6c: {  	[tilespmem:v11+s9+$0x0] =	vst.idx.msk $0xffff, v13  }
0x6d: {  	v13 =	vadd.s32 $0x144, v2;
	v15 =	vld.idx.msk [tilespmem:v15+s3+$0x0], $0xffff  }
0x6e: {  	v17 =	vadd.s32 $0xFA4, v1;
	_ =	sdelay $0x3  }
0x6f: {  	[tilespmem:v13+s9+$0x0] =	vst.idx.msk $0xffff, v15  }
0x70: {  	v15 =	vadd.s32 $0x194, v2;
	v17 =	vld.idx.msk [tilespmem:v17+s3+$0x0], $0xffff  }
0x71: {  	v19 =	vadd.s32 $0x12C4, v1;
	_ =	sdelay $0x3  }
0x72: {  	[tilespmem:v15+s9+$0x0] =	vst.idx.msk $0xffff, v17  }
0x73: {  	v17 =	vadd.s32 $0x1E4, v2;
	v19 =	vld.idx.msk [tilespmem:v19+s3+$0x0], $0xffff  }
0x74: {  	v21 =	vadd.s32 $0x15E4, v1;
	_ =	sdelay $0x3  }
0x75: {  	[tilespmem:v17+s9+$0x0] =	vst.idx.msk $0xffff, v19  }
0x76: {  	v19 =	vadd.s32 $0x234, v2;
	v21 =	vld.idx.msk [tilespmem:v21+s3+$0x0], $0xffff;
	_ =	sdelay $0x4  }
0x77: {  	s21 =	simm.s32 $0x0;
	[tilespmem:v19+s9+$0x0] =	vst.idx.msk $0xffff, v21  }
0x78: {  	[tilespmem:s11], [sflag:$0x1] =	stream.indirect.gather [hbm4b:s4+s10], $0x20, s9, s10, $0xb8;
	[tilespmem:$0x1B300] =	vst v63  }
.LBB2_2:
0x79: {  	s24 =	sshll.u32 s21, $0x1  }
0x7a: {  	s23 =	sshrl.u32 s21, $0x1;
	s25 =	sand.u32 $0x2, s24  }
0x7b: {  	s28 =	smul.u32 $0x5, s23;
	s22 =	sor.u32 $0x1, s25  }
0x7c: {  	s26 =	smul.u32 $0x1900, s22;
	_ =	sdelay $0x1  }
0x7d: {  	s26 =	sadd.s32 s28, s26  }
0x7e: {  	v21 =	vadd.s32 s26, v1;
	_ =	sdelay $0x4  }
0x7f: {  	s28 =	sadd.s32 $0x320, s26;
	v21 =	vld.idx.msk [tilespmem:v21+s3+$0x0], $0xffff  }
0x80: {  	v23 =	vadd.s32 s28, v1;
	_ =	sdelay $0x3  }
0x81: {  	[tilespmem:v2+s12+$0x0] =	vst.idx.msk $0xffff, v21  }
0x82: {  	s28 =	sadd.s32 $0x640, s26;
	v21 =	vld.idx.msk [tilespmem:v23+s3+$0x0], $0xffff  }
0x83: {  	v23 =	vadd.s32 s28, v1;
	_ =	sdelay $0x3  }
0x84: {  	[tilespmem:v4+s12+$0x0] =	vst.idx.msk $0xffff, v21  }
0x85: {  	s28 =	sadd.s32 $0x960, s26;
	v21 =	vld.idx.msk [tilespmem:v23+s3+$0x0], $0xffff  }
0x86: {  	v23 =	vadd.s32 s28, v1;
	_ =	sdelay $0x3  }
0x87: {  	[tilespmem:v6+s12+$0x0] =	vst.idx.msk $0xffff, v21  }
0x88: {  	s28 =	sadd.s32 $0xC80, s26;
	v21 =	vld.idx.msk [tilespmem:v23+s3+$0x0], $0xffff  }
0x89: {  	v23 =	vadd.s32 s28, v1;
	_ =	sdelay $0x3  }
0x8a: {  	[tilespmem:v8+s12+$0x0] =	vst.idx.msk $0xffff, v21  }
0x8b: {  	s28 =	sadd.s32 $0xFA0, s26;
	v21 =	vld.idx.msk [tilespmem:v23+s3+$0x0], $0xffff  }
0x8c: {  	v23 =	vadd.s32 s28, v1;
	_ =	sdelay $0x3  }
0x8d: {  	[tilespmem:v10+s12+$0x0] =	vst.idx.msk $0xffff, v21  }
0x8e: {  	s28 =	sadd.s32 $0x12C0, s26;
	v21 =	vld.idx.msk [tilespmem:v23+s3+$0x0], $0xffff  }
0x8f: {  	v23 =	vadd.s32 s28, v1;
	_ =	sdelay $0x3  }
0x90: {  	[tilespmem:v12+s12+$0x0] =	vst.idx.msk $0xffff, v21  }
0x91: {  	s28 =	sadd.s32 $0x15E0, s26;
	v21 =	vld.idx.msk [tilespmem:v23+s3+$0x0], $0xffff  }
0x92: {  	v23 =	vadd.s32 s28, v1;
	_ =	sdelay $0x3  }
0x93: {  	[tilespmem:v14+s12+$0x0] =	vst.idx.msk $0xffff, v21  }
0x94: {  	s28 =	sadd.s32 $0x1, s26;
	v21 =	vld.idx.msk [tilespmem:v23+s3+$0x0], $0xffff  }
0x95: {  	v23 =	vadd.s32 s28, v1;
	_ =	sdelay $0x3  }
0x96: {  	[tilespmem:v16+s12+$0x0] =	vst.idx.msk $0xffff, v21  }
0x97: {  	s28 =	sadd.s32 $0x321, s26;
	v21 =	vld.idx.msk [tilespmem:v23+s3+$0x0], $0xffff  }
0x98: {  	v23 =	vadd.s32 s28, v1;
	_ =	sdelay $0x3  }
0x99: {  	[tilespmem:v18+s12+$0x0] =	vst.idx.msk $0xffff, v21  }
0x9a: {  	s28 =	sadd.s32 $0x641, s26;
	v21 =	vld.idx.msk [tilespmem:v23+s3+$0x0], $0xffff  }
0x9b: {  	v23 =	vadd.s32 s28, v1;
	_ =	sdelay $0x3  }
0x9c: {  	[tilespmem:v20+s12+$0x0] =	vst.idx.msk $0xffff, v21  }
0x9d: {  	s28 =	sadd.s32 $0x961, s26;
	v21 =	vld.idx.msk [tilespmem:v23+s3+$0x0], $0xffff  }
0x9e: {  	v23 =	vadd.s32 s28, v1;
	_ =	sdelay $0x3  }
0x9f: {  	[tilespmem:v22+s12+$0x0] =	vst.idx.msk $0xffff, v21  }
0xa0: {  	s28 =	sadd.s32 $0xC81, s26;
	v21 =	vld.idx.msk [tilespmem:v23+s3+$0x0], $0xffff  }
0xa1: {  	v23 =	vadd.s32 s28, v1;
	_ =	sdelay $0x3  }
0xa2: {  	[tilespmem:v24+s12+$0x0] =	vst.idx.msk $0xffff, v21  }
0xa3: {  	s28 =	sadd.s32 $0xFA1, s26;
	v21 =	vld.idx.msk [tilespmem:v23+s3+$0x0], $0xffff  }
0xa4: {  	v23 =	vadd.s32 s28, v1;
	_ =	sdelay $0x3  }
0xa5: {  	[tilespmem:v26+s12+$0x0] =	vst.idx.msk $0xffff, v21  }
0xa6: {  	s28 =	sadd.s32 $0x12C1, s26;
	v21 =	vld.idx.msk [tilespmem:v23+s3+$0x0], $0xffff  }
0xa7: {  	v23 =	vadd.s32 s28, v1;
	_ =	sdelay $0x3  }
0xa8: {  	[tilespmem:v28+s12+$0x0] =	vst.idx.msk $0xffff, v21  }
0xa9: {  	s28 =	sadd.s32 $0x15E1, s26;
	v21 =	vld.idx.msk [tilespmem:v23+s3+$0x0], $0xffff  }
0xaa: {  	v23 =	vadd.s32 s28, v1;
	_ =	sdelay $0x3  }
0xab: {  	[tilespmem:v30+s12+$0x0] =	vst.idx.msk $0xffff, v21  }
0xac: {  	s28 =	sadd.s32 $0x2, s26;
	v21 =	vld.idx.msk [tilespmem:v23+s3+$0x0], $0xffff  }
0xad: {  	v23 =	vadd.s32 s28, v1;
	_ =	sdelay $0x3  }
0xae: {  	[tilespmem:v32+s12+$0x0] =	vst.idx.msk $0xffff, v21  }
0xaf: {  	s28 =	sadd.s32 $0x322, s26;
	v21 =	vld.idx.msk [tilespmem:v23+s3+$0x0], $0xffff  }
0xb0: {  	v23 =	vadd.s32 s28, v1;
	_ =	sdelay $0x3  }
0xb1: {  	[tilespmem:v34+s12+$0x0] =	vst.idx.msk $0xffff, v21  }
0xb2: {  	s28 =	sadd.s32 $0x642, s26;
	v21 =	vld.idx.msk [tilespmem:v23+s3+$0x0], $0xffff  }
0xb3: {  	v23 =	vadd.s32 s28, v1;
	_ =	sdelay $0x3  }
0xb4: {  	[tilespmem:v36+s12+$0x0] =	vst.idx.msk $0xffff, v21  }
0xb5: {  	s28 =	sadd.s32 $0x962, s26;
	v21 =	vld.idx.msk [tilespmem:v23+s3+$0x0], $0xffff  }
0xb6: {  	v23 =	vadd.s32 s28, v1;
	_ =	sdelay $0x3  }
0xb7: {  	[tilespmem:v38+s12+$0x0] =	vst.idx.msk $0xffff, v21  }
0xb8: {  	s28 =	sadd.s32 $0xC82, s26;
	v21 =	vld.idx.msk [tilespmem:v23+s3+$0x0], $0xffff  }
0xb9: {  	v23 =	vadd.s32 s28, v1;
	_ =	sdelay $0x3  }
0xba: {  	[tilespmem:v40+s12+$0x0] =	vst.idx.msk $0xffff, v21  }
0xbb: {  	s28 =	sadd.s32 $0xFA2, s26;
	v21 =	vld.idx.msk [tilespmem:v23+s3+$0x0], $0xffff  }
0xbc: {  	v23 =	vadd.s32 s28, v1;
	_ =	sdelay $0x3  }
0xbd: {  	[tilespmem:v42+s12+$0x0] =	vst.idx.msk $0xffff, v21  }
0xbe: {  	s28 =	sadd.s32 $0x12C2, s26;
	v21 =	vld.idx.msk [tilespmem:v23+s3+$0x0], $0xffff  }
0xbf: {  	v23 =	vadd.s32 s28, v1;
	_ =	sdelay $0x3  }
0xc0: {  	[tilespmem:v44+s12+$0x0] =	vst.idx.msk $0xffff, v21  }
0xc1: {  	s28 =	sadd.s32 $0x15E2, s26;
	v21 =	vld.idx.msk [tilespmem:v23+s3+$0x0], $0xffff  }
0xc2: {  	v23 =	vadd.s32 s28, v1;
	_ =	sdelay $0x3  }
0xc3: {  	[tilespmem:v46+s12+$0x0] =	vst.idx.msk $0xffff, v21  }
0xc4: {  	s28 =	sadd.s32 $0x3, s26;
	v21 =	vld.idx.msk [tilespmem:v23+s3+$0x0], $0xffff  }
0xc5: {  	v23 =	vadd.s32 s28, v1;
	_ =	sdelay $0x3  }
0xc6: {  	[tilespmem:v48+s12+$0x0] =	vst.idx.msk $0xffff, v21  }
0xc7: {  	s28 =	sadd.s32 $0x323, s26;
	v21 =	vld.idx.msk [tilespmem:v23+s3+$0x0], $0xffff  }
0xc8: {  	v23 =	vadd.s32 s28, v1;
	_ =	sdelay $0x3  }
0xc9: {  	[tilespmem:v50+s12+$0x0] =	vst.idx.msk $0xffff, v21  }
0xca: {  	s28 =	sadd.s32 $0x643, s26;
	v21 =	vld.idx.msk [tilespmem:v23+s3+$0x0], $0xffff  }
0xcb: {  	v23 =	vadd.s32 s28, v1;
	_ =	sdelay $0x3  }
0xcc: {  	[tilespmem:v52+s12+$0x0] =	vst.idx.msk $0xffff, v21  }
0xcd: {  	s28 =	sadd.s32 $0x963, s26;
	v21 =	vld.idx.msk [tilespmem:v23+s3+$0x0], $0xffff  }
0xce: {  	v23 =	vadd.s32 s28, v1;
	_ =	sdelay $0x3  }
0xcf: {  	[tilespmem:v54+s12+$0x0] =	vst.idx.msk $0xffff, v21  }
0xd0: {  	s28 =	sadd.s32 $0xC83, s26;
	v21 =	vld.idx.msk [tilespmem:v23+s3+$0x0], $0xffff  }
0xd1: {  	v23 =	vadd.s32 s28, v1;
	_ =	sdelay $0x3  }
0xd2: {  	[tilespmem:v56+s12+$0x0] =	vst.idx.msk $0xffff, v21  }
0xd3: {  	s28 =	sadd.s32 $0xFA3, s26;
	v21 =	vld.idx.msk [tilespmem:v23+s3+$0x0], $0xffff  }
0xd4: {  	v23 =	vadd.s32 s28, v1;
	_ =	sdelay $0x3  }
0xd5: {  	[tilespmem:v58+s12+$0x0] =	vst.idx.msk $0xffff, v21  }
0xd6: {  	s28 =	sadd.s32 $0x12C3, s26;
	v21 =	vld.idx.msk [tilespmem:v23+s3+$0x0], $0xffff  }
0xd7: {  	v23 =	vadd.s32 s28, v1;
	_ =	sdelay $0x3  }
0xd8: {  	[tilespmem:v60+s12+$0x0] =	vst.idx.msk $0xffff, v21  }
0xd9: {  	s28 =	sadd.s32 $0x15E3, s26;
	v21 =	vld.idx.msk [tilespmem:v23+s3+$0x0], $0xffff  }
0xda: {  	v23 =	vadd.s32 s28, v1;
	_ =	sdelay $0x3  }
0xdb: {  	[tilespmem:v62+s12+$0x0] =	vst.idx.msk $0xffff, v21  }
0xdc: {  	s28 =	sadd.s32 $0x4, s26;
	v21 =	vld.idx.msk [tilespmem:v23+s3+$0x0], $0xffff  }
0xdd: {  	v23 =	vadd.s32 s28, v1;
	_ =	sdelay $0x3  }
0xde: {  	[tilespmem:v3+s12+$0x0] =	vst.idx.msk $0xffff, v21  }
0xdf: {  	s28 =	sadd.s32 $0x324, s26;
	v21 =	vld.idx.msk [tilespmem:v23+s3+$0x0], $0xffff  }
0xe0: {  	v23 =	vadd.s32 s28, v1;
	_ =	sdelay $0x3  }
0xe1: {  	[tilespmem:v5+s12+$0x0] =	vst.idx.msk $0xffff, v21  }
0xe2: {  	s28 =	sadd.s32 $0x644, s26;
	v21 =	vld.idx.msk [tilespmem:v23+s3+$0x0], $0xffff  }
0xe3: {  	v23 =	vadd.s32 s28, v1;
	_ =	sdelay $0x3  }
0xe4: {  	[tilespmem:v7+s12+$0x0] =	vst.idx.msk $0xffff, v21  }
0xe5: {  	s28 =	sadd.s32 $0x964, s26;
	v21 =	vld.idx.msk [tilespmem:v23+s3+$0x0], $0xffff  }
0xe6: {  	v23 =	vadd.s32 s28, v1;
	_ =	sdelay $0x3  }
0xe7: {  	[tilespmem:v9+s12+$0x0] =	vst.idx.msk $0xffff, v21  }
0xe8: {  	s28 =	sadd.s32 $0xC84, s26;
	v21 =	vld.idx.msk [tilespmem:v23+s3+$0x0], $0xffff  }
0xe9: {  	v23 =	vadd.s32 s28, v1;
	_ =	sdelay $0x3  }
0xea: {  	[tilespmem:v11+s12+$0x0] =	vst.idx.msk $0xffff, v21  }
0xeb: {  	s28 =	sadd.s32 $0xFA4, s26;
	v21 =	vld.idx.msk [tilespmem:v23+s3+$0x0], $0xffff  }
0xec: {  	v23 =	vadd.s32 s28, v1;
	_ =	sdelay $0x3  }
0xed: {  	[tilespmem:v13+s12+$0x0] =	vst.idx.msk $0xffff, v21  }
0xee: {  	s28 =	sadd.s32 $0x12C4, s26;
	v21 =	vld.idx.msk [tilespmem:v23+s3+$0x0], $0xffff  }
0xef: {  	v23 =	vadd.s32 s28, v1;
	_ =	sdelay $0x3  }
0xf0: {  	[tilespmem:v15+s12+$0x0] =	vst.idx.msk $0xffff, v21  }
0xf1: {  	s26 =	sadd.s32 $0x15E4, s26;
	v21 =	vld.idx.msk [tilespmem:v23+s3+$0x0], $0xffff  }
0xf2: {  	v23 =	vadd.s32 s26, v1;
	_ =	sdelay $0x3  }
0xf3: {  	[tilespmem:v17+s12+$0x0] =	vst.idx.msk $0xffff, v21  }
0xf4: {  	v21 =	vld.idx.msk [tilespmem:v23+s3+$0x0], $0xffff;
	_ =	sdelay $0x4  }
0xf5: {  	[tilespmem:v19+s12+$0x0] =	vst.idx.msk $0xffff, v21  }
0xf6: {  	[tilespmem:s13], [sflag:$0x2] =	stream.indirect.gather [hbm4b:s4+s10], $0x20, s12, s10, $0xb8;
	[tilespmem:$0x1B300] =	vst v63  }
0xf7: {  	_ =	swait.ge [sflag:s14], $0x5000  }
0xf8: {  	p0 =	seq.s32 s21, $0x0;
	[sflag:s14] =	ssyncset.done $0x0  }
0xf9: {  	s26 =	simm.s32 @!p0 $0x3;
	[sflag:s14] =	ssyncadd.s32 $0xFFFFB000  }
0xfa: {  	s28 =	simm.s32 $0x0;
	_ =	swait.ge @!p0 [sflag:s26], $0x5000  }
0xfb: {  	v23 =	vmov s28;
	v21 =	vmul.u32 $0x88, v0;
	[sflag:s26] =	ssyncset.done @!p0 $0x0  }
0xfc: {  	v43 =	vand.u32 $0x7F, v23;
	[sflag:s26] =	ssyncadd.s32 @!p0 $0xFFFFB000;
	s26 =	simm.s32 $0x6950  }
0xfd: {  	v25 =	vadd.s32 v21, v43;
	v23 =	vld [tilespmem:s26+$0xFFFFFFB0];
	_ =	sdelay $0x4  }
0xfe: {  	[tilespmem:v25+s15+$0x0] =	vst.idx.msk $0xffff, v23;
	v23 =	vadd.s32 $0x880, v21  }
0xff: {  	v25 =	vld [tilespmem:s26+$0xFFFFFFC0];
	v27 =	vadd.s32 v23, v43;
	_ =	sdelay $0x4  }
0x100: {  	[tilespmem:v27+s15+$0x0] =	vst.idx.msk $0xffff, v25;
	v25 =	vadd.s32 $0x1100, v21  }
0x101: {  	v27 =	vld [tilespmem:s26+$0xFFFFFFD0];
	v29 =	vadd.s32 v25, v43;
	_ =	sdelay $0x4  }
0x102: {  	[tilespmem:v29+s15+$0x0] =	vst.idx.msk $0xffff, v27;
	v27 =	vadd.s32 $0x1980, v21  }
0x103: {  	v29 =	vld [tilespmem:s26+$0xFFFFFFE0];
	v31 =	vadd.s32 v27, v43;
	_ =	sdelay $0x4  }
0x104: {  	[tilespmem:v31+s15+$0x0] =	vst.idx.msk $0xffff, v29;
	v29 =	vadd.s32 $0x2200, v21  }
0x105: {  	v31 =	vld [tilespmem:s26+$0xFFFFFFF0];
	v33 =	vadd.s32 v29, v43;
	_ =	sdelay $0x4  }
0x106: {  	[tilespmem:v33+s15+$0x0] =	vst.idx.msk $0xffff, v31;
	v31 =	vadd.s32 $0x2A80, v21  }
0x107: {  	v33 =	vld [tilespmem:s26+$0x0];
	v35 =	vadd.s32 v31, v43;
	_ =	sdelay $0x4  }
0x108: {  	[tilespmem:v35+s15+$0x0] =	vst.idx.msk $0xffff, v33;
	v33 =	vadd.s32 $0x3300, v21  }
0x109: {  	v35 =	vld [tilespmem:s26+$0x10];
	v37 =	vadd.s32 v33, v43;
	_ =	sdelay $0x4  }
0x10a: {  	[tilespmem:v37+s15+$0x0] =	vst.idx.msk $0xffff, v35;
	v35 =	vadd.s32 $0x3B80, v21  }
0x10b: {  	v37 =	vld [tilespmem:s26+$0x20];
	v39 =	vadd.s32 v35, v43;
	_ =	sdelay $0x4  }
0x10c: {  	[tilespmem:v39+s15+$0x0] =	vst.idx.msk $0xffff, v37;
	v37 =	vadd.s32 $0x4400, v21  }
0x10d: {  	v39 =	vld [tilespmem:s26+$0x30];
	v41 =	vadd.s32 v37, v43;
	_ =	sdelay $0x4  }
0x10e: {  	[tilespmem:v41+s15+$0x0] =	vst.idx.msk $0xffff, v39;
	v39 =	vadd.s32 $0x4C80, v21  }
0x10f: {  	v41 =	vld [tilespmem:s26+$0x40];
	v43 =	vadd.s32 v39, v43;
	_ =	sdelay $0x2  }
0x110: {  	s28 =	simm.s32 $0x1  }
0x111: {  	v45 =	vmov s28;
	s28 =	simm.s32 $0x2  }
.LBB2_3:
0x112: {  	p0 =	sne.s32 s28, $0x7F;
	v45 =	vand.u32 $0x7F, v45;
	[tilespmem:v43+s15+$0x0] =	vst.idx.msk $0xffff, v41;
	s26 =	sadd.s32 $0xA0, s26  }
0x113: {  	v41 =	vld [tilespmem:s26+$0xFFFFFFB0];
	v43 =	vadd.s32 v21, v45;
	_ =	sdelay $0x4  }
0x114: {  	[tilespmem:v43+s15+$0x0] =	vst.idx.msk $0xffff, v41;
	v41 =	vadd.s32 $0x880, v21  }
0x115: {  	v43 =	vld [tilespmem:s26+$0xFFFFFFC0];
	v41 =	vadd.s32 v41, v45;
	_ =	sdelay $0x4  }
0x116: {  	[tilespmem:v41+s15+$0x0] =	vst.idx.msk $0xffff, v43;
	v41 =	vadd.s32 $0x1100, v21  }
0x117: {  	v43 =	vld [tilespmem:s26+$0xFFFFFFD0];
	v41 =	vadd.s32 v41, v45;
	_ =	sdelay $0x4  }
0x118: {  	[tilespmem:v41+s15+$0x0] =	vst.idx.msk $0xffff, v43;
	v41 =	vadd.s32 $0x1980, v21  }
0x119: {  	v43 =	vld [tilespmem:s26+$0xFFFFFFE0];
	v41 =	vadd.s32 v41, v45;
	_ =	sdelay $0x4  }
0x11a: {  	[tilespmem:v41+s15+$0x0] =	vst.idx.msk $0xffff, v43;
	v41 =	vadd.s32 $0x2200, v21  }
0x11b: {  	v43 =	vld [tilespmem:s26+$0xFFFFFFF0];
	v41 =	vadd.s32 v41, v45;
	_ =	sdelay $0x4  }
0x11c: {  	[tilespmem:v41+s15+$0x0] =	vst.idx.msk $0xffff, v43;
	v41 =	vadd.s32 $0x2A80, v21  }
0x11d: {  	v43 =	vld [tilespmem:s26+$0x0];
	v41 =	vadd.s32 v41, v45;
	_ =	sdelay $0x4  }
0x11e: {  	[tilespmem:v41+s15+$0x0] =	vst.idx.msk $0xffff, v43;
	v41 =	vadd.s32 $0x3300, v21  }
0x11f: {  	v43 =	vld [tilespmem:s26+$0x10];
	v41 =	vadd.s32 v41, v45;
	_ =	sdelay $0x4  }
0x120: {  	[tilespmem:v41+s15+$0x0] =	vst.idx.msk $0xffff, v43;
	v41 =	vadd.s32 $0x3B80, v21  }
0x121: {  	v43 =	vld [tilespmem:s26+$0x20];
	v41 =	vadd.s32 v41, v45;
	_ =	sdelay $0x4  }
0x122: {  	[tilespmem:v41+s15+$0x0] =	vst.idx.msk $0xffff, v43;
	v41 =	vadd.s32 $0x4400, v21  }
0x123: {  	v43 =	vld [tilespmem:s26+$0x30];
	v41 =	vadd.s32 v41, v45;
	_ =	sdelay $0x4  }
0x124: {  	[tilespmem:v41+s15+$0x0] =	vst.idx.msk $0xffff, v43;
	v43 =	vadd.s32 $0x4C80, v21  }
.Ltmp0:
0x125: {  	v41 =	vld [tilespmem:s26+$0x40];
	v43 =	vadd.s32 v43, v45;
	(pc) =	sbr.rel @p0 .LBB2_3-.Ltmp0, $2  }
0x126: {  	_ =	sdelay $0x2  }
0x127: {  	v45 =	vmov s28;
	s28 =	sadd.s32 $0x1, s28  }
0x128: {  	_ =	sdelay $0x3  }
0x129: {  	v45 =	vand.u32 $0x7F, v45;
	[tilespmem:v43+s15+$0x0] =	vst.idx.msk $0xffff, v41;
	s26 =	sadd.s32 $0xA0, s26  }
0x12a: {  	v41 =	vld [tilespmem:s26+$0xFFFFFFB0];
	v47 =	vadd.s32 v21, v45;
	_ =	sdelay $0x4  }
0x12b: {  	[tilespmem:v47+s15+$0x0] =	vst.idx.msk $0xffff, v41  }
0x12c: {  	v49 =	vadd.s32 v23, v45;
	v41 =	vld [tilespmem:s26+$0xFFFFFFC0];
	_ =	sdelay $0x4  }
0x12d: {  	[tilespmem:v49+s15+$0x0] =	vst.idx.msk $0xffff, v41  }
0x12e: {  	v47 =	vadd.s32 v25, v45;
	v41 =	vld [tilespmem:s26+$0xFFFFFFD0];
	_ =	sdelay $0x4  }
0x12f: {  	[tilespmem:v47+s15+$0x0] =	vst.idx.msk $0xffff, v41  }
0x130: {  	v49 =	vadd.s32 v27, v45;
	v41 =	vld [tilespmem:s26+$0xFFFFFFE0];
	_ =	sdelay $0x4  }
0x131: {  	[tilespmem:v49+s15+$0x0] =	vst.idx.msk $0xffff, v41  }
0x132: {  	v47 =	vadd.s32 v29, v45;
	v41 =	vld [tilespmem:s26+$0xFFFFFFF0];
	_ =	sdelay $0x4  }
0x133: {  	[tilespmem:v47+s15+$0x0] =	vst.idx.msk $0xffff, v41  }
0x134: {  	v49 =	vadd.s32 v31, v45;
	v41 =	vld [tilespmem:s26+$0x0];
	_ =	sdelay $0x4  }
0x135: {  	[tilespmem:v49+s15+$0x0] =	vst.idx.msk $0xffff, v41  }
0x136: {  	v47 =	vadd.s32 v33, v45;
	v41 =	vld [tilespmem:s26+$0x10];
	_ =	sdelay $0x4  }
0x137: {  	[tilespmem:v47+s15+$0x0] =	vst.idx.msk $0xffff, v41  }
0x138: {  	v49 =	vadd.s32 v35, v45;
	v41 =	vld [tilespmem:s26+$0x20];
	_ =	sdelay $0x4  }
0x139: {  	[tilespmem:v49+s15+$0x0] =	vst.idx.msk $0xffff, v41  }
0x13a: {  	v47 =	vadd.s32 v37, v45;
	v41 =	vld [tilespmem:s26+$0x30];
	_ =	sdelay $0x4  }
0x13b: {  	[tilespmem:v47+s15+$0x0] =	vst.idx.msk $0xffff, v41  }
0x13c: {  	v49 =	vadd.s32 v39, v45;
	v41 =	vld [tilespmem:s26+$0x40]  }
0x13d: {  	s23 =	smul.u32 $0x280000, s23;
	s25 =	sor.u32 s6, s25  }
0x13e: {  	s25 =	sshll.u32 s25, $0xA  }
0x13f: {  	s25 =	sor.u32 s23, s25  }
0x140: {  	s25 =	sshrl.u32 s25, $0x3  }
0x141: {  	s31 =	simm.s32 $0x10900;
	s26 =	sadd.s32 s2, s25;
	[tilespmem:v49+s15+$0x0] =	vst.idx.msk $0xffff, v41  }
0x142: {  	[hbm4b:s26+s3] =	stream.linear.scatter [tilespmem:s31], [sflag:$0x3], $0x80, $0x38;
	[tilespmem:$0x1B300] =	vst v63  }
0x143: {  	s28 =	sadd.s32 $0x10, s26;
	s31 =	simm.s32 $0x10988  }
0x144: {  	[hbm4b:s28+s3] =	stream.linear.scatter [tilespmem:s31], [sflag:$0x3], $0x80, $0x38;
	[tilespmem:$0x1B300] =	vst v63  }
0x145: {  	s31 =	simm.s32 $0x10A10;
	s28 =	sadd.s32 $0x20, s26  }
0x146: {  	[hbm4b:s28+s3] =	stream.linear.scatter [tilespmem:s31], [sflag:$0x3], $0x80, $0x38;
	[tilespmem:$0x1B300] =	vst v63  }
0x147: {  	s31 =	simm.s32 $0x10A98;
	s28 =	sadd.s32 $0x30, s26  }
0x148: {  	[hbm4b:s28+s3] =	stream.linear.scatter [tilespmem:s31], [sflag:$0x3], $0x80, $0x38;
	[tilespmem:$0x1B300] =	vst v63  }
0x149: {  	s31 =	simm.s32 $0x10B20;
	s28 =	sadd.s32 $0x40, s26  }
0x14a: {  	[hbm4b:s28+s3] =	stream.linear.scatter [tilespmem:s31], [sflag:$0x3], $0x80, $0x38;
	[tilespmem:$0x1B300] =	vst v63  }
0x14b: {  	s29 =	simm.s32 $0x10CB8;
	s31 =	simm.s32 $0x10BA8;
	s28 =	sadd.s32 $0x50, s26  }
0x14c: {  	[hbm4b:s28+s3] =	stream.linear.scatter [tilespmem:s31], [sflag:$0x3], $0x80, $0x38;
	[tilespmem:$0x1B300] =	vst v63  }
0x14d: {  	s25 =	simm.s32 $0x440;
	s31 =	simm.s32 $0x10C30;
	s28 =	sadd.s32 $0x60, s26  }
0x14e: {  	[hbm4b:s28+s3] =	stream.linear.scatter [tilespmem:s31], [sflag:$0x3], $0x80, $0x38;
	[tilespmem:$0x1B300] =	vst v63  }
0x14f: {  	s30 =	sadd.s32 $0x70, s26;
	s26 =	sadd.s32 $0x4000, s26;
	s28 =	simm.s32 $0x2200  }
.LBB2_5:
0x150: {  	[hbm4b:s30+s3] =	stream.linear.scatter [tilespmem:s29], [sflag:$0x3], $0x80, $0x38;
	[tilespmem:$0x1B300] =	vst v63  }
0x151: {  	s29 =	smov.u32 s25;
	s25 =	smov.u32 s28  }
0x152: {  	s31 =	sadd.s32 $0x1100, s28;
	s25 =	sshra.s32 s25, $0x2;
	s30 =	sadd.s32 $0x10900, s29  }
0x153: {  	[hbm4b:s26+s3] =	stream.linear.scatter [tilespmem:s30], [sflag:$0x3], $0x80, $0x38;
	[tilespmem:$0x1B300] =	vst v63  }
0x154: {  	p0 =	sne.s32 s28, $0x14300;
	s28 =	sadd.s32 $0x10988, s29;
	s30 =	sadd.s32 $0x10, s26  }
0x155: {  	[hbm4b:s30+s3] =	stream.linear.scatter [tilespmem:s28], [sflag:$0x3], $0x80, $0x38;
	[tilespmem:$0x1B300] =	vst v63  }
0x156: {  	s28 =	sadd.s32 $0x10A10, s29;
	s30 =	sadd.s32 $0x20, s26  }
0x157: {  	[hbm4b:s30+s3] =	stream.linear.scatter [tilespmem:s28], [sflag:$0x3], $0x80, $0x38;
	[tilespmem:$0x1B300] =	vst v63  }
0x158: {  	s28 =	sadd.s32 $0x10A98, s29;
	s30 =	sadd.s32 $0x30, s26  }
0x159: {  	[hbm4b:s30+s3] =	stream.linear.scatter [tilespmem:s28], [sflag:$0x3], $0x80, $0x38;
	[tilespmem:$0x1B300] =	vst v63  }
0x15a: {  	s28 =	sadd.s32 $0x10B20, s29;
	s30 =	sadd.s32 $0x40, s26  }
0x15b: {  	[hbm4b:s30+s3] =	stream.linear.scatter [tilespmem:s28], [sflag:$0x3], $0x80, $0x38;
	[tilespmem:$0x1B300] =	vst v63  }
.Ltmp1:
0x15c: {  	s28 =	sadd.s32 $0x10BA8, s29;
	s30 =	sadd.s32 $0x50, s26;
	(pc) =	sbr.rel @p0 .LBB2_5-.Ltmp1, $4  }
0x15d: {  	[hbm4b:s30+s3] =	stream.linear.scatter [tilespmem:s28], [sflag:$0x3], $0x80, $0x38;
	[tilespmem:$0x1B300] =	vst v63  }
0x15e: {  	s28 =	sadd.s32 $0x10C30, s29;
	s30 =	sadd.s32 $0x60, s26;
	s29 =	sadd.s32 $0x10CB8, s29  }
0x15f: {  	[hbm4b:s30+s3] =	stream.linear.scatter [tilespmem:s28], [sflag:$0x3], $0x80, $0x38;
	[tilespmem:$0x1B300] =	vst v63  }
0x160: {  	s30 =	sadd.s32 $0x70, s26;
	s26 =	sadd.s32 $0x4000, s26;
	s28 =	smov.u32 s31  }
0x161: {  	[hbm4b:s30+s3] =	stream.linear.scatter [tilespmem:s29], [sflag:$0x3], $0x80, $0x38;
	[tilespmem:$0x1B300] =	vst v63  }
0x162: {  	s28 =	sadd.s32 $0x10900, s25;
	p0 =	seq.s32 s21, $0x13  }
0x163: {  	[hbm4b:s26+s3] =	stream.linear.scatter [tilespmem:s28], [sflag:$0x3], $0x80, $0x38;
	[tilespmem:$0x1B300] =	vst v63  }
0x164: {  	s31 =	sadd.s32 $0x10988, s25;
	s30 =	sadd.s32 $0x10, s26;
	s24 =	sadd.s32 @!p0 $0x2, s24  }
0x165: {  	[hbm4b:s30+s3] =	stream.linear.scatter [tilespmem:s31], [sflag:$0x3], $0x80, $0x38;
	[tilespmem:$0x1B300] =	vst v63  }
0x166: {  	s28 =	sand.u32 @!p0 $0x2, s24;
	s31 =	sadd.s32 $0x10A10, s25;
	s30 =	sadd.s32 $0x20, s26  }
0x167: {  	[hbm4b:s30+s3] =	stream.linear.scatter [tilespmem:s31], [sflag:$0x3], $0x80, $0x38;
	[tilespmem:$0x1B300] =	vst v63  }
0x168: {  	s24 =	sshrl.u32 @!p0 s24, $0x2;
	s31 =	sadd.s32 $0x10A98, s25;
	s30 =	sadd.s32 $0x30, s26  }
0x169: {  	[hbm4b:s30+s3] =	stream.linear.scatter [tilespmem:s31], [sflag:$0x3], $0x80, $0x38;
	[tilespmem:$0x1B300] =	vst v63  }
0x16a: {  	s28 =	smul.u32 @!p0 $0x1900, s28;
	s31 =	sadd.s32 $0x10B20, s25;
	s30 =	sadd.s32 $0x40, s26  }
0x16b: {  	[hbm4b:s30+s3] =	stream.linear.scatter [tilespmem:s31], [sflag:$0x3], $0x80, $0x38;
	[tilespmem:$0x1B300] =	vst v63  }
0x16c: {  	s24 =	smul.u32 @!p0 $0x5, s24;
	s31 =	sadd.s32 $0x10BA8, s25;
	s30 =	sadd.s32 $0x50, s26  }
0x16d: {  	v43 =	vlaneseq.u32 @!p0;
	[hbm4b:s30+s3] =	stream.linear.scatter [tilespmem:s31], [sflag:$0x3], $0x80, $0x38;
	[tilespmem:$0x1B300] =	vst v63  }
0x16e: {  	s29 =	sadd.s32 $0x10C30, s25;
	v41 =	vmul.u32 @!p0 $0x32, v43;
	s24 =	sadd.s32 @!p0 s24, s28;
	s31 =	sadd.s32 $0x60, s26  }
0x16f: {  	[hbm4b:s31+s3] =	stream.linear.scatter [tilespmem:s29], [sflag:$0x3], $0x80, $0x38;
	[tilespmem:$0x1B300] =	vst v63  }
0x170: {  	s28 =	sadd.s32 $0x10CB8, s25;
	v45 =	vadd.s32 @!p0 s24, v41;
	s29 =	sadd.s32 $0x70, s26  }
0x171: {  	[hbm4b:s29+s3] =	stream.linear.scatter [tilespmem:s28], [sflag:$0x3], $0x80, $0x38;
	[tilespmem:$0x1B300] =	vst v63  }
0x172: {  	_ =	swait.ge [sflag:s16], $0x5000  }
0x173: {  	[sflag:s16] =	ssyncset.done $0x0  }
0x174: {  	v43 =	vmul.u32 @!p0 $0x5, v43;
	s26 =	simm.s32 @!p0 $0x0;
	[sflag:s16] =	ssyncadd.s32 $0xFFFFB000  }
0x175: {  	s25 =	sadd.s32 @!p0 $0x320, s24;
	v45 =	vld.idx.msk @!p0 [tilespmem:v45+s26+$0x0], $0xffff  }
0x176: {  	v47 =	vadd.s32 @!p0 s25, v41;
	_ =	sdelay $0x2  }
0x177: {  	s25 =	simm.s32 @!p0 $0x6400  }
0x178: {  	[tilespmem:v43+s25+$0x0] =	vst.idx.msk @!p0 $0xffff, v45  }
0x179: {  	s28 =	sadd.s32 @!p0 $0x640, s24;
	v45 =	vld.idx.msk @!p0 [tilespmem:v47+s26+$0x0], $0xffff;
	v47 =	vadd.s32 @!p0 $0x50, v43  }
0x17a: {  	v49 =	vadd.s32 @!p0 s28, v41;
	_ =	sdelay $0x3  }
0x17b: {  	[tilespmem:v47+s25+$0x0] =	vst.idx.msk @!p0 $0xffff, v45  }
0x17c: {  	s28 =	sadd.s32 @!p0 $0x960, s24;
	v47 =	vadd.s32 @!p0 $0xA0, v43;
	v45 =	vld.idx.msk @!p0 [tilespmem:v49+s26+$0x0], $0xffff  }
0x17d: {  	v49 =	vadd.s32 @!p0 s28, v41;
	_ =	sdelay $0x3  }
0x17e: {  	[tilespmem:v47+s25+$0x0] =	vst.idx.msk @!p0 $0xffff, v45  }
0x17f: {  	s28 =	sadd.s32 @!p0 $0xC80, s24;
	v47 =	vadd.s32 @!p0 $0xF0, v43;
	v45 =	vld.idx.msk @!p0 [tilespmem:v49+s26+$0x0], $0xffff  }
0x180: {  	v49 =	vadd.s32 @!p0 s28, v41;
	_ =	sdelay $0x3  }
0x181: {  	[tilespmem:v47+s25+$0x0] =	vst.idx.msk @!p0 $0xffff, v45  }
0x182: {  	s28 =	sadd.s32 @!p0 $0xFA0, s24;
	v47 =	vadd.s32 @!p0 $0x140, v43;
	v45 =	vld.idx.msk @!p0 [tilespmem:v49+s26+$0x0], $0xffff  }
0x183: {  	v49 =	vadd.s32 @!p0 s28, v41;
	_ =	sdelay $0x3  }
0x184: {  	[tilespmem:v47+s25+$0x0] =	vst.idx.msk @!p0 $0xffff, v45  }
0x185: {  	s28 =	sadd.s32 @!p0 $0x12C0, s24;
	v47 =	vadd.s32 @!p0 $0x190, v43;
	v45 =	vld.idx.msk @!p0 [tilespmem:v49+s26+$0x0], $0xffff  }
0x186: {  	v49 =	vadd.s32 @!p0 s28, v41;
	_ =	sdelay $0x3  }
0x187: {  	[tilespmem:v47+s25+$0x0] =	vst.idx.msk @!p0 $0xffff, v45  }
0x188: {  	s28 =	sadd.s32 @!p0 $0x15E0, s24;
	v47 =	vadd.s32 @!p0 $0x1E0, v43;
	v45 =	vld.idx.msk @!p0 [tilespmem:v49+s26+$0x0], $0xffff  }
0x189: {  	v49 =	vadd.s32 @!p0 s28, v41;
	_ =	sdelay $0x3  }
0x18a: {  	[tilespmem:v47+s25+$0x0] =	vst.idx.msk @!p0 $0xffff, v45  }
0x18b: {  	s28 =	sadd.s32 @!p0 $0x1, s24;
	v47 =	vadd.s32 @!p0 $0x230, v43;
	v45 =	vld.idx.msk @!p0 [tilespmem:v49+s26+$0x0], $0xffff  }
0x18c: {  	v49 =	vadd.s32 @!p0 s28, v41;
	_ =	sdelay $0x3  }
0x18d: {  	[tilespmem:v47+s25+$0x0] =	vst.idx.msk @!p0 $0xffff, v45  }
0x18e: {  	s28 =	sadd.s32 @!p0 $0x321, s24;
	v47 =	vadd.s32 @!p0 $0x1, v43;
	v45 =	vld.idx.msk @!p0 [tilespmem:v49+s26+$0x0], $0xffff  }
0x18f: {  	v49 =	vadd.s32 @!p0 s28, v41;
	_ =	sdelay $0x3  }
0x190: {  	[tilespmem:v47+s25+$0x0] =	vst.idx.msk @!p0 $0xffff, v45  }
0x191: {  	s28 =	sadd.s32 @!p0 $0x641, s24;
	v47 =	vadd.s32 @!p0 $0x51, v43;
	v45 =	vld.idx.msk @!p0 [tilespmem:v49+s26+$0x0], $0xffff  }
0x192: {  	v49 =	vadd.s32 @!p0 s28, v41;
	_ =	sdelay $0x3  }
0x193: {  	[tilespmem:v47+s25+$0x0] =	vst.idx.msk @!p0 $0xffff, v45  }
0x194: {  	s28 =	sadd.s32 @!p0 $0x961, s24;
	v47 =	vadd.s32 @!p0 $0xA1, v43;
	v45 =	vld.idx.msk @!p0 [tilespmem:v49+s26+$0x0], $0xffff  }
0x195: {  	v49 =	vadd.s32 @!p0 s28, v41;
	_ =	sdelay $0x3  }
0x196: {  	[tilespmem:v47+s25+$0x0] =	vst.idx.msk @!p0 $0xffff, v45  }
0x197: {  	s28 =	sadd.s32 @!p0 $0xC81, s24;
	v47 =	vadd.s32 @!p0 $0xF1, v43;
	v45 =	vld.idx.msk @!p0 [tilespmem:v49+s26+$0x0], $0xffff  }
0x198: {  	v49 =	vadd.s32 @!p0 s28, v41;
	_ =	sdelay $0x3  }
0x199: {  	[tilespmem:v47+s25+$0x0] =	vst.idx.msk @!p0 $0xffff, v45  }
0x19a: {  	s28 =	sadd.s32 @!p0 $0xFA1, s24;
	v47 =	vadd.s32 @!p0 $0x141, v43;
	v45 =	vld.idx.msk @!p0 [tilespmem:v49+s26+$0x0], $0xffff  }
0x19b: {  	v49 =	vadd.s32 @!p0 s28, v41;
	_ =	sdelay $0x3  }
0x19c: {  	[tilespmem:v47+s25+$0x0] =	vst.idx.msk @!p0 $0xffff, v45  }
0x19d: {  	s28 =	sadd.s32 @!p0 $0x12C1, s24;
	v47 =	vadd.s32 @!p0 $0x191, v43;
	v45 =	vld.idx.msk @!p0 [tilespmem:v49+s26+$0x0], $0xffff  }
0x19e: {  	v49 =	vadd.s32 @!p0 s28, v41;
	_ =	sdelay $0x3  }
0x19f: {  	[tilespmem:v47+s25+$0x0] =	vst.idx.msk @!p0 $0xffff, v45  }
0x1a0: {  	s28 =	sadd.s32 @!p0 $0x15E1, s24;
	v47 =	vadd.s32 @!p0 $0x1E1, v43;
	v45 =	vld.idx.msk @!p0 [tilespmem:v49+s26+$0x0], $0xffff  }
0x1a1: {  	v49 =	vadd.s32 @!p0 s28, v41;
	_ =	sdelay $0x3  }
0x1a2: {  	[tilespmem:v47+s25+$0x0] =	vst.idx.msk @!p0 $0xffff, v45  }
0x1a3: {  	s28 =	sadd.s32 @!p0 $0x2, s24;
	v47 =	vadd.s32 @!p0 $0x231, v43;
	v45 =	vld.idx.msk @!p0 [tilespmem:v49+s26+$0x0], $0xffff  }
0x1a4: {  	v49 =	vadd.s32 @!p0 s28, v41;
	_ =	sdelay $0x3  }
0x1a5: {  	[tilespmem:v47+s25+$0x0] =	vst.idx.msk @!p0 $0xffff, v45  }
0x1a6: {  	s28 =	sadd.s32 @!p0 $0x322, s24;
	v47 =	vadd.s32 @!p0 $0x2, v43;
	v45 =	vld.idx.msk @!p0 [tilespmem:v49+s26+$0x0], $0xffff  }
0x1a7: {  	v49 =	vadd.s32 @!p0 s28, v41;
	_ =	sdelay $0x3  }
0x1a8: {  	[tilespmem:v47+s25+$0x0] =	vst.idx.msk @!p0 $0xffff, v45  }
0x1a9: {  	s28 =	sadd.s32 @!p0 $0x642, s24;
	v47 =	vadd.s32 @!p0 $0x52, v43;
	v45 =	vld.idx.msk @!p0 [tilespmem:v49+s26+$0x0], $0xffff  }
0x1aa: {  	v49 =	vadd.s32 @!p0 s28, v41;
	_ =	sdelay $0x3  }
0x1ab: {  	[tilespmem:v47+s25+$0x0] =	vst.idx.msk @!p0 $0xffff, v45  }
0x1ac: {  	s28 =	sadd.s32 @!p0 $0x962, s24;
	v47 =	vadd.s32 @!p0 $0xA2, v43;
	v45 =	vld.idx.msk @!p0 [tilespmem:v49+s26+$0x0], $0xffff  }
0x1ad: {  	v49 =	vadd.s32 @!p0 s28, v41;
	_ =	sdelay $0x3  }
0x1ae: {  	[tilespmem:v47+s25+$0x0] =	vst.idx.msk @!p0 $0xffff, v45  }
0x1af: {  	s28 =	sadd.s32 @!p0 $0xC82, s24;
	v47 =	vadd.s32 @!p0 $0xF2, v43;
	v45 =	vld.idx.msk @!p0 [tilespmem:v49+s26+$0x0], $0xffff  }
0x1b0: {  	v49 =	vadd.s32 @!p0 s28, v41;
	_ =	sdelay $0x3  }
0x1b1: {  	[tilespmem:v47+s25+$0x0] =	vst.idx.msk @!p0 $0xffff, v45  }
0x1b2: {  	s28 =	sadd.s32 @!p0 $0xFA2, s24;
	v47 =	vadd.s32 @!p0 $0x142, v43;
	v45 =	vld.idx.msk @!p0 [tilespmem:v49+s26+$0x0], $0xffff  }
0x1b3: {  	v49 =	vadd.s32 @!p0 s28, v41;
	_ =	sdelay $0x3  }
0x1b4: {  	[tilespmem:v47+s25+$0x0] =	vst.idx.msk @!p0 $0xffff, v45  }
0x1b5: {  	s28 =	sadd.s32 @!p0 $0x12C2, s24;
	v47 =	vadd.s32 @!p0 $0x192, v43;
	v45 =	vld.idx.msk @!p0 [tilespmem:v49+s26+$0x0], $0xffff  }
0x1b6: {  	v49 =	vadd.s32 @!p0 s28, v41;
	_ =	sdelay $0x3  }
0x1b7: {  	[tilespmem:v47+s25+$0x0] =	vst.idx.msk @!p0 $0xffff, v45  }
0x1b8: {  	s28 =	sadd.s32 @!p0 $0x15E2, s24;
	v47 =	vadd.s32 @!p0 $0x1E2, v43;
	v45 =	vld.idx.msk @!p0 [tilespmem:v49+s26+$0x0], $0xffff  }
0x1b9: {  	v49 =	vadd.s32 @!p0 s28, v41;
	_ =	sdelay $0x3  }
0x1ba: {  	[tilespmem:v47+s25+$0x0] =	vst.idx.msk @!p0 $0xffff, v45  }
0x1bb: {  	s28 =	sadd.s32 @!p0 $0x3, s24;
	v47 =	vadd.s32 @!p0 $0x232, v43;
	v45 =	vld.idx.msk @!p0 [tilespmem:v49+s26+$0x0], $0xffff  }
0x1bc: {  	v49 =	vadd.s32 @!p0 s28, v41;
	_ =	sdelay $0x3  }
0x1bd: {  	[tilespmem:v47+s25+$0x0] =	vst.idx.msk @!p0 $0xffff, v45  }
0x1be: {  	s28 =	sadd.s32 @!p0 $0x323, s24;
	v47 =	vadd.s32 @!p0 $0x3, v43;
	v45 =	vld.idx.msk @!p0 [tilespmem:v49+s26+$0x0], $0xffff  }
0x1bf: {  	v49 =	vadd.s32 @!p0 s28, v41;
	_ =	sdelay $0x3  }
0x1c0: {  	[tilespmem:v47+s25+$0x0] =	vst.idx.msk @!p0 $0xffff, v45  }
0x1c1: {  	s28 =	sadd.s32 @!p0 $0x643, s24;
	v47 =	vadd.s32 @!p0 $0x53, v43;
	v45 =	vld.idx.msk @!p0 [tilespmem:v49+s26+$0x0], $0xffff  }
0x1c2: {  	v49 =	vadd.s32 @!p0 s28, v41;
	_ =	sdelay $0x3  }
0x1c3: {  	[tilespmem:v47+s25+$0x0] =	vst.idx.msk @!p0 $0xffff, v45  }
0x1c4: {  	s28 =	sadd.s32 @!p0 $0x963, s24;
	v47 =	vadd.s32 @!p0 $0xA3, v43;
	v45 =	vld.idx.msk @!p0 [tilespmem:v49+s26+$0x0], $0xffff  }
0x1c5: {  	v49 =	vadd.s32 @!p0 s28, v41;
	_ =	sdelay $0x3  }
0x1c6: {  	[tilespmem:v47+s25+$0x0] =	vst.idx.msk @!p0 $0xffff, v45  }
0x1c7: {  	s28 =	sadd.s32 @!p0 $0xC83, s24;
	v47 =	vadd.s32 @!p0 $0xF3, v43;
	v45 =	vld.idx.msk @!p0 [tilespmem:v49+s26+$0x0], $0xffff  }
0x1c8: {  	v49 =	vadd.s32 @!p0 s28, v41;
	_ =	sdelay $0x3  }
0x1c9: {  	[tilespmem:v47+s25+$0x0] =	vst.idx.msk @!p0 $0xffff, v45  }
0x1ca: {  	s28 =	sadd.s32 @!p0 $0xFA3, s24;
	v47 =	vadd.s32 @!p0 $0x143, v43;
	v45 =	vld.idx.msk @!p0 [tilespmem:v49+s26+$0x0], $0xffff  }
0x1cb: {  	v49 =	vadd.s32 @!p0 s28, v41;
	_ =	sdelay $0x3  }
0x1cc: {  	[tilespmem:v47+s25+$0x0] =	vst.idx.msk @!p0 $0xffff, v45  }
0x1cd: {  	s28 =	sadd.s32 @!p0 $0x12C3, s24;
	v47 =	vadd.s32 @!p0 $0x193, v43;
	v45 =	vld.idx.msk @!p0 [tilespmem:v49+s26+$0x0], $0xffff  }
0x1ce: {  	v49 =	vadd.s32 @!p0 s28, v41;
	_ =	sdelay $0x3  }
0x1cf: {  	[tilespmem:v47+s25+$0x0] =	vst.idx.msk @!p0 $0xffff, v45  }
0x1d0: {  	s28 =	sadd.s32 @!p0 $0x15E3, s24;
	v47 =	vadd.s32 @!p0 $0x1E3, v43;
	v45 =	vld.idx.msk @!p0 [tilespmem:v49+s26+$0x0], $0xffff  }
0x1d1: {  	v49 =	vadd.s32 @!p0 s28, v41;
	_ =	sdelay $0x3  }
0x1d2: {  	[tilespmem:v47+s25+$0x0] =	vst.idx.msk @!p0 $0xffff, v45  }
0x1d3: {  	s28 =	sadd.s32 @!p0 $0x4, s24;
	v47 =	vadd.s32 @!p0 $0x233, v43;
	v45 =	vld.idx.msk @!p0 [tilespmem:v49+s26+$0x0], $0xffff  }
0x1d4: {  	v49 =	vadd.s32 @!p0 s28, v41;
	_ =	sdelay $0x3  }
0x1d5: {  	[tilespmem:v47+s25+$0x0] =	vst.idx.msk @!p0 $0xffff, v45  }
0x1d6: {  	s28 =	sadd.s32 @!p0 $0x324, s24;
	v47 =	vadd.s32 @!p0 $0x4, v43;
	v45 =	vld.idx.msk @!p0 [tilespmem:v49+s26+$0x0], $0xffff  }
0x1d7: {  	v49 =	vadd.s32 @!p0 s28, v41;
	_ =	sdelay $0x3  }
0x1d8: {  	[tilespmem:v47+s25+$0x0] =	vst.idx.msk @!p0 $0xffff, v45  }
0x1d9: {  	s28 =	sadd.s32 @!p0 $0x644, s24;
	v47 =	vadd.s32 @!p0 $0x54, v43;
	v45 =	vld.idx.msk @!p0 [tilespmem:v49+s26+$0x0], $0xffff  }
0x1da: {  	v49 =	vadd.s32 @!p0 s28, v41;
	_ =	sdelay $0x3  }
0x1db: {  	[tilespmem:v47+s25+$0x0] =	vst.idx.msk @!p0 $0xffff, v45  }
0x1dc: {  	s28 =	sadd.s32 @!p0 $0x964, s24;
	v47 =	vadd.s32 @!p0 $0xA4, v43;
	v45 =	vld.idx.msk @!p0 [tilespmem:v49+s26+$0x0], $0xffff  }
0x1dd: {  	v49 =	vadd.s32 @!p0 s28, v41;
	_ =	sdelay $0x3  }
0x1de: {  	[tilespmem:v47+s25+$0x0] =	vst.idx.msk @!p0 $0xffff, v45  }
0x1df: {  	s28 =	sadd.s32 @!p0 $0xC84, s24;
	v47 =	vadd.s32 @!p0 $0xF4, v43;
	v45 =	vld.idx.msk @!p0 [tilespmem:v49+s26+$0x0], $0xffff  }
0x1e0: {  	v49 =	vadd.s32 @!p0 s28, v41;
	_ =	sdelay $0x3  }
0x1e1: {  	[tilespmem:v47+s25+$0x0] =	vst.idx.msk @!p0 $0xffff, v45  }
0x1e2: {  	s28 =	sadd.s32 @!p0 $0xFA4, s24;
	v47 =	vadd.s32 @!p0 $0x144, v43;
	v45 =	vld.idx.msk @!p0 [tilespmem:v49+s26+$0x0], $0xffff  }
0x1e3: {  	v49 =	vadd.s32 @!p0 s28, v41;
	_ =	sdelay $0x3  }
0x1e4: {  	[tilespmem:v47+s25+$0x0] =	vst.idx.msk @!p0 $0xffff, v45  }
0x1e5: {  	s28 =	sadd.s32 @!p0 $0x12C4, s24;
	v47 =	vadd.s32 @!p0 $0x194, v43;
	v45 =	vld.idx.msk @!p0 [tilespmem:v49+s26+$0x0], $0xffff  }
0x1e6: {  	v49 =	vadd.s32 @!p0 s28, v41;
	_ =	sdelay $0x3  }
0x1e7: {  	[tilespmem:v47+s25+$0x0] =	vst.idx.msk @!p0 $0xffff, v45  }
0x1e8: {  	s24 =	sadd.s32 @!p0 $0x15E4, s24;
	v47 =	vadd.s32 @!p0 $0x1E4, v43;
	v45 =	vld.idx.msk @!p0 [tilespmem:v49+s26+$0x0], $0xffff  }
0x1e9: {  	v41 =	vadd.s32 @!p0 s24, v41;
	_ =	sdelay $0x3  }
0x1ea: {  	[tilespmem:v47+s25+$0x0] =	vst.idx.msk @!p0 $0xffff, v45  }
0x1eb: {  	v43 =	vadd.s32 @!p0 $0x234, v43;
	v41 =	vld.idx.msk @!p0 [tilespmem:v41+s26+$0x0], $0xffff;
	_ =	sdelay $0x4  }
0x1ec: {  	p1 =	seq.s32 @!p0 s21, $0x0;
	s24 =	simm.s32 @!p0 $0x280;
	s26 =	simm.s32 @!p0 $0x6900;
	[tilespmem:v43+s25+$0x0] =	vst.idx.msk @!p0 $0xffff, v41  }
0x1ed: {  	[tilespmem:s26], [sflag:$0x1] =	stream.indirect.gather @!p0 [hbm4b:s4+s24], $0x20, s25, s24, $0xb8;
	[tilespmem:$0x1B300] =	vst v63  }
0x1ee: {  	p0 =	por p0, !p1  }
0x1ef: {  	s30 =	simm.s32 $0x0;
	_ =	swait.ge @p0 [sflag:s19], $0x5000  }
0x1f0: {  	v47 =	vmov s30;
	[sflag:s19] =	ssyncset.done @p0 $0x0  }
0x1f1: {  	v43 =	vand.u32 $0x7F, v47;
	s24 =	simm.s32 $0xB950;
	[sflag:s19] =	ssyncadd.s32 @p0 $0xFFFFB000  }
0x1f2: {  	v49 =	vadd.s32 v21, v43;
	v41 =	vld [tilespmem:s24+$0xFFFFFFB0];
	_ =	sdelay $0x4  }
0x1f3: {  	[tilespmem:v49+s17+$0x0] =	vst.idx.msk $0xffff, v41  }
0x1f4: {  	v49 =	vadd.s32 v23, v43;
	v41 =	vld [tilespmem:s24+$0xFFFFFFC0];
	_ =	sdelay $0x4  }
0x1f5: {  	[tilespmem:v49+s17+$0x0] =	vst.idx.msk $0xffff, v41  }
0x1f6: {  	v49 =	vadd.s32 v25, v43;
	v41 =	vld [tilespmem:s24+$0xFFFFFFD0];
	_ =	sdelay $0x4  }
0x1f7: {  	[tilespmem:v49+s17+$0x0] =	vst.idx.msk $0xffff, v41  }
0x1f8: {  	v49 =	vadd.s32 v27, v43;
	v41 =	vld [tilespmem:s24+$0xFFFFFFE0];
	_ =	sdelay $0x4  }
0x1f9: {  	[tilespmem:v49+s17+$0x0] =	vst.idx.msk $0xffff, v41  }
0x1fa: {  	v49 =	vadd.s32 v29, v43;
	v41 =	vld [tilespmem:s24+$0xFFFFFFF0];
	_ =	sdelay $0x4  }
0x1fb: {  	[tilespmem:v49+s17+$0x0] =	vst.idx.msk $0xffff, v41  }
0x1fc: {  	v49 =	vadd.s32 v31, v43;
	v41 =	vld [tilespmem:s24+$0x0];
	_ =	sdelay $0x4  }
0x1fd: {  	[tilespmem:v49+s17+$0x0] =	vst.idx.msk $0xffff, v41  }
0x1fe: {  	v49 =	vadd.s32 v33, v43;
	v41 =	vld [tilespmem:s24+$0x10];
	_ =	sdelay $0x4  }
0x1ff: {  	[tilespmem:v49+s17+$0x0] =	vst.idx.msk $0xffff, v41  }
0x200: {  	v49 =	vadd.s32 v35, v43;
	v41 =	vld [tilespmem:s24+$0x20];
	_ =	sdelay $0x4  }
0x201: {  	[tilespmem:v49+s17+$0x0] =	vst.idx.msk $0xffff, v41  }
0x202: {  	v49 =	vadd.s32 v37, v43;
	v41 =	vld [tilespmem:s24+$0x30];
	_ =	sdelay $0x4  }
0x203: {  	[tilespmem:v49+s17+$0x0] =	vst.idx.msk $0xffff, v41  }
0x204: {  	v43 =	vadd.s32 v39, v43;
	v41 =	vld [tilespmem:s24+$0x40];
	_ =	sdelay $0x2  }
0x205: {  	s31 =	simm.s32 $0x1  }
0x206: {  	v45 =	vmov s31;
	s25 =	simm.s32 $0x2  }
.LBB2_7:
0x207: {  	p0 =	sne.s32 s25, $0x7F;
	v45 =	vand.u32 $0x7F, v45;
	[tilespmem:v43+s17+$0x0] =	vst.idx.msk $0xffff, v41;
	s24 =	sadd.s32 $0xA0, s24  }
0x208: {  	v41 =	vld [tilespmem:s24+$0xFFFFFFB0];
	v43 =	vadd.s32 v21, v45;
	_ =	sdelay $0x4  }
0x209: {  	[tilespmem:v43+s17+$0x0] =	vst.idx.msk $0xffff, v41  }
0x20a: {  	v43 =	vadd.s32 v23, v45;
	v41 =	vld [tilespmem:s24+$0xFFFFFFC0];
	_ =	sdelay $0x4  }
0x20b: {  	[tilespmem:v43+s17+$0x0] =	vst.idx.msk $0xffff, v41  }
0x20c: {  	v43 =	vadd.s32 v25, v45;
	v41 =	vld [tilespmem:s24+$0xFFFFFFD0];
	_ =	sdelay $0x4  }
0x20d: {  	[tilespmem:v43+s17+$0x0] =	vst.idx.msk $0xffff, v41  }
0x20e: {  	v43 =	vadd.s32 v27, v45;
	v41 =	vld [tilespmem:s24+$0xFFFFFFE0];
	_ =	sdelay $0x4  }
0x20f: {  	[tilespmem:v43+s17+$0x0] =	vst.idx.msk $0xffff, v41  }
0x210: {  	v43 =	vadd.s32 v29, v45;
	v41 =	vld [tilespmem:s24+$0xFFFFFFF0];
	_ =	sdelay $0x4  }
0x211: {  	[tilespmem:v43+s17+$0x0] =	vst.idx.msk $0xffff, v41  }
0x212: {  	v43 =	vadd.s32 v31, v45;
	v41 =	vld [tilespmem:s24+$0x0];
	_ =	sdelay $0x4  }
0x213: {  	[tilespmem:v43+s17+$0x0] =	vst.idx.msk $0xffff, v41  }
0x214: {  	v43 =	vadd.s32 v33, v45;
	v41 =	vld [tilespmem:s24+$0x10];
	_ =	sdelay $0x4  }
0x215: {  	[tilespmem:v43+s17+$0x0] =	vst.idx.msk $0xffff, v41  }
0x216: {  	v43 =	vadd.s32 v35, v45;
	v41 =	vld [tilespmem:s24+$0x20];
	_ =	sdelay $0x4  }
0x217: {  	[tilespmem:v43+s17+$0x0] =	vst.idx.msk $0xffff, v41  }
0x218: {  	v43 =	vadd.s32 v37, v45;
	v41 =	vld [tilespmem:s24+$0x30];
	_ =	sdelay $0x4  }
0x219: {  	[tilespmem:v43+s17+$0x0] =	vst.idx.msk $0xffff, v41  }
.Ltmp2:
0x21a: {  	v43 =	vadd.s32 v39, v45;
	v41 =	vld [tilespmem:s24+$0x40];
	(pc) =	sbr.rel @p0 .LBB2_7-.Ltmp2, $2  }
0x21b: {  	_ =	sdelay $0x2  }
0x21c: {  	v45 =	vmov s25;
	s25 =	sadd.s32 $0x1, s25  }
0x21d: {  	_ =	sdelay $0x3  }
0x21e: {  	v45 =	vand.u32 $0x7F, v45;
	[tilespmem:v43+s17+$0x0] =	vst.idx.msk $0xffff, v41;
	s24 =	sadd.s32 $0xA0, s24  }
0x21f: {  	v41 =	vld [tilespmem:s24+$0xFFFFFFB0];
	v21 =	vadd.s32 v21, v45;
	_ =	sdelay $0x4  }
0x220: {  	[tilespmem:v21+s17+$0x0] =	vst.idx.msk $0xffff, v41  }
0x221: {  	v23 =	vadd.s32 v23, v45;
	v21 =	vld [tilespmem:s24+$0xFFFFFFC0];
	_ =	sdelay $0x4  }
0x222: {  	[tilespmem:v23+s17+$0x0] =	vst.idx.msk $0xffff, v21  }
0x223: {  	v23 =	vadd.s32 v25, v45;
	v21 =	vld [tilespmem:s24+$0xFFFFFFD0];
	_ =	sdelay $0x4  }
0x224: {  	[tilespmem:v23+s17+$0x0] =	vst.idx.msk $0xffff, v21  }
0x225: {  	v23 =	vadd.s32 v27, v45;
	v21 =	vld [tilespmem:s24+$0xFFFFFFE0];
	_ =	sdelay $0x4  }
0x226: {  	[tilespmem:v23+s17+$0x0] =	vst.idx.msk $0xffff, v21  }
0x227: {  	v23 =	vadd.s32 v29, v45;
	v21 =	vld [tilespmem:s24+$0xFFFFFFF0];
	_ =	sdelay $0x4  }
0x228: {  	[tilespmem:v23+s17+$0x0] =	vst.idx.msk $0xffff, v21  }
0x229: {  	v23 =	vadd.s32 v31, v45;
	v21 =	vld [tilespmem:s24+$0x0];
	_ =	sdelay $0x4  }
0x22a: {  	[tilespmem:v23+s17+$0x0] =	vst.idx.msk $0xffff, v21  }
0x22b: {  	v23 =	vadd.s32 v33, v45;
	v21 =	vld [tilespmem:s24+$0x10];
	_ =	sdelay $0x4  }
0x22c: {  	[tilespmem:v23+s17+$0x0] =	vst.idx.msk $0xffff, v21  }
0x22d: {  	v23 =	vadd.s32 v35, v45;
	v21 =	vld [tilespmem:s24+$0x20];
	_ =	sdelay $0x4  }
0x22e: {  	[tilespmem:v23+s17+$0x0] =	vst.idx.msk $0xffff, v21  }
0x22f: {  	v23 =	vadd.s32 v37, v45;
	v21 =	vld [tilespmem:s24+$0x30];
	_ =	sdelay $0x4  }
0x230: {  	[tilespmem:v23+s17+$0x0] =	vst.idx.msk $0xffff, v21  }
0x231: {  	v23 =	vadd.s32 v39, v45;
	v21 =	vld [tilespmem:s24+$0x40]  }
0x232: {  	s22 =	sor.u32 s6, s22  }
0x233: {  	s22 =	sshll.u32 s22, $0xA  }
0x234: {  	s22 =	sor.u32 s23, s22  }
0x235: {  	s22 =	sshrl.u32 s22, $0x3  }
0x236: {  	s23 =	sadd.s32 s2, s22;
	s24 =	simm.s32 $0x15E00;
	[tilespmem:v23+s17+$0x0] =	vst.idx.msk $0xffff, v21  }
0x237: {  	[hbm4b:s23+s3] =	stream.linear.scatter [tilespmem:s24], [sflag:$0x4], $0x80, $0x38;
	[tilespmem:$0x1B300] =	vst v63  }
0x238: {  	s25 =	simm.s32 $0x15E88;
	s26 =	sadd.s32 $0x10, s23  }
0x239: {  	[hbm4b:s26+s3] =	stream.linear.scatter [tilespmem:s25], [sflag:$0x4], $0x80, $0x38;
	[tilespmem:$0x1B300] =	vst v63  }
0x23a: {  	s28 =	simm.s32 $0x15F10;
	s30 =	simm.s32 $0x15F98;
	s29 =	sadd.s32 $0x20, s23  }
0x23b: {  	[hbm4b:s29+s3] =	stream.linear.scatter [tilespmem:s28], [sflag:$0x4], $0x80, $0x38;
	[tilespmem:$0x1B300] =	vst v63  }
0x23c: {  	s22 =	simm.s32 $0x440;
	s31 =	sadd.s32 $0x30, s23;
	s24 =	simm.s32 $0x2200  }
0x23d: {  	[hbm4b:s31+s3] =	stream.linear.scatter [tilespmem:s30], [sflag:$0x4], $0x80, $0x38;
	[tilespmem:$0x1B300] =	vst v63  }
0x23e: {  	s25 =	simm.s32 $0x16020;
	s26 =	sadd.s32 $0x40, s23;
	s28 =	simm.s32 $0x160A8  }
0x23f: {  	[hbm4b:s26+s3] =	stream.linear.scatter [tilespmem:s25], [sflag:$0x4], $0x80, $0x38;
	[tilespmem:$0x1B300] =	vst v63  }
0x240: {  	s29 =	sadd.s32 $0x50, s23;
	s30 =	simm.s32 $0x16130;
	s31 =	sadd.s32 $0x60, s23  }
0x241: {  	[hbm4b:s29+s3] =	stream.linear.scatter [tilespmem:s28], [sflag:$0x4], $0x80, $0x38;
	[tilespmem:$0x1B300] =	vst v63  }
0x242: {  	s25 =	simm.s32 $0x161B8;
	s26 =	sadd.s32 $0x70, s23;
	s23 =	sadd.s32 $0x4000, s23  }
0x243: {  	[hbm4b:s31+s3] =	stream.linear.scatter [tilespmem:s30], [sflag:$0x4], $0x80, $0x38;
	[tilespmem:$0x1B300] =	vst v63  }
.LBB2_9:
0x244: {  	[hbm4b:s26+s3] =	stream.linear.scatter [tilespmem:s25], [sflag:$0x4], $0x80, $0x38;
	[tilespmem:$0x1B300] =	vst v63  }
0x245: {  	s25 =	smov.u32 s22;
	s22 =	smov.u32 s24  }
0x246: {  	s28 =	sadd.s32 $0x1100, s24;
	s22 =	sshra.s32 s22, $0x2;
	s26 =	sadd.s32 $0x15E00, s25  }
0x247: {  	[hbm4b:s23+s3] =	stream.linear.scatter [tilespmem:s26], [sflag:$0x4], $0x80, $0x38;
	[tilespmem:$0x1B300] =	vst v63  }
0x248: {  	p0 =	sne.s32 s24, $0x14300;
	s24 =	sadd.s32 $0x15E88, s25;
	s26 =	sadd.s32 $0x10, s23  }
0x249: {  	[hbm4b:s26+s3] =	stream.linear.scatter [tilespmem:s24], [sflag:$0x4], $0x80, $0x38;
	[tilespmem:$0x1B300] =	vst v63  }
0x24a: {  	s24 =	sadd.s32 $0x15F10, s25;
	s26 =	sadd.s32 $0x20, s23  }
0x24b: {  	[hbm4b:s26+s3] =	stream.linear.scatter [tilespmem:s24], [sflag:$0x4], $0x80, $0x38;
	[tilespmem:$0x1B300] =	vst v63  }
0x24c: {  	s24 =	sadd.s32 $0x15F98, s25;
	s26 =	sadd.s32 $0x30, s23  }
0x24d: {  	[hbm4b:s26+s3] =	stream.linear.scatter [tilespmem:s24], [sflag:$0x4], $0x80, $0x38;
	[tilespmem:$0x1B300] =	vst v63  }
0x24e: {  	s24 =	sadd.s32 $0x16020, s25;
	s26 =	sadd.s32 $0x40, s23  }
0x24f: {  	[hbm4b:s26+s3] =	stream.linear.scatter [tilespmem:s24], [sflag:$0x4], $0x80, $0x38;
	[tilespmem:$0x1B300] =	vst v63  }
.Ltmp3:
0x250: {  	s24 =	sadd.s32 $0x160A8, s25;
	s26 =	sadd.s32 $0x50, s23;
	(pc) =	sbr.rel @p0 .LBB2_9-.Ltmp3, $4  }
0x251: {  	[hbm4b:s26+s3] =	stream.linear.scatter [tilespmem:s24], [sflag:$0x4], $0x80, $0x38;
	[tilespmem:$0x1B300] =	vst v63  }
0x252: {  	s24 =	sadd.s32 $0x16130, s25;
	s26 =	sadd.s32 $0x60, s23;
	s25 =	sadd.s32 $0x161B8, s25  }
0x253: {  	[hbm4b:s26+s3] =	stream.linear.scatter [tilespmem:s24], [sflag:$0x4], $0x80, $0x38;
	[tilespmem:$0x1B300] =	vst v63  }
0x254: {  	s26 =	sadd.s32 $0x70, s23;
	s23 =	sadd.s32 $0x4000, s23;
	s24 =	smov.u32 s28  }
0x255: {  	[hbm4b:s26+s3] =	stream.linear.scatter [tilespmem:s25], [sflag:$0x4], $0x80, $0x38;
	[tilespmem:$0x1B300] =	vst v63  }
0x256: {  	s24 =	sadd.s32 $0x15E00, s22  }
0x257: {  	[hbm4b:s23+s3] =	stream.linear.scatter [tilespmem:s24], [sflag:$0x4], $0x80, $0x38;
	[tilespmem:$0x1B300] =	vst v63  }
0x258: {  	s30 =	sadd.s32 $0x15E88, s22;
	s31 =	sadd.s32 $0x10, s23  }
0x259: {  	[hbm4b:s31+s3] =	stream.linear.scatter [tilespmem:s30], [sflag:$0x4], $0x80, $0x38;
	[tilespmem:$0x1B300] =	vst v63  }
0x25a: {  	s25 =	sadd.s32 $0x15F10, s22;
	s26 =	sadd.s32 $0x20, s23  }
0x25b: {  	[hbm4b:s26+s3] =	stream.linear.scatter [tilespmem:s25], [sflag:$0x4], $0x80, $0x38;
	[tilespmem:$0x1B300] =	vst v63  }
0x25c: {  	s28 =	sadd.s32 $0x15F98, s22;
	s29 =	sadd.s32 $0x30, s23  }
0x25d: {  	[hbm4b:s29+s3] =	stream.linear.scatter [tilespmem:s28], [sflag:$0x4], $0x80, $0x38;
	[tilespmem:$0x1B300] =	vst v63  }
0x25e: {  	s21 =	sadd.s32 $0x1, s21;
	s30 =	sadd.s32 $0x16020, s22;
	s31 =	sadd.s32 $0x40, s23  }
0x25f: {  	[hbm4b:s31+s3] =	stream.linear.scatter [tilespmem:s30], [sflag:$0x4], $0x80, $0x38;
	[tilespmem:$0x1B300] =	vst v63  }
0x260: {  	p0 =	sne.s32 s21, $0x14;
	s25 =	sadd.s32 $0x160A8, s22;
	s26 =	sadd.s32 $0x50, s23  }
0x261: {  	[hbm4b:s26+s3] =	stream.linear.scatter [tilespmem:s25], [sflag:$0x4], $0x80, $0x38;
	[tilespmem:$0x1B300] =	vst v63  }
.Ltmp4:
0x262: {  	_ = 	snop;
	(pc) =	sbr.rel @p0 .LBB2_2-.Ltmp4, $4  }
0x263: {  	s28 =	sadd.s32 $0x16130, s22;
	s29 =	sadd.s32 $0x60, s23  }
0x264: {  	[hbm4b:s29+s3] =	stream.linear.scatter [tilespmem:s28], [sflag:$0x4], $0x80, $0x38;
	[tilespmem:$0x1B300] =	vst v63  }
0x265: {  	s30 =	sadd.s32 $0x161B8, s22;
	s31 =	sadd.s32 $0x70, s23  }
0x266: {  	[hbm4b:s31+s3] =	stream.linear.scatter [tilespmem:s30], [sflag:$0x4], $0x80, $0x38;
	[tilespmem:$0x1B300] =	vst v63  }
0x267: {  	s20 =	sadd.s32 $0x1, s20  }
0x268: {  	_ =	swait.ge [sflag:s18], $0x5000;
	p0 =	sne.s32 s20, s7  }
.Ltmp5:
0x269: {  	[sflag:s18] =	ssyncset.done $0x0;
	(pc) =	sbr.rel @p0 .LBB2_1-.Ltmp5, $4  }
0x26a: {  	[sflag:s18] =	ssyncadd.s32 $0xFFFFB000  }
0x26b: {  	_ =	swait.ge [sflag:s19], $0x5000  }
0x26c: {  	[sflag:s19] =	ssyncset.done $0x0  }
0x26d: {  	[sflag:s19] =	ssyncadd.s32 $0xFFFFB000  }
0x26e: {  	_ =	sfence.sel $0x180000  }
0x26f: {  	[bflag:$0x0] =	sbarrier.arrive $0xFFFF  }
0x270: {  	p0 =	sne.s32 s0, $0x0;
	_ =	strace $0x90000047  }
0x271: {  	s0 =	sadd.s32 @!p0 $0x100000, s1;
	[bflag:$0x2] =	sbarrier.arrive $0xFFFF  }
0x272: {  	[sflag:s0] =	ssyncadd.tile.s32 @!p0 $0x1;
	_ =	shalt  }
.Lfunc_end2:
_tile_overlayer_lowered:
.L_overlay_start_2:
0x273: {  	(tag) =	ssettag $0x2  }
0x274: {  	s0 =	rddreg [dreg:$0x0];
	s2 =	stileid.u32  }
0x275: {  	s1 =	rddreg [dreg:$0x1];
	p0 =	sne.s32 s2, $0x0  }
0x276: {  	s3 =	rddreg [dreg:$0x2];
	[bflag:$0x3] =	sbarrier.arrive $0xFFFF;
	s2 =	simm.s32 @!p0 $0x1C05  }
0x277: {  	[timem:s3], [sflag:s2] =	dma.local @!p0 [hbm:s0], s1  }
0x278: {  	s0 =	simm.s32 @!p0 $0x5  }
0x279: {  	_ =	swait.ge @!p0 [sflag:s0], s1  }
0x27a: {  	s1 =	ssub.s32 @!p0 $0x0, s1;
	[sflag:s0] =	ssyncset.done @!p0 $0x0  }
0x27b: {  	[sflag:s0] =	ssyncadd.s32 @!p0 s1  }
0x27c: {  	[bflag:$0x3] =	sbarrier.arrive $0xFFFF  }
0x27d: {  	_ =	shalt  }

</sc_bundles>
